<compile_context>
chip_gen: v7x
topology: tpu7x:2x2x1
jax: 0.10.2.dev20260603
libtpu: 0.0.44.dev20260713+nightly
codegen_flags: <defaults>
</compile_context>

<pallas_src>
import functools

import jax
import jax.numpy as jnp
from jax import lax
from jax.experimental import pallas as pl
from jax.experimental.pallas import tpu as pltpu
from jax.experimental.pallas import tpu_sc as plsc

N = 16384
C = 512
H = 16
K = 512
HD = C // H
NP = N // K
SCALE = 0.17677669529663687

_CHUNK = 64


@functools.lru_cache(maxsize=None)
def _make_sc_gather_rows():
    info = plsc.get_sparse_core_info()
    nc, ns = info.num_cores, info.num_subcores
    nw = nc * ns
    rows_per_w = N // nw
    nchunks = rows_per_w // _CHUNK
    mesh = plsc.VectorSubcoreMesh(core_axis_name="c", subcore_axis_name="s")

    nbuf = 3

    @functools.partial(
        pl.kernel,
        mesh=mesh,
        out_type=jax.ShapeDtypeStruct((N, C), jnp.float32),
        scratch_types=[
            pltpu.VMEM((rows_per_w,), jnp.int32),
            *[pltpu.VMEM((_CHUNK, C), jnp.float32) for _ in range(nbuf)],
            *[pltpu.SemaphoreType.DMA for _ in range(2 * nbuf)],
        ],
    )
    def _sc_gather_rows(table, idx, out, idx_v, *scratch):
        rows = scratch[:nbuf]
        gsem = scratch[nbuf:2 * nbuf]
        wsem = scratch[2 * nbuf:]
        wid = lax.axis_index("s") * nc + lax.axis_index("c")
        base = wid * rows_per_w
        pltpu.sync_copy(idx.at[pl.ds(base, rows_per_w)], idx_v)
        g_h = [None] * nbuf
        w_h = [None] * nbuf
        for c in range(nchunks + 1):
            if c < nchunks:
                b = c % nbuf
                if w_h[b] is not None:
                    w_h[b].wait()
                g_h[b] = pltpu.async_copy(
                    table.at[idx_v.at[pl.ds(c * _CHUNK, _CHUNK)]],
                    rows[b], gsem[b])
            if c >= 1:
                pb = (c - 1) % nbuf
                g_h[pb].wait()
                w_h[pb] = pltpu.async_copy(
                    rows[pb], out.at[pl.ds(base + (c - 1) * _CHUNK, _CHUNK)],
                    wsem[pb])
        for h in w_h:
            h.wait()

    return _sc_gather_rows


def _attn_body(x_ref, wqkv_ref, bqkv_ref, wproj_ref, bproj_ref, o_ref):
    x = x_ref[...].astype(jnp.bfloat16)
    xa, xb = x[:K], x[K:]
    wqkv = wqkv_ref[...]
    bqkv = bqkv_ref[...]
    wproj = wproj_ref[...]
    bproj = bproj_ref[...]
    ones_blk = jnp.ones((K, HD), dtype=jnp.bfloat16)

    def qkv_part(xp, lo):
        return (
            jnp.dot(xp, wqkv[:, lo:lo + C], preferred_element_type=jnp.float32)
            + bqkv[:, lo:lo + C]
        ).astype(jnp.bfloat16)

    def pipeline(q_all, k_all, v_all, inject):
        s_st = [None] * H
        e_st = [None] * H
        outs = [None] * H
        for t in range(H + 2):
            if t < H:
                sl = slice(t * HD, (t + 1) * HD)
                s_st[t] = lax.dot_general(
                    q_all[:, sl], k_all[:, sl], (((1,), (1,)), ((), ())),
                    preferred_element_type=jnp.float32,
                )
            if 1 <= t <= H:
                e_st[t - 1] = jnp.exp2(s_st[t - 1]).astype(jnp.bfloat16)
                s_st[t - 1] = None
            if t >= 2:
                h = t - 2
                sl = slice(h * HD, (h + 1) * HD)
                v1 = jnp.concatenate([v_all[:, sl], ones_blk], axis=1)
                ov = jnp.dot(e_st[h], v1,
                             preferred_element_type=jnp.float32)
                outs[h] = (ov[:, :HD] * (1.0 / ov[:, HD:])).astype(jnp.bfloat16)
                e_st[h] = None
            f = inject.get(t)
            if f is not None:
                f()
        return outs

    qa, ka, va = qkv_part(xa, 0), qkv_part(xa, C), qkv_part(xa, 2 * C)
    res = {}
    inj_a = {
        1: lambda: res.__setitem__('qb', qkv_part(xb, 0)),
        3: lambda: res.__setitem__('kb', qkv_part(xb, C)),
        5: lambda: res.__setitem__('vb', qkv_part(xb, 2 * C)),
    }
    outs_a = pipeline(qa, ka, va, inj_a)

    def proj_a():
        oa = jnp.concatenate(outs_a, axis=1)
        o_ref[:K, :] = (
            jnp.dot(oa, wproj, preferred_element_type=jnp.float32) + bproj
        )

    outs_b = pipeline(res['qb'], res['kb'], res['vb'], {2: proj_a})
    ob = jnp.concatenate(outs_b, axis=1)
    o_ref[K:, :] = (
        jnp.dot(ob, wproj, preferred_element_type=jnp.float32) + bproj
    )


_attn_call = pl.pallas_call(
    _attn_body,
    grid=(NP // 2,),
    in_specs=[
        pl.BlockSpec((2 * K, C), lambda p: (p, 0)),
        pl.BlockSpec((C, 3 * C), lambda p: (0, 0)),
        pl.BlockSpec((1, 3 * C), lambda p: (0, 0)),
        pl.BlockSpec((C, C), lambda p: (0, 0)),
        pl.BlockSpec((1, C), lambda p: (0, 0)),
    ],
    out_specs=pl.BlockSpec((2 * K, C), lambda p: (p, 0)),
    out_shape=jax.ShapeDtypeStruct((N, C), jnp.float32),
)


def kernel(feat, offset, serialized_order, serialized_inverse,
           W_qkv, b_qkv, W_proj, b_proj):
    order = serialized_order.reshape(N).astype(jnp.int32)
    inverse = serialized_inverse.reshape(N).astype(jnp.int32)
    s_log2e = SCALE * 1.4426950408889634
    col_scale = jnp.concatenate(
        [jnp.full((C,), s_log2e, jnp.float32), jnp.ones((2 * C,), jnp.float32)]
    )
    wqkv_bf = (W_qkv * col_scale[None, :]).astype(jnp.bfloat16)
    bqkv_scaled = (b_qkv * col_scale).reshape(1, 3 * C)
    wproj_bf = W_proj.astype(jnp.bfloat16)
    sc_gather_rows = _make_sc_gather_rows()
    feat_s = sc_gather_rows(feat, order)
    attn_out = _attn_call(
        feat_s, wqkv_bf, bqkv_scaled, wproj_bf, b_proj.reshape(1, C)
    )
    return sc_gather_rows(attn_out, inverse)

# --- scband reference (transcript-rebuilt; emitter-appended) ---
"""Pipeline reference for scband-close-serialized-attn-26551487824259 (READ-ONLY COPY).

The authoritative reference and input builder live on the scoring server;
editing this copy changes nothing except your own understanding.
"""

import jax, jax.numpy as jnp
import numpy as np

N = 16384
C = 512
H = 16
K = 512  # patch_size (all sequence lengths are multiples of K and >= K, so pad/unpad are identity)
SCALE = 0.17677669529663687  # (C // H) ** -0.5


def setup_inputs(seed: int = 0):
    key = jax.random.key(seed)
    k1, k2, k3, k4 = jax.random.split(key, 4)
    feat = jax.random.normal(k1, (N, C), dtype=jnp.float32)
    # 8 point clouds of 2048 points each -> cumulative offsets; every seqlen is a
    # multiple of patch_size K, so the torch padding logic reduces to identity.
    offset = (jnp.arange(1, 9, dtype=jnp.int32) * 2048).astype(jnp.int32)
    order = jax.random.permutation(k2, N).astype(jnp.int32).reshape(1, N)
    inverse = jnp.argsort(order[0]).astype(jnp.int32).reshape(1, N)
    # learned params (torch nn.Linear: y = x @ W.T + b; here we store W already transposed)
    W_qkv = (jax.random.normal(k3, (C, 3 * C), dtype=jnp.float32) * (1.0 / np.sqrt(C))).astype(jnp.float32)
    b_qkv = jnp.zeros((3 * C,), dtype=jnp.float32)
    W_proj = (jax.random.normal(k4, (C, C), dtype=jnp.float32) * (1.0 / np.sqrt(C))).astype(jnp.float32)
    b_proj = jnp.zeros((C,), dtype=jnp.float32)
    return {
        'feat': feat,
        'offset': offset,
        'serialized_order': order,
        'serialized_inverse': inverse,
        'W_qkv': W_qkv,
        'b_qkv': b_qkv,
        'W_proj': W_proj,
        'b_proj': b_proj,
    }


def reference(feat, offset, serialized_order, serialized_inverse, W_qkv, b_qkv, W_proj, b_proj):
    # patch_size = min(min(bincount), patch_size_max) = min(2048, 512) = 512 (static)
    # all bincounts are multiples of K, so pad == arange(N) and unpad == arange(N):
    #   order   = serialized_order[0][pad]      -> serialized_order[0]
    #   inverse = unpad[serialized_inverse[0]]  -> serialized_inverse[0]
    order = serialized_order[0]
    inverse = serialized_inverse[0]
    qkv = feat @ W_qkv + b_qkv                    # [N, 3C]
    qkv = jnp.take(qkv, order, axis=0)            # gather into serialized patch order
    qkv = qkv.reshape(-1, K, 3, H, C // H)
    qkv = jnp.transpose(qkv, (2, 0, 3, 1, 4))     # [3, nP, H, K, C//H]
    q, k, v = qkv[0], qkv[1], qkv[2]
    attn = (q * SCALE) @ jnp.swapaxes(k, -2, -1)  # [nP, H, K, K]
    attn = jax.nn.softmax(attn, axis=-1)
    out = jnp.swapaxes(attn @ v, 1, 2).reshape(-1, C)  # [N, C]
    out = jnp.take(out, inverse, axis=0)          # scatter back to original point order
    out = out @ W_proj + b_proj
    return out

if __name__ == "__main__":
    import jax
    _d = setup_inputs()
    print(jax.jit(kernel)(*tuple(_d.values())))

</pallas_src>

<mosaic_0001>
#map = affine_map<(d0, d1) -> (0, 0)>
#map1 = affine_map<(d0, d1) -> (0)>
module attributes {stable_mosaic.version = 14 : i64} {
  func.func @_sc_gather_rows(%arg0: i32, %arg1: i32, %arg2: memref<16384x512xf32, #tpu.memory_space<hbm>>, %arg3: memref<16384xi32, #tpu.memory_space<hbm>>, %arg4: memref<16384x512xf32, #tpu.memory_space<hbm>>, %arg5: memref<512xi32, #tpu.memory_space<vmem>>, %arg6: memref<64x512xf32, #tpu.memory_space<vmem>>, %arg7: memref<64x512xf32, #tpu.memory_space<vmem>>, %arg8: memref<64x512xf32, #tpu.memory_space<vmem>>, %arg9: memref<!tpu.dma_semaphore, #tpu.memory_space<semaphore_mem>>, %arg10: memref<!tpu.dma_semaphore, #tpu.memory_space<semaphore_mem>>, %arg11: memref<!tpu.dma_semaphore, #tpu.memory_space<semaphore_mem>>, %arg12: memref<!tpu.dma_semaphore, #tpu.memory_space<semaphore_mem>>, %arg13: memref<!tpu.dma_semaphore, #tpu.memory_space<semaphore_mem>>, %arg14: memref<!tpu.dma_semaphore, #tpu.memory_space<semaphore_mem>>) attributes {dimension_semantics = [#tpu.dimension_semantics<core_parallel>, #tpu.dimension_semantics<subcore_parallel>], iteration_bounds = array<i64: 2, 16>, scalar_prefetch = 0 : i64, scratch_operands = 10 : i64, tpu.core_type = #tpu.core_type<sc_vector_subcore>, window_params = [{transform_indices = #map}, {transform_indices = #map1}, {transform_indices = #map}]} {
    %mul3A = arith.constant 2 : i32
    %mul3A_0 = arith.muli %arg1, %mul3A : i32
    %add3A = arith.addi %mul3A_0, %arg0 : i32
    %mul3A_1 = arith.constant 512 : i32
    %mul3A_2 = arith.muli %add3A, %mul3A_1 : i32
    "tpu.region"() ({
      %run_scoped3A = tpu.sem_alloc : memref<!tpu.dma_semaphore, #tpu.memory_space<semaphore_mem>>
      %dma_start3A_161 = tpu.memref_slice %arg3[%mul3A_2] : memref<16384xi32, #tpu.memory_space<hbm>> -> memref<512xi32, #tpu.memory_space<hbm>>
      %dma_start3A_162 = tpu.memref_slice %arg3[%mul3A_2] : memref<16384xi32, #tpu.memory_space<hbm>> -> memref<512xi32, #tpu.memory_space<hbm>>
      tpu.enqueue_dma source(%dma_start3A_162 : memref<512xi32, #tpu.memory_space<hbm>>) target(%arg5 : memref<512xi32, #tpu.memory_space<vmem>>) target_semaphore(%run_scoped3A : memref<!tpu.dma_semaphore, #tpu.memory_space<semaphore_mem>>)
      %dma_wait3A_163 = tpu.memref_slice %arg3[%mul3A_2] : memref<16384xi32, #tpu.memory_space<hbm>> -> memref<512xi32, #tpu.memory_space<hbm>>
      %dma_wait3A_164 = tpu.memref_slice %arg3[%mul3A_2] : memref<16384xi32, #tpu.memory_space<hbm>> -> memref<512xi32, #tpu.memory_space<hbm>>
      tpu.wait_dma2 semaphore(%run_scoped3A : memref<!tpu.dma_semaphore, #tpu.memory_space<semaphore_mem>>) src(%dma_wait3A_164 : memref<512xi32, #tpu.memory_space<hbm>>) dst(%arg5 : memref<512xi32, #tpu.memory_space<vmem>>)
      tpu.yield
    }) : () -> ()
    %dma_start3A = arith.constant 0 : i32
    %dma_start3A_3 = tpu.memref_slice %arg5[%dma_start3A] : memref<512xi32, #tpu.memory_space<vmem>> -> memref<64xi32, #tpu.memory_space<vmem>>
    %dma_start3A_4 = arith.constant 0 : i32
    %dma_start3A_5 = arith.constant 0 : i32
    %dma_start3A_6 = tpu.memref_slice %arg2[%dma_start3A_4, %dma_start3A_5] : memref<16384x512xf32, #tpu.memory_space<hbm>> -> memref<16384x512xf32, #tpu.memory_space<hbm>>
    tpu.enqueue_indirect_dma source(%dma_start3A_6 : memref<16384x512xf32, #tpu.memory_space<hbm>>) target(%arg6 : memref<64x512xf32, #tpu.memory_space<vmem>>) offsets(%dma_start3A_3 : memref<64xi32, #tpu.memory_space<vmem>>) semaphore(%arg9 : memref<!tpu.dma_semaphore, #tpu.memory_space<semaphore_mem>>)
    %dma_start3A_7 = arith.constant 64 : i32
    %dma_start3A_8 = tpu.memref_slice %arg5[%dma_start3A_7] : memref<512xi32, #tpu.memory_space<vmem>> -> memref<64xi32, #tpu.memory_space<vmem>>
    %dma_start3A_9 = arith.constant 0 : i32
    %dma_start3A_10 = arith.constant 0 : i32
    %dma_start3A_11 = tpu.memref_slice %arg2[%dma_start3A_9, %dma_start3A_10] : memref<16384x512xf32, #tpu.memory_space<hbm>> -> memref<16384x512xf32, #tpu.memory_space<hbm>>
    tpu.enqueue_indirect_dma source(%dma_start3A_11 : memref<16384x512xf32, #tpu.memory_space<hbm>>) target(%arg7 : memref<64x512xf32, #tpu.memory_space<vmem>>) offsets(%dma_start3A_8 : memref<64xi32, #tpu.memory_space<vmem>>) semaphore(%arg10 : memref<!tpu.dma_semaphore, #tpu.memory_space<semaphore_mem>>)
    %dma_wait3A = arith.constant 0 : i32
    %dma_wait3A_12 = tpu.memref_slice %arg5[%dma_wait3A] : memref<512xi32, #tpu.memory_space<vmem>> -> memref<64xi32, #tpu.memory_space<vmem>>
    %dma_wait3A_13 = arith.constant 0 : i32
    %dma_wait3A_14 = arith.constant 0 : i32
    %dma_wait3A_15 = tpu.memref_slice %arg2[%dma_wait3A_13, %dma_wait3A_14] : memref<16384x512xf32, #tpu.memory_space<hbm>> -> memref<16384x512xf32, #tpu.memory_space<hbm>>
    tpu.wait_indirect_dma semaphore(%arg9 : memref<!tpu.dma_semaphore, #tpu.memory_space<semaphore_mem>>) src(%dma_wait3A_15 : memref<16384x512xf32, #tpu.memory_space<hbm>>) dst(%arg6 : memref<64x512xf32, #tpu.memory_space<vmem>>)
    %add3A_16 = arith.constant 0 : i32
    %add3A_17 = arith.addi %mul3A_2, %add3A_16 : i32
    %dma_start3A_18 = arith.constant 0 : i32
    %dma_start3A_19 = tpu.memref_slice %arg4[%add3A_17, %dma_start3A_18] : memref<16384x512xf32, #tpu.memory_space<hbm>> -> memref<64x512xf32, #tpu.memory_space<hbm>>
    %dma_start3A_20 = arith.constant 0 : i32
    %dma_start3A_21 = tpu.memref_slice %arg4[%add3A_17, %dma_start3A_20] : memref<16384x512xf32, #tpu.memory_space<hbm>> -> memref<64x512xf32, #tpu.memory_space<hbm>>
    tpu.enqueue_dma source(%arg6 : memref<64x512xf32, #tpu.memory_space<vmem>>) target(%dma_start3A_21 : memref<64x512xf32, #tpu.memory_space<hbm>>) target_semaphore(%arg12 : memref<!tpu.dma_semaphore, #tpu.memory_space<semaphore_mem>>)
    %dma_start3A_22 = arith.constant 128 : i32
    %dma_start3A_23 = tpu.memref_slice %arg5[%dma_start3A_22] : memref<512xi32, #tpu.memory_space<vmem>> -> memref<64xi32, #tpu.memory_space<vmem>>
    %dma_start3A_24 = arith.constant 0 : i32
    %dma_start3A_25 = arith.constant 0 : i32
    %dma_start3A_26 = tpu.memref_slice %arg2[%dma_start3A_24, %dma_start3A_25] : memref<16384x512xf32, #tpu.memory_space<hbm>> -> memref<16384x512xf32, #tpu.memory_space<hbm>>
    tpu.enqueue_indirect_dma source(%dma_start3A_26 : memref<16384x512xf32, #tpu.memory_space<hbm>>) target(%arg8 : memref<64x512xf32, #tpu.memory_space<vmem>>) offsets(%dma_start3A_23 : memref<64xi32, #tpu.memory_space<vmem>>) semaphore(%arg11 : memref<!tpu.dma_semaphore, #tpu.memory_space<semaphore_mem>>)
    %dma_wait3A_27 = arith.constant 64 : i32
    %dma_wait3A_28 = tpu.memref_slice %arg5[%dma_wait3A_27] : memref<512xi32, #tpu.memory_space<vmem>> -> memref<64xi32, #tpu.memory_space<vmem>>
    %dma_wait3A_29 = arith.constant 0 : i32
    %dma_wait3A_30 = arith.constant 0 : i32
    %dma_wait3A_31 = tpu.memref_slice %arg2[%dma_wait3A_29, %dma_wait3A_30] : memref<16384x512xf32, #tpu.memory_space<hbm>> -> memref<16384x512xf32, #tpu.memory_space<hbm>>
    tpu.wait_indirect_dma semaphore(%arg10 : memref<!tpu.dma_semaphore, #tpu.memory_space<semaphore_mem>>) src(%dma_wait3A_31 : memref<16384x512xf32, #tpu.memory_space<hbm>>) dst(%arg7 : memref<64x512xf32, #tpu.memory_space<vmem>>)
    %add3A_32 = arith.constant 64 : i32
    %add3A_33 = arith.addi %mul3A_2, %add3A_32 : i32
    %dma_start3A_34 = arith.constant 0 : i32
    %dma_start3A_35 = tpu.memref_slice %arg4[%add3A_33, %dma_start3A_34] : memref<16384x512xf32, #tpu.memory_space<hbm>> -> memref<64x512xf32, #tpu.memory_space<hbm>>
    %dma_start3A_36 = arith.constant 0 : i32
    %dma_start3A_37 = tpu.memref_slice %arg4[%add3A_33, %dma_start3A_36] : memref<16384x512xf32, #tpu.memory_space<hbm>> -> memref<64x512xf32, #tpu.memory_space<hbm>>
    tpu.enqueue_dma source(%arg7 : memref<64x512xf32, #tpu.memory_space<vmem>>) target(%dma_start3A_37 : memref<64x512xf32, #tpu.memory_space<hbm>>) target_semaphore(%arg13 : memref<!tpu.dma_semaphore, #tpu.memory_space<semaphore_mem>>)
    %dma_wait3A_38 = arith.constant 0 : i32
    %dma_wait3A_39 = tpu.memref_slice %arg4[%add3A_17, %dma_wait3A_38] : memref<16384x512xf32, #tpu.memory_space<hbm>> -> memref<64x512xf32, #tpu.memory_space<hbm>>
    %dma_wait3A_40 = arith.constant 0 : i32
    %dma_wait3A_41 = tpu.memref_slice %arg4[%add3A_17, %dma_wait3A_40] : memref<16384x512xf32, #tpu.memory_space<hbm>> -> memref<64x512xf32, #tpu.memory_space<hbm>>
    tpu.wait_dma2 semaphore(%arg12 : memref<!tpu.dma_semaphore, #tpu.memory_space<semaphore_mem>>) src(%arg6 : memref<64x512xf32, #tpu.memory_space<vmem>>) dst(%dma_wait3A_41 : memref<64x512xf32, #tpu.memory_space<hbm>>)
    %dma_start3A_42 = arith.constant 192 : i32
    %dma_start3A_43 = tpu.memref_slice %arg5[%dma_start3A_42] : memref<512xi32, #tpu.memory_space<vmem>> -> memref<64xi32, #tpu.memory_space<vmem>>
    %dma_start3A_44 = arith.constant 0 : i32
    %dma_start3A_45 = arith.constant 0 : i32
    %dma_start3A_46 = tpu.memref_slice %arg2[%dma_start3A_44, %dma_start3A_45] : memref<16384x512xf32, #tpu.memory_space<hbm>> -> memref<16384x512xf32, #tpu.memory_space<hbm>>
    tpu.enqueue_indirect_dma source(%dma_start3A_46 : memref<16384x512xf32, #tpu.memory_space<hbm>>) target(%arg6 : memref<64x512xf32, #tpu.memory_space<vmem>>) offsets(%dma_start3A_43 : memref<64xi32, #tpu.memory_space<vmem>>) semaphore(%arg9 : memref<!tpu.dma_semaphore, #tpu.memory_space<semaphore_mem>>)
    %dma_wait3A_47 = arith.constant 128 : i32
    %dma_wait3A_48 = tpu.memref_slice %arg5[%dma_wait3A_47] : memref<512xi32, #tpu.memory_space<vmem>> -> memref<64xi32, #tpu.memory_space<vmem>>
    %dma_wait3A_49 = arith.constant 0 : i32
    %dma_wait3A_50 = arith.constant 0 : i32
    %dma_wait3A_51 = tpu.memref_slice %arg2[%dma_wait3A_49, %dma_wait3A_50] : memref<16384x512xf32, #tpu.memory_space<hbm>> -> memref<16384x512xf32, #tpu.memory_space<hbm>>
    tpu.wait_indirect_dma semaphore(%arg11 : memref<!tpu.dma_semaphore, #tpu.memory_space<semaphore_mem>>) src(%dma_wait3A_51 : memref<16384x512xf32, #tpu.memory_space<hbm>>) dst(%arg8 : memref<64x512xf32, #tpu.memory_space<vmem>>)
    %add3A_52 = arith.constant 128 : i32
    %add3A_53 = arith.addi %mul3A_2, %add3A_52 : i32
    %dma_start3A_54 = arith.constant 0 : i32
    %dma_start3A_55 = tpu.memref_slice %arg4[%add3A_53, %dma_start3A_54] : memref<16384x512xf32, #tpu.memory_space<hbm>> -> memref<64x512xf32, #tpu.memory_space<hbm>>
    %dma_start3A_56 = arith.constant 0 : i32
    %dma_start3A_57 = tpu.memref_slice %arg4[%add3A_53, %dma_start3A_56] : memref<16384x512xf32, #tpu.memory_space<hbm>> -> memref<64x512xf32, #tpu.memory_space<hbm>>
    tpu.enqueue_dma source(%arg8 : memref<64x512xf32, #tpu.memory_space<vmem>>) target(%dma_start3A_57 : memref<64x512xf32, #tpu.memory_space<hbm>>) target_semaphore(%arg14 : memref<!tpu.dma_semaphore, #tpu.memory_space<semaphore_mem>>)
    %dma_wait3A_58 = arith.constant 0 : i32
    %dma_wait3A_59 = tpu.memref_slice %arg4[%add3A_33, %dma_wait3A_58] : memref<16384x512xf32, #tpu.memory_space<hbm>> -> memref<64x512xf32, #tpu.memory_space<hbm>>
    %dma_wait3A_60 = arith.constant 0 : i32
    %dma_wait3A_61 = tpu.memref_slice %arg4[%add3A_33, %dma_wait3A_60] : memref<16384x512xf32, #tpu.memory_space<hbm>> -> memref<64x512xf32, #tpu.memory_space<hbm>>
    tpu.wait_dma2 semaphore(%arg13 : memref<!tpu.dma_semaphore, #tpu.memory_space<semaphore_mem>>) src(%arg7 : memref<64x512xf32, #tpu.memory_space<vmem>>) dst(%dma_wait3A_61 : memref<64x512xf32, #tpu.memory_space<hbm>>)
    %dma_start3A_62 = arith.constant 256 : i32
    %dma_start3A_63 = tpu.memref_slice %arg5[%dma_start3A_62] : memref<512xi32, #tpu.memory_space<vmem>> -> memref<64xi32, #tpu.memory_space<vmem>>
    %dma_start3A_64 = arith.constant 0 : i32
    %dma_start3A_65 = arith.constant 0 : i32
    %dma_start3A_66 = tpu.memref_slice %arg2[%dma_start3A_64, %dma_start3A_65] : memref<16384x512xf32, #tpu.memory_space<hbm>> -> memref<16384x512xf32, #tpu.memory_space<hbm>>
    tpu.enqueue_indirect_dma source(%dma_start3A_66 : memref<16384x512xf32, #tpu.memory_space<hbm>>) target(%arg7 : memref<64x512xf32, #tpu.memory_space<vmem>>) offsets(%dma_start3A_63 : memref<64xi32, #tpu.memory_space<vmem>>) semaphore(%arg10 : memref<!tpu.dma_semaphore, #tpu.memory_space<semaphore_mem>>)
    %dma_wait3A_67 = arith.constant 192 : i32
    %dma_wait3A_68 = tpu.memref_slice %arg5[%dma_wait3A_67] : memref<512xi32, #tpu.memory_space<vmem>> -> memref<64xi32, #tpu.memory_space<vmem>>
    %dma_wait3A_69 = arith.constant 0 : i32
    %dma_wait3A_70 = arith.constant 0 : i32
    %dma_wait3A_71 = tpu.memref_slice %arg2[%dma_wait3A_69, %dma_wait3A_70] : memref<16384x512xf32, #tpu.memory_space<hbm>> -> memref<16384x512xf32, #tpu.memory_space<hbm>>
    tpu.wait_indirect_dma semaphore(%arg9 : memref<!tpu.dma_semaphore, #tpu.memory_space<semaphore_mem>>) src(%dma_wait3A_71 : memref<16384x512xf32, #tpu.memory_space<hbm>>) dst(%arg6 : memref<64x512xf32, #tpu.memory_space<vmem>>)
    %add3A_72 = arith.constant 192 : i32
    %add3A_73 = arith.addi %mul3A_2, %add3A_72 : i32
    %dma_start3A_74 = arith.constant 0 : i32
    %dma_start3A_75 = tpu.memref_slice %arg4[%add3A_73, %dma_start3A_74] : memref<16384x512xf32, #tpu.memory_space<hbm>> -> memref<64x512xf32, #tpu.memory_space<hbm>>
    %dma_start3A_76 = arith.constant 0 : i32
    %dma_start3A_77 = tpu.memref_slice %arg4[%add3A_73, %dma_start3A_76] : memref<16384x512xf32, #tpu.memory_space<hbm>> -> memref<64x512xf32, #tpu.memory_space<hbm>>
    tpu.enqueue_dma source(%arg6 : memref<64x512xf32, #tpu.memory_space<vmem>>) target(%dma_start3A_77 : memref<64x512xf32, #tpu.memory_space<hbm>>) target_semaphore(%arg12 : memref<!tpu.dma_semaphore, #tpu.memory_space<semaphore_mem>>)
    %dma_wait3A_78 = arith.constant 0 : i32
    %dma_wait3A_79 = tpu.memref_slice %arg4[%add3A_53, %dma_wait3A_78] : memref<16384x512xf32, #tpu.memory_space<hbm>> -> memref<64x512xf32, #tpu.memory_space<hbm>>
    %dma_wait3A_80 = arith.constant 0 : i32
    %dma_wait3A_81 = tpu.memref_slice %arg4[%add3A_53, %dma_wait3A_80] : memref<16384x512xf32, #tpu.memory_space<hbm>> -> memref<64x512xf32, #tpu.memory_space<hbm>>
    tpu.wait_dma2 semaphore(%arg14 : memref<!tpu.dma_semaphore, #tpu.memory_space<semaphore_mem>>) src(%arg8 : memref<64x512xf32, #tpu.memory_space<vmem>>) dst(%dma_wait3A_81 : memref<64x512xf32, #tpu.memory_space<hbm>>)
    %dma_start3A_82 = arith.constant 320 : i32
    %dma_start3A_83 = tpu.memref_slice %arg5[%dma_start3A_82] : memref<512xi32, #tpu.memory_space<vmem>> -> memref<64xi32, #tpu.memory_space<vmem>>
    %dma_start3A_84 = arith.constant 0 : i32
    %dma_start3A_85 = arith.constant 0 : i32
    %dma_start3A_86 = tpu.memref_slice %arg2[%dma_start3A_84, %dma_start3A_85] : memref<16384x512xf32, #tpu.memory_space<hbm>> -> memref<16384x512xf32, #tpu.memory_space<hbm>>
    tpu.enqueue_indirect_dma source(%dma_start3A_86 : memref<16384x512xf32, #tpu.memory_space<hbm>>) target(%arg8 : memref<64x512xf32, #tpu.memory_space<vmem>>) offsets(%dma_start3A_83 : memref<64xi32, #tpu.memory_space<vmem>>) semaphore(%arg11 : memref<!tpu.dma_semaphore, #tpu.memory_space<semaphore_mem>>)
    %dma_wait3A_87 = arith.constant 256 : i32
    %dma_wait3A_88 = tpu.memref_slice %arg5[%dma_wait3A_87] : memref<512xi32, #tpu.memory_space<vmem>> -> memref<64xi32, #tpu.memory_space<vmem>>
    %dma_wait3A_89 = arith.constant 0 : i32
    %dma_wait3A_90 = arith.constant 0 : i32
    %dma_wait3A_91 = tpu.memref_slice %arg2[%dma_wait3A_89, %dma_wait3A_90] : memref<16384x512xf32, #tpu.memory_space<hbm>> -> memref<16384x512xf32, #tpu.memory_space<hbm>>
    tpu.wait_indirect_dma semaphore(%arg10 : memref<!tpu.dma_semaphore, #tpu.memory_space<semaphore_mem>>) src(%dma_wait3A_91 : memref<16384x512xf32, #tpu.memory_space<hbm>>) dst(%arg7 : memref<64x512xf32, #tpu.memory_space<vmem>>)
    %add3A_92 = arith.constant 256 : i32
    %add3A_93 = arith.addi %mul3A_2, %add3A_92 : i32
    %dma_start3A_94 = arith.constant 0 : i32
    %dma_start3A_95 = tpu.memref_slice %arg4[%add3A_93, %dma_start3A_94] : memref<16384x512xf32, #tpu.memory_space<hbm>> -> memref<64x512xf32, #tpu.memory_space<hbm>>
    %dma_start3A_96 = arith.constant 0 : i32
    %dma_start3A_97 = tpu.memref_slice %arg4[%add3A_93, %dma_start3A_96] : memref<16384x512xf32, #tpu.memory_space<hbm>> -> memref<64x512xf32, #tpu.memory_space<hbm>>
    tpu.enqueue_dma source(%arg7 : memref<64x512xf32, #tpu.memory_space<vmem>>) target(%dma_start3A_97 : memref<64x512xf32, #tpu.memory_space<hbm>>) target_semaphore(%arg13 : memref<!tpu.dma_semaphore, #tpu.memory_space<semaphore_mem>>)
    %dma_wait3A_98 = arith.constant 0 : i32
    %dma_wait3A_99 = tpu.memref_slice %arg4[%add3A_73, %dma_wait3A_98] : memref<16384x512xf32, #tpu.memory_space<hbm>> -> memref<64x512xf32, #tpu.memory_space<hbm>>
    %dma_wait3A_100 = arith.constant 0 : i32
    %dma_wait3A_101 = tpu.memref_slice %arg4[%add3A_73, %dma_wait3A_100] : memref<16384x512xf32, #tpu.memory_space<hbm>> -> memref<64x512xf32, #tpu.memory_space<hbm>>
    tpu.wait_dma2 semaphore(%arg12 : memref<!tpu.dma_semaphore, #tpu.memory_space<semaphore_mem>>) src(%arg6 : memref<64x512xf32, #tpu.memory_space<vmem>>) dst(%dma_wait3A_101 : memref<64x512xf32, #tpu.memory_space<hbm>>)
    %dma_start3A_102 = arith.constant 384 : i32
    %dma_start3A_103 = tpu.memref_slice %arg5[%dma_start3A_102] : memref<512xi32, #tpu.memory_space<vmem>> -> memref<64xi32, #tpu.memory_space<vmem>>
    %dma_start3A_104 = arith.constant 0 : i32
    %dma_start3A_105 = arith.constant 0 : i32
    %dma_start3A_106 = tpu.memref_slice %arg2[%dma_start3A_104, %dma_start3A_105] : memref<16384x512xf32, #tpu.memory_space<hbm>> -> memref<16384x512xf32, #tpu.memory_space<hbm>>
    tpu.enqueue_indirect_dma source(%dma_start3A_106 : memref<16384x512xf32, #tpu.memory_space<hbm>>) target(%arg6 : memref<64x512xf32, #tpu.memory_space<vmem>>) offsets(%dma_start3A_103 : memref<64xi32, #tpu.memory_space<vmem>>) semaphore(%arg9 : memref<!tpu.dma_semaphore, #tpu.memory_space<semaphore_mem>>)
    %dma_wait3A_107 = arith.constant 320 : i32
    %dma_wait3A_108 = tpu.memref_slice %arg5[%dma_wait3A_107] : memref<512xi32, #tpu.memory_space<vmem>> -> memref<64xi32, #tpu.memory_space<vmem>>
    %dma_wait3A_109 = arith.constant 0 : i32
    %dma_wait3A_110 = arith.constant 0 : i32
    %dma_wait3A_111 = tpu.memref_slice %arg2[%dma_wait3A_109, %dma_wait3A_110] : memref<16384x512xf32, #tpu.memory_space<hbm>> -> memref<16384x512xf32, #tpu.memory_space<hbm>>
    tpu.wait_indirect_dma semaphore(%arg11 : memref<!tpu.dma_semaphore, #tpu.memory_space<semaphore_mem>>) src(%dma_wait3A_111 : memref<16384x512xf32, #tpu.memory_space<hbm>>) dst(%arg8 : memref<64x512xf32, #tpu.memory_space<vmem>>)
    %add3A_112 = arith.constant 320 : i32
    %add3A_113 = arith.addi %mul3A_2, %add3A_112 : i32
    %dma_start3A_114 = arith.constant 0 : i32
    %dma_start3A_115 = tpu.memref_slice %arg4[%add3A_113, %dma_start3A_114] : memref<16384x512xf32, #tpu.memory_space<hbm>> -> memref<64x512xf32, #tpu.memory_space<hbm>>
    %dma_start3A_116 = arith.constant 0 : i32
    %dma_start3A_117 = tpu.memref_slice %arg4[%add3A_113, %dma_start3A_116] : memref<16384x512xf32, #tpu.memory_space<hbm>> -> memref<64x512xf32, #tpu.memory_space<hbm>>
    tpu.enqueue_dma source(%arg8 : memref<64x512xf32, #tpu.memory_space<vmem>>) target(%dma_start3A_117 : memref<64x512xf32, #tpu.memory_space<hbm>>) target_semaphore(%arg14 : memref<!tpu.dma_semaphore, #tpu.memory_space<semaphore_mem>>)
    %dma_wait3A_118 = arith.constant 0 : i32
    %dma_wait3A_119 = tpu.memref_slice %arg4[%add3A_93, %dma_wait3A_118] : memref<16384x512xf32, #tpu.memory_space<hbm>> -> memref<64x512xf32, #tpu.memory_space<hbm>>
    %dma_wait3A_120 = arith.constant 0 : i32
    %dma_wait3A_121 = tpu.memref_slice %arg4[%add3A_93, %dma_wait3A_120] : memref<16384x512xf32, #tpu.memory_space<hbm>> -> memref<64x512xf32, #tpu.memory_space<hbm>>
    tpu.wait_dma2 semaphore(%arg13 : memref<!tpu.dma_semaphore, #tpu.memory_space<semaphore_mem>>) src(%arg7 : memref<64x512xf32, #tpu.memory_space<vmem>>) dst(%dma_wait3A_121 : memref<64x512xf32, #tpu.memory_space<hbm>>)
    %dma_start3A_122 = arith.constant 448 : i32
    %dma_start3A_123 = tpu.memref_slice %arg5[%dma_start3A_122] : memref<512xi32, #tpu.memory_space<vmem>> -> memref<64xi32, #tpu.memory_space<vmem>>
    %dma_start3A_124 = arith.constant 0 : i32
    %dma_start3A_125 = arith.constant 0 : i32
    %dma_start3A_126 = tpu.memref_slice %arg2[%dma_start3A_124, %dma_start3A_125] : memref<16384x512xf32, #tpu.memory_space<hbm>> -> memref<16384x512xf32, #tpu.memory_space<hbm>>
    tpu.enqueue_indirect_dma source(%dma_start3A_126 : memref<16384x512xf32, #tpu.memory_space<hbm>>) target(%arg7 : memref<64x512xf32, #tpu.memory_space<vmem>>) offsets(%dma_start3A_123 : memref<64xi32, #tpu.memory_space<vmem>>) semaphore(%arg10 : memref<!tpu.dma_semaphore, #tpu.memory_space<semaphore_mem>>)
    %dma_wait3A_127 = arith.constant 384 : i32
    %dma_wait3A_128 = tpu.memref_slice %arg5[%dma_wait3A_127] : memref<512xi32, #tpu.memory_space<vmem>> -> memref<64xi32, #tpu.memory_space<vmem>>
    %dma_wait3A_129 = arith.constant 0 : i32
    %dma_wait3A_130 = arith.constant 0 : i32
    %dma_wait3A_131 = tpu.memref_slice %arg2[%dma_wait3A_129, %dma_wait3A_130] : memref<16384x512xf32, #tpu.memory_space<hbm>> -> memref<16384x512xf32, #tpu.memory_space<hbm>>
    tpu.wait_indirect_dma semaphore(%arg9 : memref<!tpu.dma_semaphore, #tpu.memory_space<semaphore_mem>>) src(%dma_wait3A_131 : memref<16384x512xf32, #tpu.memory_space<hbm>>) dst(%arg6 : memref<64x512xf32, #tpu.memory_space<vmem>>)
    %add3A_132 = arith.constant 384 : i32
    %add3A_133 = arith.addi %mul3A_2, %add3A_132 : i32
    %dma_start3A_134 = arith.constant 0 : i32
    %dma_start3A_135 = tpu.memref_slice %arg4[%add3A_133, %dma_start3A_134] : memref<16384x512xf32, #tpu.memory_space<hbm>> -> memref<64x512xf32, #tpu.memory_space<hbm>>
    %dma_start3A_136 = arith.constant 0 : i32
    %dma_start3A_137 = tpu.memref_slice %arg4[%add3A_133, %dma_start3A_136] : memref<16384x512xf32, #tpu.memory_space<hbm>> -> memref<64x512xf32, #tpu.memory_space<hbm>>
    tpu.enqueue_dma source(%arg6 : memref<64x512xf32, #tpu.memory_space<vmem>>) target(%dma_start3A_137 : memref<64x512xf32, #tpu.memory_space<hbm>>) target_semaphore(%arg12 : memref<!tpu.dma_semaphore, #tpu.memory_space<semaphore_mem>>)
    %dma_wait3A_138 = arith.constant 448 : i32
    %dma_wait3A_139 = tpu.memref_slice %arg5[%dma_wait3A_138] : memref<512xi32, #tpu.memory_space<vmem>> -> memref<64xi32, #tpu.memory_space<vmem>>
    %dma_wait3A_140 = arith.constant 0 : i32
    %dma_wait3A_141 = arith.constant 0 : i32
    %dma_wait3A_142 = tpu.memref_slice %arg2[%dma_wait3A_140, %dma_wait3A_141] : memref<16384x512xf32, #tpu.memory_space<hbm>> -> memref<16384x512xf32, #tpu.memory_space<hbm>>
    tpu.wait_indirect_dma semaphore(%arg10 : memref<!tpu.dma_semaphore, #tpu.memory_space<semaphore_mem>>) src(%dma_wait3A_142 : memref<16384x512xf32, #tpu.memory_space<hbm>>) dst(%arg7 : memref<64x512xf32, #tpu.memory_space<vmem>>)
    %add3A_143 = arith.constant 448 : i32
    %add3A_144 = arith.addi %mul3A_2, %add3A_143 : i32
    %dma_start3A_145 = arith.constant 0 : i32
    %dma_start3A_146 = tpu.memref_slice %arg4[%add3A_144, %dma_start3A_145] : memref<16384x512xf32, #tpu.memory_space<hbm>> -> memref<64x512xf32, #tpu.memory_space<hbm>>
    %dma_start3A_147 = arith.constant 0 : i32
    %dma_start3A_148 = tpu.memref_slice %arg4[%add3A_144, %dma_start3A_147] : memref<16384x512xf32, #tpu.memory_space<hbm>> -> memref<64x512xf32, #tpu.memory_space<hbm>>
    tpu.enqueue_dma source(%arg7 : memref<64x512xf32, #tpu.memory_space<vmem>>) target(%dma_start3A_148 : memref<64x512xf32, #tpu.memory_space<hbm>>) target_semaphore(%arg13 : memref<!tpu.dma_semaphore, #tpu.memory_space<semaphore_mem>>)
    %dma_wait3A_149 = arith.constant 0 : i32
    %dma_wait3A_150 = tpu.memref_slice %arg4[%add3A_133, %dma_wait3A_149] : memref<16384x512xf32, #tpu.memory_space<hbm>> -> memref<64x512xf32, #tpu.memory_space<hbm>>
    %dma_wait3A_151 = arith.constant 0 : i32
    %dma_wait3A_152 = tpu.memref_slice %arg4[%add3A_133, %dma_wait3A_151] : memref<16384x512xf32, #tpu.memory_space<hbm>> -> memref<64x512xf32, #tpu.memory_space<hbm>>
    tpu.wait_dma2 semaphore(%arg12 : memref<!tpu.dma_semaphore, #tpu.memory_space<semaphore_mem>>) src(%arg6 : memref<64x512xf32, #tpu.memory_space<vmem>>) dst(%dma_wait3A_152 : memref<64x512xf32, #tpu.memory_space<hbm>>)
    %dma_wait3A_153 = arith.constant 0 : i32
    %dma_wait3A_154 = tpu.memref_slice %arg4[%add3A_144, %dma_wait3A_153] : memref<16384x512xf32, #tpu.memory_space<hbm>> -> memref<64x512xf32, #tpu.memory_space<hbm>>
    %dma_wait3A_155 = arith.constant 0 : i32
    %dma_wait3A_156 = tpu.memref_slice %arg4[%add3A_144, %dma_wait3A_155] : memref<16384x512xf32, #tpu.memory_space<hbm>> -> memref<64x512xf32, #tpu.memory_space<hbm>>
    tpu.wait_dma2 semaphore(%arg13 : memref<!tpu.dma_semaphore, #tpu.memory_space<semaphore_mem>>) src(%arg7 : memref<64x512xf32, #tpu.memory_space<vmem>>) dst(%dma_wait3A_156 : memref<64x512xf32, #tpu.memory_space<hbm>>)
    %dma_wait3A_157 = arith.constant 0 : i32
    %dma_wait3A_158 = tpu.memref_slice %arg4[%add3A_113, %dma_wait3A_157] : memref<16384x512xf32, #tpu.memory_space<hbm>> -> memref<64x512xf32, #tpu.memory_space<hbm>>
    %dma_wait3A_159 = arith.constant 0 : i32
    %dma_wait3A_160 = tpu.memref_slice %arg4[%add3A_113, %dma_wait3A_159] : memref<16384x512xf32, #tpu.memory_space<hbm>> -> memref<64x512xf32, #tpu.memory_space<hbm>>
    tpu.wait_dma2 semaphore(%arg14 : memref<!tpu.dma_semaphore, #tpu.memory_space<semaphore_mem>>) src(%arg8 : memref<64x512xf32, #tpu.memory_space<vmem>>) dst(%dma_wait3A_160 : memref<64x512xf32, #tpu.memory_space<hbm>>)
    return
  }
}

#map = affine_map<(d0, d1) -> (0, 0)>
#map1 = affine_map<(d0, d1) -> (0)>
module attributes {stable_mosaic.version = 14 : i64} {
  func.func @_sc_gather_rows(%arg0: i32, %arg1: i32, %arg2: memref<16384x512xf32, #tpu.memory_space<hbm>>, %arg3: memref<16384xi32, #tpu.memory_space<hbm>>, %arg4: memref<16384x512xf32, #tpu.memory_space<hbm>>, %arg5: memref<512xi32, #tpu.memory_space<vmem>>, %arg6: memref<64x512xf32, #tpu.memory_space<vmem>>, %arg7: memref<64x512xf32, #tpu.memory_space<vmem>>, %arg8: memref<64x512xf32, #tpu.memory_space<vmem>>, %arg9: memref<!tpu.dma_semaphore, #tpu.memory_space<semaphore_mem>>, %arg10: memref<!tpu.dma_semaphore, #tpu.memory_space<semaphore_mem>>, %arg11: memref<!tpu.dma_semaphore, #tpu.memory_space<semaphore_mem>>, %arg12: memref<!tpu.dma_semaphore, #tpu.memory_space<semaphore_mem>>, %arg13: memref<!tpu.dma_semaphore, #tpu.memory_space<semaphore_mem>>, %arg14: memref<!tpu.dma_semaphore, #tpu.memory_space<semaphore_mem>>) attributes {dimension_semantics = [#tpu.dimension_semantics<core_parallel>, #tpu.dimension_semantics<subcore_parallel>], iteration_bounds = array<i64: 2, 16>, scalar_prefetch = 0 : i64, scratch_operands = 10 : i64, tpu.core_type = #tpu.core_type<sc_vector_subcore>, window_params = [{transform_indices = #map}, {transform_indices = #map1}, {transform_indices = #map}]} {
    %mul3A = arith.constant 2 : i32
    %mul3A_0 = arith.muli %arg1, %mul3A : i32
    %add3A = arith.addi %mul3A_0, %arg0 : i32
    %mul3A_1 = arith.constant 512 : i32
    %mul3A_2 = arith.muli %add3A, %mul3A_1 : i32
    "tpu.region"() ({
      %run_scoped3A = tpu.sem_alloc : memref<!tpu.dma_semaphore, #tpu.memory_space<semaphore_mem>>
      %dma_start3A_161 = tpu.memref_slice %arg3[%mul3A_2] : memref<16384xi32, #tpu.memory_space<hbm>> -> memref<512xi32, #tpu.memory_space<hbm>>
      %dma_start3A_162 = tpu.memref_slice %arg3[%mul3A_2] : memref<16384xi32, #tpu.memory_space<hbm>> -> memref<512xi32, #tpu.memory_space<hbm>>
      tpu.enqueue_dma source(%dma_start3A_162 : memref<512xi32, #tpu.memory_space<hbm>>) target(%arg5 : memref<512xi32, #tpu.memory_space<vmem>>) target_semaphore(%run_scoped3A : memref<!tpu.dma_semaphore, #tpu.memory_space<semaphore_mem>>)
      %dma_wait3A_163 = tpu.memref_slice %arg3[%mul3A_2] : memref<16384xi32, #tpu.memory_space<hbm>> -> memref<512xi32, #tpu.memory_space<hbm>>
      %dma_wait3A_164 = tpu.memref_slice %arg3[%mul3A_2] : memref<16384xi32, #tpu.memory_space<hbm>> -> memref<512xi32, #tpu.memory_space<hbm>>
      tpu.wait_dma2 semaphore(%run_scoped3A : memref<!tpu.dma_semaphore, #tpu.memory_space<semaphore_mem>>) src(%dma_wait3A_164 : memref<512xi32, #tpu.memory_space<hbm>>) dst(%arg5 : memref<512xi32, #tpu.memory_space<vmem>>)
      tpu.yield
    }) : () -> ()
    %dma_start3A = arith.constant 0 : i32
    %dma_start3A_3 = tpu.memref_slice %arg5[%dma_start3A] : memref<512xi32, #tpu.memory_space<vmem>> -> memref<64xi32, #tpu.memory_space<vmem>>
    %dma_start3A_4 = arith.constant 0 : i32
    %dma_start3A_5 = arith.constant 0 : i32
    %dma_start3A_6 = tpu.memref_slice %arg2[%dma_start3A_4, %dma_start3A_5] : memref<16384x512xf32, #tpu.memory_space<hbm>> -> memref<16384x512xf32, #tpu.memory_space<hbm>>
    tpu.enqueue_indirect_dma source(%dma_start3A_6 : memref<16384x512xf32, #tpu.memory_space<hbm>>) target(%arg6 : memref<64x512xf32, #tpu.memory_space<vmem>>) offsets(%dma_start3A_3 : memref<64xi32, #tpu.memory_space<vmem>>) semaphore(%arg9 : memref<!tpu.dma_semaphore, #tpu.memory_space<semaphore_mem>>)
    %dma_start3A_7 = arith.constant 64 : i32
    %dma_start3A_8 = tpu.memref_slice %arg5[%dma_start3A_7] : memref<512xi32, #tpu.memory_space<vmem>> -> memref<64xi32, #tpu.memory_space<vmem>>
    %dma_start3A_9 = arith.constant 0 : i32
    %dma_start3A_10 = arith.constant 0 : i32
    %dma_start3A_11 = tpu.memref_slice %arg2[%dma_start3A_9, %dma_start3A_10] : memref<16384x512xf32, #tpu.memory_space<hbm>> -> memref<16384x512xf32, #tpu.memory_space<hbm>>
    tpu.enqueue_indirect_dma source(%dma_start3A_11 : memref<16384x512xf32, #tpu.memory_space<hbm>>) target(%arg7 : memref<64x512xf32, #tpu.memory_space<vmem>>) offsets(%dma_start3A_8 : memref<64xi32, #tpu.memory_space<vmem>>) semaphore(%arg10 : memref<!tpu.dma_semaphore, #tpu.memory_space<semaphore_mem>>)
    %dma_wait3A = arith.constant 0 : i32
    %dma_wait3A_12 = tpu.memref_slice %arg5[%dma_wait3A] : memref<512xi32, #tpu.memory_space<vmem>> -> memref<64xi32, #tpu.memory_space<vmem>>
    %dma_wait3A_13 = arith.constant 0 : i32
    %dma_wait3A_14 = arith.constant 0 : i32
    %dma_wait3A_15 = tpu.memref_slice %arg2[%dma_wait3A_13, %dma_wait3A_14] : memref<16384x512xf32, #tpu.memory_space<hbm>> -> memref<16384x512xf32, #tpu.memory_space<hbm>>
    tpu.wait_indirect_dma semaphore(%arg9 : memref<!tpu.dma_semaphore, #tpu.memory_space<semaphore_mem>>) src(%dma_wait3A_15 : memref<16384x512xf32, #tpu.memory_space<hbm>>) dst(%arg6 : memref<64x512xf32, #tpu.memory_space<vmem>>)
    %add3A_16 = arith.constant 0 : i32
    %add3A_17 = arith.addi %mul3A_2, %add3A_16 : i32
    %dma_start3A_18 = arith.constant 0 : i32
    %dma_start3A_19 = tpu.memref_slice %arg4[%add3A_17, %dma_start3A_18] : memref<16384x512xf32, #tpu.memory_space<hbm>> -> memref<64x512xf32, #tpu.memory_space<hbm>>
    %dma_start3A_20 = arith.constant 0 : i32
    %dma_start3A_21 = tpu.memref_slice %arg4[%add3A_17, %dma_start3A_20] : memref<16384x512xf32, #tpu.memory_space<hbm>> -> memref<64x512xf32, #tpu.memory_space<hbm>>
    tpu.enqueue_dma source(%arg6 : memref<64x512xf32, #tpu.memory_space<vmem>>) target(%dma_start3A_21 : memref<64x512xf32, #tpu.memory_space<hbm>>) target_semaphore(%arg12 : memref<!tpu.dma_semaphore, #tpu.memory_space<semaphore_mem>>)
    %dma_start3A_22 = arith.constant 128 : i32
    %dma_start3A_23 = tpu.memref_slice %arg5[%dma_start3A_22] : memref<512xi32, #tpu.memory_space<vmem>> -> memref<64xi32, #tpu.memory_space<vmem>>
    %dma_start3A_24 = arith.constant 0 : i32
    %dma_start3A_25 = arith.constant 0 : i32
    %dma_start3A_26 = tpu.memref_slice %arg2[%dma_start3A_24, %dma_start3A_25] : memref<16384x512xf32, #tpu.memory_space<hbm>> -> memref<16384x512xf32, #tpu.memory_space<hbm>>
    tpu.enqueue_indirect_dma source(%dma_start3A_26 : memref<16384x512xf32, #tpu.memory_space<hbm>>) target(%arg8 : memref<64x512xf32, #tpu.memory_space<vmem>>) offsets(%dma_start3A_23 : memref<64xi32, #tpu.memory_space<vmem>>) semaphore(%arg11 : memref<!tpu.dma_semaphore, #tpu.memory_space<semaphore_mem>>)
    %dma_wait3A_27 = arith.constant 64 : i32
    %dma_wait3A_28 = tpu.memref_slice %arg5[%dma_wait3A_27] : memref<512xi32, #tpu.memory_space<vmem>> -> memref<64xi32, #tpu.memory_space<vmem>>
    %dma_wait3A_29 = arith.constant 0 : i32
    %dma_wait3A_30 = arith.constant 0 : i32
    %dma_wait3A_31 = tpu.memref_slice %arg2[%dma_wait3A_29, %dma_wait3A_30] : memref<16384x512xf32, #tpu.memory_space<hbm>> -> memref<16384x512xf32, #tpu.memory_space<hbm>>
    tpu.wait_indirect_dma semaphore(%arg10 : memref<!tpu.dma_semaphore, #tpu.memory_space<semaphore_mem>>) src(%dma_wait3A_31 : memref<16384x512xf32, #tpu.memory_space<hbm>>) dst(%arg7 : memref<64x512xf32, #tpu.memory_space<vmem>>)
    %add3A_32 = arith.constant 64 : i32
    %add3A_33 = arith.addi %mul3A_2, %add3A_32 : i32
    %dma_start3A_34 = arith.constant 0 : i32
    %dma_start3A_35 = tpu.memref_slice %arg4[%add3A_33, %dma_start3A_34] : memref<16384x512xf32, #tpu.memory_space<hbm>> -> memref<64x512xf32, #tpu.memory_space<hbm>>
    %dma_start3A_36 = arith.constant 0 : i32
    %dma_start3A_37 = tpu.memref_slice %arg4[%add3A_33, %dma_start3A_36] : memref<16384x512xf32, #tpu.memory_space<hbm>> -> memref<64x512xf32, #tpu.memory_space<hbm>>
    tpu.enqueue_dma source(%arg7 : memref<64x512xf32, #tpu.memory_space<vmem>>) target(%dma_start3A_37 : memref<64x512xf32, #tpu.memory_space<hbm>>) target_semaphore(%arg13 : memref<!tpu.dma_semaphore, #tpu.memory_space<semaphore_mem>>)
    %dma_wait3A_38 = arith.constant 0 : i32
    %dma_wait3A_39 = tpu.memref_slice %arg4[%add3A_17, %dma_wait3A_38] : memref<16384x512xf32, #tpu.memory_space<hbm>> -> memref<64x512xf32, #tpu.memory_space<hbm>>
    %dma_wait3A_40 = arith.constant 0 : i32
    %dma_wait3A_41 = tpu.memref_slice %arg4[%add3A_17, %dma_wait3A_40] : memref<16384x512xf32, #tpu.memory_space<hbm>> -> memref<64x512xf32, #tpu.memory_space<hbm>>
    tpu.wait_dma2 semaphore(%arg12 : memref<!tpu.dma_semaphore, #tpu.memory_space<semaphore_mem>>) src(%arg6 : memref<64x512xf32, #tpu.memory_space<vmem>>) dst(%dma_wait3A_41 : memref<64x512xf32, #tpu.memory_space<hbm>>)
    %dma_start3A_42 = arith.constant 192 : i32
    %dma_start3A_43 = tpu.memref_slice %arg5[%dma_start3A_42] : memref<512xi32, #tpu.memory_space<vmem>> -> memref<64xi32, #tpu.memory_space<vmem>>
    %dma_start3A_44 = arith.constant 0 : i32
    %dma_start3A_45 = arith.constant 0 : i32
    %dma_start3A_46 = tpu.memref_slice %arg2[%dma_start3A_44, %dma_start3A_45] : memref<16384x512xf32, #tpu.memory_space<hbm>> -> memref<16384x512xf32, #tpu.memory_space<hbm>>
    tpu.enqueue_indirect_dma source(%dma_start3A_46 : memref<16384x512xf32, #tpu.memory_space<hbm>>) target(%arg6 : memref<64x512xf32, #tpu.memory_space<vmem>>) offsets(%dma_start3A_43 : memref<64xi32, #tpu.memory_space<vmem>>) semaphore(%arg9 : memref<!tpu.dma_semaphore, #tpu.memory_space<semaphore_mem>>)
    %dma_wait3A_47 = arith.constant 128 : i32
    %dma_wait3A_48 = tpu.memref_slice %arg5[%dma_wait3A_47] : memref<512xi32, #tpu.memory_space<vmem>> -> memref<64xi32, #tpu.memory_space<vmem>>
    %dma_wait3A_49 = arith.constant 0 : i32
    %dma_wait3A_50 = arith.constant 0 : i32
    %dma_wait3A_51 = tpu.memref_slice %arg2[%dma_wait3A_49, %dma_wait3A_50] : memref<16384x512xf32, #tpu.memory_space<hbm>> -> memref<16384x512xf32, #tpu.memory_space<hbm>>
    tpu.wait_indirect_dma semaphore(%arg11 : memref<!tpu.dma_semaphore, #tpu.memory_space<semaphore_mem>>) src(%dma_wait3A_51 : memref<16384x512xf32, #tpu.memory_space<hbm>>) dst(%arg8 : memref<64x512xf32, #tpu.memory_space<vmem>>)
    %add3A_52 = arith.constant 128 : i32
    %add3A_53 = arith.addi %mul3A_2, %add3A_52 : i32
    %dma_start3A_54 = arith.constant 0 : i32
    %dma_start3A_55 = tpu.memref_slice %arg4[%add3A_53, %dma_start3A_54] : memref<16384x512xf32, #tpu.memory_space<hbm>> -> memref<64x512xf32, #tpu.memory_space<hbm>>
    %dma_start3A_56 = arith.constant 0 : i32
    %dma_start3A_57 = tpu.memref_slice %arg4[%add3A_53, %dma_start3A_56] : memref<16384x512xf32, #tpu.memory_space<hbm>> -> memref<64x512xf32, #tpu.memory_space<hbm>>
    tpu.enqueue_dma source(%arg8 : memref<64x512xf32, #tpu.memory_space<vmem>>) target(%dma_start3A_57 : memref<64x512xf32, #tpu.memory_space<hbm>>) target_semaphore(%arg14 : memref<!tpu.dma_semaphore, #tpu.memory_space<semaphore_mem>>)
    %dma_wait3A_58 = arith.constant 0 : i32
    %dma_wait3A_59 = tpu.memref_slice %arg4[%add3A_33, %dma_wait3A_58] : memref<16384x512xf32, #tpu.memory_space<hbm>> -> memref<64x512xf32, #tpu.memory_space<hbm>>
    %dma_wait3A_60 = arith.constant 0 : i32
    %dma_wait3A_61 = tpu.memref_slice %arg4[%add3A_33, %dma_wait3A_60] : memref<16384x512xf32, #tpu.memory_space<hbm>> -> memref<64x512xf32, #tpu.memory_space<hbm>>
    tpu.wait_dma2 semaphore(%arg13 : memref<!tpu.dma_semaphore, #tpu.memory_space<semaphore_mem>>) src(%arg7 : memref<64x512xf32, #tpu.memory_space<vmem>>) dst(%dma_wait3A_61 : memref<64x512xf32, #tpu.memory_space<hbm>>)
    %dma_start3A_62 = arith.constant 256 : i32
    %dma_start3A_63 = tpu.memref_slice %arg5[%dma_start3A_62] : memref<512xi32, #tpu.memory_space<vmem>> -> memref<64xi32, #tpu.memory_space<vmem>>
    %dma_start3A_64 = arith.constant 0 : i32
    %dma_start3A_65 = arith.constant 0 : i32
    %dma_start3A_66 = tpu.memref_slice %arg2[%dma_start3A_64, %dma_start3A_65] : memref<16384x512xf32, #tpu.memory_space<hbm>> -> memref<16384x512xf32, #tpu.memory_space<hbm>>
    tpu.enqueue_indirect_dma source(%dma_start3A_66 : memref<16384x512xf32, #tpu.memory_space<hbm>>) target(%arg7 : memref<64x512xf32, #tpu.memory_space<vmem>>) offsets(%dma_start3A_63 : memref<64xi32, #tpu.memory_space<vmem>>) semaphore(%arg10 : memref<!tpu.dma_semaphore, #tpu.memory_space<semaphore_mem>>)
    %dma_wait3A_67 = arith.constant 192 : i32
    %dma_wait3A_68 = tpu.memref_slice %arg5[%dma_wait3A_67] : memref<512xi32, #tpu.memory_space<vmem>> -> memref<64xi32, #tpu.memory_space<vmem>>
    %dma_wait3A_69 = arith.constant 0 : i32
    %dma_wait3A_70 = arith.constant 0 : i32
    %dma_wait3A_71 = tpu.memref_slice %arg2[%dma_wait3A_69, %dma_wait3A_70] : memref<16384x512xf32, #tpu.memory_space<hbm>> -> memref<16384x512xf32, #tpu.memory_space<hbm>>
    tpu.wait_indirect_dma semaphore(%arg9 : memref<!tpu.dma_semaphore, #tpu.memory_space<semaphore_mem>>) src(%dma_wait3A_71 : memref<16384x512xf32, #tpu.memory_space<hbm>>) dst(%arg6 : memref<64x512xf32, #tpu.memory_space<vmem>>)
    %add3A_72 = arith.constant 192 : i32
    %add3A_73 = arith.addi %mul3A_2, %add3A_72 : i32
    %dma_start3A_74 = arith.constant 0 : i32
    %dma_start3A_75 = tpu.memref_slice %arg4[%add3A_73, %dma_start3A_74] : memref<16384x512xf32, #tpu.memory_space<hbm>> -> memref<64x512xf32, #tpu.memory_space<hbm>>
    %dma_start3A_76 = arith.constant 0 : i32
    %dma_start3A_77 = tpu.memref_slice %arg4[%add3A_73, %dma_start3A_76] : memref<16384x512xf32, #tpu.memory_space<hbm>> -> memref<64x512xf32, #tpu.memory_space<hbm>>
    tpu.enqueue_dma source(%arg6 : memref<64x512xf32, #tpu.memory_space<vmem>>) target(%dma_start3A_77 : memref<64x512xf32, #tpu.memory_space<hbm>>) target_semaphore(%arg12 : memref<!tpu.dma_semaphore, #tpu.memory_space<semaphore_mem>>)
    %dma_wait3A_78 = arith.constant 0 : i32
    %dma_wait3A_79 = tpu.memref_slice %arg4[%add3A_53, %dma_wait3A_78] : memref<16384x512xf32, #tpu.memory_space<hbm>> -> memref<64x512xf32, #tpu.memory_space<hbm>>
    %dma_wait3A_80 = arith.constant 0 : i32
    %dma_wait3A_81 = tpu.memref_slice %arg4[%add3A_53, %dma_wait3A_80] : memref<16384x512xf32, #tpu.memory_space<hbm>> -> memref<64x512xf32, #tpu.memory_space<hbm>>
    tpu.wait_dma2 semaphore(%arg14 : memref<!tpu.dma_semaphore, #tpu.memory_space<semaphore_mem>>) src(%arg8 : memref<64x512xf32, #tpu.memory_space<vmem>>) dst(%dma_wait3A_81 : memref<64x512xf32, #tpu.memory_space<hbm>>)
    %dma_start3A_82 = arith.constant 320 : i32
    %dma_start3A_83 = tpu.memref_slice %arg5[%dma_start3A_82] : memref<512xi32, #tpu.memory_space<vmem>> -> memref<64xi32, #tpu.memory_space<vmem>>
    %dma_start3A_84 = arith.constant 0 : i32
    %dma_start3A_85 = arith.constant 0 : i32
    %dma_start3A_86 = tpu.memref_slice %arg2[%dma_start3A_84, %dma_start3A_85] : memref<16384x512xf32, #tpu.memory_space<hbm>> -> memref<16384x512xf32, #tpu.memory_space<hbm>>
    tpu.enqueue_indirect_dma source(%dma_start3A_86 : memref<16384x512xf32, #tpu.memory_space<hbm>>) target(%arg8 : memref<64x512xf32, #tpu.memory_space<vmem>>) offsets(%dma_start3A_83 : memref<64xi32, #tpu.memory_space<vmem>>) semaphore(%arg11 : memref<!tpu.dma_semaphore, #tpu.memory_space<semaphore_mem>>)
    %dma_wait3A_87 = arith.constant 256 : i32
    %dma_wait3A_88 = tpu.memref_slice %arg5[%dma_wait3A_87] : memref<512xi32, #tpu.memory_space<vmem>> -> memref<64xi32, #tpu.memory_space<vmem>>
    %dma_wait3A_89 = arith.constant 0 : i32
    %dma_wait3A_90 = arith.constant 0 : i32
    %dma_wait3A_91 = tpu.memref_slice %arg2[%dma_wait3A_89, %dma_wait3A_90] : memref<16384x512xf32, #tpu.memory_space<hbm>> -> memref<16384x512xf32, #tpu.memory_space<hbm>>
    tpu.wait_indirect_dma semaphore(%arg10 : memref<!tpu.dma_semaphore, #tpu.memory_space<semaphore_mem>>) src(%dma_wait3A_91 : memref<16384x512xf32, #tpu.memory_space<hbm>>) dst(%arg7 : memref<64x512xf32, #tpu.memory_space<vmem>>)
    %add3A_92 = arith.constant 256 : i32
    %add3A_93 = arith.addi %mul3A_2, %add3A_92 : i32
    %dma_start3A_94 = arith.constant 0 : i32
    %dma_start3A_95 = tpu.memref_slice %arg4[%add3A_93, %dma_start3A_94] : memref<16384x512xf32, #tpu.memory_space<hbm>> -> memref<64x512xf32, #tpu.memory_space<hbm>>
    %dma_start3A_96 = arith.constant 0 : i32
    %dma_start3A_97 = tpu.memref_slice %arg4[%add3A_93, %dma_start3A_96] : memref<16384x512xf32, #tpu.memory_space<hbm>> -> memref<64x512xf32, #tpu.memory_space<hbm>>
    tpu.enqueue_dma source(%arg7 : memref<64x512xf32, #tpu.memory_space<vmem>>) target(%dma_start3A_97 : memref<64x512xf32, #tpu.memory_space<hbm>>) target_semaphore(%arg13 : memref<!tpu.dma_semaphore, #tpu.memory_space<semaphore_mem>>)
    %dma_wait3A_98 = arith.constant 0 : i32
    %dma_wait3A_99 = tpu.memref_slice %arg4[%add3A_73, %dma_wait3A_98] : memref<16384x512xf32, #tpu.memory_space<hbm>> -> memref<64x512xf32, #tpu.memory_space<hbm>>
    %dma_wait3A_100 = arith.constant 0 : i32
    %dma_wait3A_101 = tpu.memref_slice %arg4[%add3A_73, %dma_wait3A_100] : memref<16384x512xf32, #tpu.memory_space<hbm>> -> memref<64x512xf32, #tpu.memory_space<hbm>>
    tpu.wait_dma2 semaphore(%arg12 : memref<!tpu.dma_semaphore, #tpu.memory_space<semaphore_mem>>) src(%arg6 : memref<64x512xf32, #tpu.memory_space<vmem>>) dst(%dma_wait3A_101 : memref<64x512xf32, #tpu.memory_space<hbm>>)
    %dma_start3A_102 = arith.constant 384 : i32
    %dma_start3A_103 = tpu.memref_slice %arg5[%dma_start3A_102] : memref<512xi32, #tpu.memory_space<vmem>> -> memref<64xi32, #tpu.memory_space<vmem>>
    %dma_start3A_104 = arith.constant 0 : i32
    %dma_start3A_105 = arith.constant 0 : i32
    %dma_start3A_106 = tpu.memref_slice %arg2[%dma_start3A_104, %dma_start3A_105] : memref<16384x512xf32, #tpu.memory_space<hbm>> -> memref<16384x512xf32, #tpu.memory_space<hbm>>
    tpu.enqueue_indirect_dma source(%dma_start3A_106 : memref<16384x512xf32, #tpu.memory_space<hbm>>) target(%arg6 : memref<64x512xf32, #tpu.memory_space<vmem>>) offsets(%dma_start3A_103 : memref<64xi32, #tpu.memory_space<vmem>>) semaphore(%arg9 : memref<!tpu.dma_semaphore, #tpu.memory_space<semaphore_mem>>)
    %dma_wait3A_107 = arith.constant 320 : i32
    %dma_wait3A_108 = tpu.memref_slice %arg5[%dma_wait3A_107] : memref<512xi32, #tpu.memory_space<vmem>> -> memref<64xi32, #tpu.memory_space<vmem>>
    %dma_wait3A_109 = arith.constant 0 : i32
    %dma_wait3A_110 = arith.constant 0 : i32
    %dma_wait3A_111 = tpu.memref_slice %arg2[%dma_wait3A_109, %dma_wait3A_110] : memref<16384x512xf32, #tpu.memory_space<hbm>> -> memref<16384x512xf32, #tpu.memory_space<hbm>>
    tpu.wait_indirect_dma semaphore(%arg11 : memref<!tpu.dma_semaphore, #tpu.memory_space<semaphore_mem>>) src(%dma_wait3A_111 : memref<16384x512xf32, #tpu.memory_space<hbm>>) dst(%arg8 : memref<64x512xf32, #tpu.memory_space<vmem>>)
    %add3A_112 = arith.constant 320 : i32
    %add3A_113 = arith.addi %mul3A_2, %add3A_112 : i32
    %dma_start3A_114 = arith.constant 0 : i32
    %dma_start3A_115 = tpu.memref_slice %arg4[%add3A_113, %dma_start3A_114] : memref<16384x512xf32, #tpu.memory_space<hbm>> -> memref<64x512xf32, #tpu.memory_space<hbm>>
    %dma_start3A_116 = arith.constant 0 : i32
    %dma_start3A_117 = tpu.memref_slice %arg4[%add3A_113, %dma_start3A_116] : memref<16384x512xf32, #tpu.memory_space<hbm>> -> memref<64x512xf32, #tpu.memory_space<hbm>>
    tpu.enqueue_dma source(%arg8 : memref<64x512xf32, #tpu.memory_space<vmem>>) target(%dma_start3A_117 : memref<64x512xf32, #tpu.memory_space<hbm>>) target_semaphore(%arg14 : memref<!tpu.dma_semaphore, #tpu.memory_space<semaphore_mem>>)
    %dma_wait3A_118 = arith.constant 0 : i32
    %dma_wait3A_119 = tpu.memref_slice %arg4[%add3A_93, %dma_wait3A_118] : memref<16384x512xf32, #tpu.memory_space<hbm>> -> memref<64x512xf32, #tpu.memory_space<hbm>>
    %dma_wait3A_120 = arith.constant 0 : i32
    %dma_wait3A_121 = tpu.memref_slice %arg4[%add3A_93, %dma_wait3A_120] : memref<16384x512xf32, #tpu.memory_space<hbm>> -> memref<64x512xf32, #tpu.memory_space<hbm>>
    tpu.wait_dma2 semaphore(%arg13 : memref<!tpu.dma_semaphore, #tpu.memory_space<semaphore_mem>>) src(%arg7 : memref<64x512xf32, #tpu.memory_space<vmem>>) dst(%dma_wait3A_121 : memref<64x512xf32, #tpu.memory_space<hbm>>)
    %dma_start3A_122 = arith.constant 448 : i32
    %dma_start3A_123 = tpu.memref_slice %arg5[%dma_start3A_122] : memref<512xi32, #tpu.memory_space<vmem>> -> memref<64xi32, #tpu.memory_space<vmem>>
    %dma_start3A_124 = arith.constant 0 : i32
    %dma_start3A_125 = arith.constant 0 : i32
    %dma_start3A_126 = tpu.memref_slice %arg2[%dma_start3A_124, %dma_start3A_125] : memref<16384x512xf32, #tpu.memory_space<hbm>> -> memref<16384x512xf32, #tpu.memory_space<hbm>>
    tpu.enqueue_indirect_dma source(%dma_start3A_126 : memref<16384x512xf32, #tpu.memory_space<hbm>>) target(%arg7 : memref<64x512xf32, #tpu.memory_space<vmem>>) offsets(%dma_start3A_123 : memref<64xi32, #tpu.memory_space<vmem>>) semaphore(%arg10 : memref<!tpu.dma_semaphore, #tpu.memory_space<semaphore_mem>>)
    %dma_wait3A_127 = arith.constant 384 : i32
    %dma_wait3A_128 = tpu.memref_slice %arg5[%dma_wait3A_127] : memref<512xi32, #tpu.memory_space<vmem>> -> memref<64xi32, #tpu.memory_space<vmem>>
    %dma_wait3A_129 = arith.constant 0 : i32
    %dma_wait3A_130 = arith.constant 0 : i32
    %dma_wait3A_131 = tpu.memref_slice %arg2[%dma_wait3A_129, %dma_wait3A_130] : memref<16384x512xf32, #tpu.memory_space<hbm>> -> memref<16384x512xf32, #tpu.memory_space<hbm>>
    tpu.wait_indirect_dma semaphore(%arg9 : memref<!tpu.dma_semaphore, #tpu.memory_space<semaphore_mem>>) src(%dma_wait3A_131 : memref<16384x512xf32, #tpu.memory_space<hbm>>) dst(%arg6 : memref<64x512xf32, #tpu.memory_space<vmem>>)
    %add3A_132 = arith.constant 384 : i32
    %add3A_133 = arith.addi %mul3A_2, %add3A_132 : i32
    %dma_start3A_134 = arith.constant 0 : i32
    %dma_start3A_135 = tpu.memref_slice %arg4[%add3A_133, %dma_start3A_134] : memref<16384x512xf32, #tpu.memory_space<hbm>> -> memref<64x512xf32, #tpu.memory_space<hbm>>
    %dma_start3A_136 = arith.constant 0 : i32
    %dma_start3A_137 = tpu.memref_slice %arg4[%add3A_133, %dma_start3A_136] : memref<16384x512xf32, #tpu.memory_space<hbm>> -> memref<64x512xf32, #tpu.memory_space<hbm>>
    tpu.enqueue_dma source(%arg6 : memref<64x512xf32, #tpu.memory_space<vmem>>) target(%dma_start3A_137 : memref<64x512xf32, #tpu.memory_space<hbm>>) target_semaphore(%arg12 : memref<!tpu.dma_semaphore, #tpu.memory_space<semaphore_mem>>)
    %dma_wait3A_138 = arith.constant 448 : i32
    %dma_wait3A_139 = tpu.memref_slice %arg5[%dma_wait3A_138] : memref<512xi32, #tpu.memory_space<vmem>> -> memref<64xi32, #tpu.memory_space<vmem>>
    %dma_wait3A_140 = arith.constant 0 : i32
    %dma_wait3A_141 = arith.constant 0 : i32
    %dma_wait3A_142 = tpu.memref_slice %arg2[%dma_wait3A_140, %dma_wait3A_141] : memref<16384x512xf32, #tpu.memory_space<hbm>> -> memref<16384x512xf32, #tpu.memory_space<hbm>>
    tpu.wait_indirect_dma semaphore(%arg10 : memref<!tpu.dma_semaphore, #tpu.memory_space<semaphore_mem>>) src(%dma_wait3A_142 : memref<16384x512xf32, #tpu.memory_space<hbm>>) dst(%arg7 : memref<64x512xf32, #tpu.memory_space<vmem>>)
    %add3A_143 = arith.constant 448 : i32
    %add3A_144 = arith.addi %mul3A_2, %add3A_143 : i32
    %dma_start3A_145 = arith.constant 0 : i32
    %dma_start3A_146 = tpu.memref_slice %arg4[%add3A_144, %dma_start3A_145] : memref<16384x512xf32, #tpu.memory_space<hbm>> -> memref<64x512xf32, #tpu.memory_space<hbm>>
    %dma_start3A_147 = arith.constant 0 : i32
    %dma_start3A_148 = tpu.memref_slice %arg4[%add3A_144, %dma_start3A_147] : memref<16384x512xf32, #tpu.memory_space<hbm>> -> memref<64x512xf32, #tpu.memory_space<hbm>>
    tpu.enqueue_dma source(%arg7 : memref<64x512xf32, #tpu.memory_space<vmem>>) target(%dma_start3A_148 : memref<64x512xf32, #tpu.memory_space<hbm>>) target_semaphore(%arg13 : memref<!tpu.dma_semaphore, #tpu.memory_space<semaphore_mem>>)
    %dma_wait3A_149 = arith.constant 0 : i32
    %dma_wait3A_150 = tpu.memref_slice %arg4[%add3A_133, %dma_wait3A_149] : memref<16384x512xf32, #tpu.memory_space<hbm>> -> memref<64x512xf32, #tpu.memory_space<hbm>>
    %dma_wait3A_151 = arith.constant 0 : i32
    %dma_wait3A_152 = tpu.memref_slice %arg4[%add3A_133, %dma_wait3A_151] : memref<16384x512xf32, #tpu.memory_space<hbm>> -> memref<64x512xf32, #tpu.memory_space<hbm>>
    tpu.wait_dma2 semaphore(%arg12 : memref<!tpu.dma_semaphore, #tpu.memory_space<semaphore_mem>>) src(%arg6 : memref<64x512xf32, #tpu.memory_space<vmem>>) dst(%dma_wait3A_152 : memref<64x512xf32, #tpu.memory_space<hbm>>)
    %dma_wait3A_153 = arith.constant 0 : i32
    %dma_wait3A_154 = tpu.memref_slice %arg4[%add3A_144, %dma_wait3A_153] : memref<16384x512xf32, #tpu.memory_space<hbm>> -> memref<64x512xf32, #tpu.memory_space<hbm>>
    %dma_wait3A_155 = arith.constant 0 : i32
    %dma_wait3A_156 = tpu.memref_slice %arg4[%add3A_144, %dma_wait3A_155] : memref<16384x512xf32, #tpu.memory_space<hbm>> -> memref<64x512xf32, #tpu.memory_space<hbm>>
    tpu.wait_dma2 semaphore(%arg13 : memref<!tpu.dma_semaphore, #tpu.memory_space<semaphore_mem>>) src(%arg7 : memref<64x512xf32, #tpu.memory_space<vmem>>) dst(%dma_wait3A_156 : memref<64x512xf32, #tpu.memory_space<hbm>>)
    %dma_wait3A_157 = arith.constant 0 : i32
    %dma_wait3A_158 = tpu.memref_slice %arg4[%add3A_113, %dma_wait3A_157] : memref<16384x512xf32, #tpu.memory_space<hbm>> -> memref<64x512xf32, #tpu.memory_space<hbm>>
    %dma_wait3A_159 = arith.constant 0 : i32
    %dma_wait3A_160 = tpu.memref_slice %arg4[%add3A_113, %dma_wait3A_159] : memref<16384x512xf32, #tpu.memory_space<hbm>> -> memref<64x512xf32, #tpu.memory_space<hbm>>
    tpu.wait_dma2 semaphore(%arg14 : memref<!tpu.dma_semaphore, #tpu.memory_space<semaphore_mem>>) src(%arg8 : memref<64x512xf32, #tpu.memory_space<vmem>>) dst(%dma_wait3A_160 : memref<64x512xf32, #tpu.memory_space<hbm>>)
    return
  }
}

module attributes {stable_mosaic.version = 14 : i64} {
  func.func @_attn_body(%arg0: i32, %arg1: memref<1024x512xf32, #tpu.memory_space<vmem>>, %arg2: memref<512x1536xbf16, #tpu.memory_space<vmem>>, %arg3: memref<1x1536xf32, #tpu.memory_space<vmem>>, %arg4: memref<512x512xbf16, #tpu.memory_space<vmem>>, %arg5: memref<1x512xf32, #tpu.memory_space<vmem>>, %arg6: memref<1024x512xf32, #tpu.memory_space<vmem>>) attributes {dimension_semantics = [#tpu.dimension_semantics<arbitrary>], iteration_bounds = array<i64: 16>, scalar_prefetch = 0 : i64, scratch_operands = 0 : i64, tpu.core_type = #tpu.core_type<tc>, window_params = [{transform_indices = @transform_0, window_bounds = array<i64: 1024, 512>}, {pipeline_mode = #tpu.pipeline_mode<synchronous>, transform_indices = @transform_1, window_bounds = array<i64: 512, 1536>}, {pipeline_mode = #tpu.pipeline_mode<synchronous>, transform_indices = @transform_2, window_bounds = array<i64: 1, 1536>}, {pipeline_mode = #tpu.pipeline_mode<synchronous>, transform_indices = @transform_3, window_bounds = array<i64: 512, 512>}, {pipeline_mode = #tpu.pipeline_mode<synchronous>, transform_indices = @transform_4, window_bounds = array<i64: 1, 512>}, {transform_indices = @transform_5, window_bounds = array<i64: 1024, 512>}]} {
    %get3A = arith.constant 0 : index
    %get3A_0 = arith.constant 0 : index
    %get3A_1 = vector.load %arg1[%get3A, %get3A_0] : memref<1024x512xf32, #tpu.memory_space<vmem>>, vector<1024x512xf32>
    %convert_element_type3A = arith.truncf %get3A_1 : vector<1024x512xf32> to vector<1024x512xbf16>
    %slice3A = vector.extract_strided_slice %convert_element_type3A {offsets = [0, 0], sizes = [512, 512], strides = [1, 1]} : vector<1024x512xbf16> to vector<512x512xbf16>
    %slice3A_2 = vector.extract_strided_slice %convert_element_type3A {offsets = [512, 0], sizes = [512, 512], strides = [1, 1]} : vector<1024x512xbf16> to vector<512x512xbf16>
    %get3A_3 = arith.constant 0 : index
    %get3A_4 = arith.constant 0 : index
    %get3A_5 = vector.load %arg2[%get3A_3, %get3A_4] : memref<512x1536xbf16, #tpu.memory_space<vmem>>, vector<512x1536xbf16>
    %get3A_6 = arith.constant 0 : index
    %get3A_7 = arith.constant 0 : index
    %get3A_8 = vector.load %arg3[%get3A_6, %get3A_7] : memref<1x1536xf32, #tpu.memory_space<vmem>>, vector<1x1536xf32>
    %get3A_9 = arith.constant 0 : index
    %get3A_10 = arith.constant 0 : index
    %get3A_11 = vector.load %arg4[%get3A_9, %get3A_10] : memref<512x512xbf16, #tpu.memory_space<vmem>>, vector<512x512xbf16>
    %get3A_12 = arith.constant 0 : index
    %get3A_13 = arith.constant 0 : index
    %get3A_14 = vector.load %arg5[%get3A_12, %get3A_13] : memref<1x512xf32, #tpu.memory_space<vmem>>, vector<1x512xf32>
    %broadcast_in_dim3A = arith.constant 1.000000e+00 : bf16
    %broadcast_in_dim3A_15 = vector.broadcast %broadcast_in_dim3A : bf16 to vector<512x32xbf16>
    %slice3A_16 = vector.extract_strided_slice %get3A_5 {offsets = [0, 0], sizes = [512, 512], strides = [1, 1]} : vector<512x1536xbf16> to vector<512x512xbf16>
    %dot_general3A = arith.constant dense<0.000000e+00> : vector<512x512xf32>
    %dot_general3A_17 = tpu.matmul %slice3A, %slice3A_16, %dot_general3A {dimension_numbers = #tpu.dot_dimension_numbers<[1], [0], [0], [1], [0, 0, 1, 1], [], []>, transpose_lhs_hint = false} : vector<512x512xbf16>, vector<512x512xbf16>, vector<512x512xf32> -> vector<512x512xf32>
    %slice3A_18 = vector.extract_strided_slice %get3A_8 {offsets = [0, 0], sizes = [1, 512], strides = [1, 1]} : vector<1x1536xf32> to vector<1x512xf32>
    %add3A = vector.broadcast %slice3A_18 : vector<1x512xf32> to vector<512x512xf32>
    %add3A_19 = arith.addf %dot_general3A_17, %add3A : vector<512x512xf32>
    %convert_element_type3A_20 = arith.truncf %add3A_19 : vector<512x512xf32> to vector<512x512xbf16>
    %slice3A_21 = vector.extract_strided_slice %get3A_5 {offsets = [0, 512], sizes = [512, 512], strides = [1, 1]} : vector<512x1536xbf16> to vector<512x512xbf16>
    %dot_general3A_22 = arith.constant dense<0.000000e+00> : vector<512x512xf32>
    %dot_general3A_23 = tpu.matmul %slice3A, %slice3A_21, %dot_general3A_22 {dimension_numbers = #tpu.dot_dimension_numbers<[1], [0], [0], [1], [0, 0, 1, 1], [], []>, transpose_lhs_hint = false} : vector<512x512xbf16>, vector<512x512xbf16>, vector<512x512xf32> -> vector<512x512xf32>
    %slice3A_24 = vector.extract_strided_slice %get3A_8 {offsets = [0, 512], sizes = [1, 512], strides = [1, 1]} : vector<1x1536xf32> to vector<1x512xf32>
    %add3A_25 = vector.broadcast %slice3A_24 : vector<1x512xf32> to vector<512x512xf32>
    %add3A_26 = arith.addf %dot_general3A_23, %add3A_25 : vector<512x512xf32>
    %convert_element_type3A_27 = arith.truncf %add3A_26 : vector<512x512xf32> to vector<512x512xbf16>
    %slice3A_28 = vector.extract_strided_slice %get3A_5 {offsets = [0, 1024], sizes = [512, 512], strides = [1, 1]} : vector<512x1536xbf16> to vector<512x512xbf16>
    %dot_general3A_29 = arith.constant dense<0.000000e+00> : vector<512x512xf32>
    %dot_general3A_30 = tpu.matmul %slice3A, %slice3A_28, %dot_general3A_29 {dimension_numbers = #tpu.dot_dimension_numbers<[1], [0], [0], [1], [0, 0, 1, 1], [], []>, transpose_lhs_hint = false} : vector<512x512xbf16>, vector<512x512xbf16>, vector<512x512xf32> -> vector<512x512xf32>
    %slice3A_31 = vector.extract_strided_slice %get3A_8 {offsets = [0, 1024], sizes = [1, 512], strides = [1, 1]} : vector<1x1536xf32> to vector<1x512xf32>
    %add3A_32 = vector.broadcast %slice3A_31 : vector<1x512xf32> to vector<512x512xf32>
    %add3A_33 = arith.addf %dot_general3A_30, %add3A_32 : vector<512x512xf32>
    %convert_element_type3A_34 = arith.truncf %add3A_33 : vector<512x512xf32> to vector<512x512xbf16>
    %slice3A_35 = vector.extract_strided_slice %convert_element_type3A_20 {offsets = [0, 0], sizes = [512, 32], strides = [1, 1]} : vector<512x512xbf16> to vector<512x32xbf16>
    %slice3A_36 = vector.extract_strided_slice %convert_element_type3A_27 {offsets = [0, 0], sizes = [512, 32], strides = [1, 1]} : vector<512x512xbf16> to vector<512x32xbf16>
    %dot_general3A_37 = arith.constant dense<0.000000e+00> : vector<512x512xf32>
    %dot_general3A_38 = tpu.matmul %slice3A_35, %slice3A_36, %dot_general3A_37 {dimension_numbers = #tpu.dot_dimension_numbers<[1], [1], [0], [0], [0, 0, 1, 0], [], []>, transpose_lhs_hint = false} : vector<512x32xbf16>, vector<512x32xbf16>, vector<512x512xf32> -> vector<512x512xf32>
    %slice3A_39 = vector.extract_strided_slice %convert_element_type3A_20 {offsets = [0, 32], sizes = [512, 32], strides = [1, 1]} : vector<512x512xbf16> to vector<512x32xbf16>
    %slice3A_40 = vector.extract_strided_slice %convert_element_type3A_27 {offsets = [0, 32], sizes = [512, 32], strides = [1, 1]} : vector<512x512xbf16> to vector<512x32xbf16>
    %dot_general3A_41 = arith.constant dense<0.000000e+00> : vector<512x512xf32>
    %dot_general3A_42 = tpu.matmul %slice3A_39, %slice3A_40, %dot_general3A_41 {dimension_numbers = #tpu.dot_dimension_numbers<[1], [1], [0], [0], [0, 0, 1, 0], [], []>, transpose_lhs_hint = false} : vector<512x32xbf16>, vector<512x32xbf16>, vector<512x512xf32> -> vector<512x512xf32>
    %exp23A = math.exp2 %dot_general3A_38 : vector<512x512xf32>
    %convert_element_type3A_43 = arith.truncf %exp23A : vector<512x512xf32> to vector<512x512xbf16>
    %slice3A_44 = vector.extract_strided_slice %get3A_5 {offsets = [0, 0], sizes = [512, 512], strides = [1, 1]} : vector<512x1536xbf16> to vector<512x512xbf16>
    %dot_general3A_45 = arith.constant dense<0.000000e+00> : vector<512x512xf32>
    %dot_general3A_46 = tpu.matmul %slice3A_2, %slice3A_44, %dot_general3A_45 {dimension_numbers = #tpu.dot_dimension_numbers<[1], [0], [0], [1], [0, 0, 1, 1], [], []>, transpose_lhs_hint = false} : vector<512x512xbf16>, vector<512x512xbf16>, vector<512x512xf32> -> vector<512x512xf32>
    %slice3A_47 = vector.extract_strided_slice %get3A_8 {offsets = [0, 0], sizes = [1, 512], strides = [1, 1]} : vector<1x1536xf32> to vector<1x512xf32>
    %add3A_48 = vector.broadcast %slice3A_47 : vector<1x512xf32> to vector<512x512xf32>
    %add3A_49 = arith.addf %dot_general3A_46, %add3A_48 : vector<512x512xf32>
    %convert_element_type3A_50 = arith.truncf %add3A_49 : vector<512x512xf32> to vector<512x512xbf16>
    %slice3A_51 = vector.extract_strided_slice %convert_element_type3A_20 {offsets = [0, 64], sizes = [512, 32], strides = [1, 1]} : vector<512x512xbf16> to vector<512x32xbf16>
    %slice3A_52 = vector.extract_strided_slice %convert_element_type3A_27 {offsets = [0, 64], sizes = [512, 32], strides = [1, 1]} : vector<512x512xbf16> to vector<512x32xbf16>
    %dot_general3A_53 = arith.constant dense<0.000000e+00> : vector<512x512xf32>
    %dot_general3A_54 = tpu.matmul %slice3A_51, %slice3A_52, %dot_general3A_53 {dimension_numbers = #tpu.dot_dimension_numbers<[1], [1], [0], [0], [0, 0, 1, 0], [], []>, transpose_lhs_hint = false} : vector<512x32xbf16>, vector<512x32xbf16>, vector<512x512xf32> -> vector<512x512xf32>
    %exp23A_55 = math.exp2 %dot_general3A_42 : vector<512x512xf32>
    %convert_element_type3A_56 = arith.truncf %exp23A_55 : vector<512x512xf32> to vector<512x512xbf16>
    %slice3A_57 = vector.extract_strided_slice %convert_element_type3A_34 {offsets = [0, 0], sizes = [512, 32], strides = [1, 1]} : vector<512x512xbf16> to vector<512x32xbf16>
    %concatenate3A = tpu.concatenate %slice3A_57, %broadcast_in_dim3A_15 in 1 : vector<512x32xbf16>, vector<512x32xbf16> -> vector<512x64xbf16>
    %dot_general3A_58 = arith.constant dense<0.000000e+00> : vector<512x64xf32>
    %dot_general3A_59 = tpu.matmul %convert_element_type3A_43, %concatenate3A, %dot_general3A_58 {dimension_numbers = #tpu.dot_dimension_numbers<[1], [0], [0], [1], [0, 0, 1, 1], [], []>, transpose_lhs_hint = false} : vector<512x512xbf16>, vector<512x64xbf16>, vector<512x64xf32> -> vector<512x64xf32>
    %slice3A_60 = vector.extract_strided_slice %dot_general3A_59 {offsets = [0, 0], sizes = [512, 32], strides = [1, 1]} : vector<512x64xf32> to vector<512x32xf32>
    %slice3A_61 = vector.extract_strided_slice %dot_general3A_59 {offsets = [0, 32], sizes = [512, 32], strides = [1, 1]} : vector<512x64xf32> to vector<512x32xf32>
    %div3A = arith.constant 1.000000e+00 : f32
    %div3A_62 = vector.broadcast %div3A : f32 to vector<512x32xf32>
    %div3A_63 = arith.divf %div3A_62, %slice3A_61 : vector<512x32xf32>
    %mul3A = arith.mulf %slice3A_60, %div3A_63 : vector<512x32xf32>
    %convert_element_type3A_64 = arith.truncf %mul3A : vector<512x32xf32> to vector<512x32xbf16>
    %slice3A_65 = vector.extract_strided_slice %convert_element_type3A_20 {offsets = [0, 96], sizes = [512, 32], strides = [1, 1]} : vector<512x512xbf16> to vector<512x32xbf16>
    %slice3A_66 = vector.extract_strided_slice %convert_element_type3A_27 {offsets = [0, 96], sizes = [512, 32], strides = [1, 1]} : vector<512x512xbf16> to vector<512x32xbf16>
    %dot_general3A_67 = arith.constant dense<0.000000e+00> : vector<512x512xf32>
    %dot_general3A_68 = tpu.matmul %slice3A_65, %slice3A_66, %dot_general3A_67 {dimension_numbers = #tpu.dot_dimension_numbers<[1], [1], [0], [0], [0, 0, 1, 0], [], []>, transpose_lhs_hint = false} : vector<512x32xbf16>, vector<512x32xbf16>, vector<512x512xf32> -> vector<512x512xf32>
    %exp23A_69 = math.exp2 %dot_general3A_54 : vector<512x512xf32>
    %convert_element_type3A_70 = arith.truncf %exp23A_69 : vector<512x512xf32> to vector<512x512xbf16>
    %slice3A_71 = vector.extract_strided_slice %convert_element_type3A_34 {offsets = [0, 32], sizes = [512, 32], strides = [1, 1]} : vector<512x512xbf16> to vector<512x32xbf16>
    %concatenate3A_72 = tpu.concatenate %slice3A_71, %broadcast_in_dim3A_15 in 1 : vector<512x32xbf16>, vector<512x32xbf16> -> vector<512x64xbf16>
    %dot_general3A_73 = arith.constant dense<0.000000e+00> : vector<512x64xf32>
    %dot_general3A_74 = tpu.matmul %convert_element_type3A_56, %concatenate3A_72, %dot_general3A_73 {dimension_numbers = #tpu.dot_dimension_numbers<[1], [0], [0], [1], [0, 0, 1, 1], [], []>, transpose_lhs_hint = false} : vector<512x512xbf16>, vector<512x64xbf16>, vector<512x64xf32> -> vector<512x64xf32>
    %slice3A_75 = vector.extract_strided_slice %dot_general3A_74 {offsets = [0, 0], sizes = [512, 32], strides = [1, 1]} : vector<512x64xf32> to vector<512x32xf32>
    %slice3A_76 = vector.extract_strided_slice %dot_general3A_74 {offsets = [0, 32], sizes = [512, 32], strides = [1, 1]} : vector<512x64xf32> to vector<512x32xf32>
    %div3A_77 = arith.constant 1.000000e+00 : f32
    %div3A_78 = vector.broadcast %div3A_77 : f32 to vector<512x32xf32>
    %div3A_79 = arith.divf %div3A_78, %slice3A_76 : vector<512x32xf32>
    %mul3A_80 = arith.mulf %slice3A_75, %div3A_79 : vector<512x32xf32>
    %convert_element_type3A_81 = arith.truncf %mul3A_80 : vector<512x32xf32> to vector<512x32xbf16>
    %slice3A_82 = vector.extract_strided_slice %get3A_5 {offsets = [0, 512], sizes = [512, 512], strides = [1, 1]} : vector<512x1536xbf16> to vector<512x512xbf16>
    %dot_general3A_83 = arith.constant dense<0.000000e+00> : vector<512x512xf32>
    %dot_general3A_84 = tpu.matmul %slice3A_2, %slice3A_82, %dot_general3A_83 {dimension_numbers = #tpu.dot_dimension_numbers<[1], [0], [0], [1], [0, 0, 1, 1], [], []>, transpose_lhs_hint = false} : vector<512x512xbf16>, vector<512x512xbf16>, vector<512x512xf32> -> vector<512x512xf32>
    %slice3A_85 = vector.extract_strided_slice %get3A_8 {offsets = [0, 512], sizes = [1, 512], strides = [1, 1]} : vector<1x1536xf32> to vector<1x512xf32>
    %add3A_86 = vector.broadcast %slice3A_85 : vector<1x512xf32> to vector<512x512xf32>
    %add3A_87 = arith.addf %dot_general3A_84, %add3A_86 : vector<512x512xf32>
    %convert_element_type3A_88 = arith.truncf %add3A_87 : vector<512x512xf32> to vector<512x512xbf16>
    %slice3A_89 = vector.extract_strided_slice %convert_element_type3A_20 {offsets = [0, 128], sizes = [512, 32], strides = [1, 1]} : vector<512x512xbf16> to vector<512x32xbf16>
    %slice3A_90 = vector.extract_strided_slice %convert_element_type3A_27 {offsets = [0, 128], sizes = [512, 32], strides = [1, 1]} : vector<512x512xbf16> to vector<512x32xbf16>
    %dot_general3A_91 = arith.constant dense<0.000000e+00> : vector<512x512xf32>
    %dot_general3A_92 = tpu.matmul %slice3A_89, %slice3A_90, %dot_general3A_91 {dimension_numbers = #tpu.dot_dimension_numbers<[1], [1], [0], [0], [0, 0, 1, 0], [], []>, transpose_lhs_hint = false} : vector<512x32xbf16>, vector<512x32xbf16>, vector<512x512xf32> -> vector<512x512xf32>
    %exp23A_93 = math.exp2 %dot_general3A_68 : vector<512x512xf32>
    %convert_element_type3A_94 = arith.truncf %exp23A_93 : vector<512x512xf32> to vector<512x512xbf16>
    %slice3A_95 = vector.extract_strided_slice %convert_element_type3A_34 {offsets = [0, 64], sizes = [512, 32], strides = [1, 1]} : vector<512x512xbf16> to vector<512x32xbf16>
    %concatenate3A_96 = tpu.concatenate %slice3A_95, %broadcast_in_dim3A_15 in 1 : vector<512x32xbf16>, vector<512x32xbf16> -> vector<512x64xbf16>
    %dot_general3A_97 = arith.constant dense<0.000000e+00> : vector<512x64xf32>
    %dot_general3A_98 = tpu.matmul %convert_element_type3A_70, %concatenate3A_96, %dot_general3A_97 {dimension_numbers = #tpu.dot_dimension_numbers<[1], [0], [0], [1], [0, 0, 1, 1], [], []>, transpose_lhs_hint = false} : vector<512x512xbf16>, vector<512x64xbf16>, vector<512x64xf32> -> vector<512x64xf32>
    %slice3A_99 = vector.extract_strided_slice %dot_general3A_98 {offsets = [0, 0], sizes = [512, 32], strides = [1, 1]} : vector<512x64xf32> to vector<512x32xf32>
    %slice3A_100 = vector.extract_strided_slice %dot_general3A_98 {offsets = [0, 32], sizes = [512, 32], strides = [1, 1]} : vector<512x64xf32> to vector<512x32xf32>
    %div3A_101 = arith.constant 1.000000e+00 : f32
    %div3A_102 = vector.broadcast %div3A_101 : f32 to vector<512x32xf32>
    %div3A_103 = arith.divf %div3A_102, %slice3A_100 : vector<512x32xf32>
    %mul3A_104 = arith.mulf %slice3A_99, %div3A_103 : vector<512x32xf32>
    %convert_element_type3A_105 = arith.truncf %mul3A_104 : vector<512x32xf32> to vector<512x32xbf16>
    %slice3A_106 = vector.extract_strided_slice %convert_element_type3A_20 {offsets = [0, 160], sizes = [512, 32], strides = [1, 1]} : vector<512x512xbf16> to vector<512x32xbf16>
    %slice3A_107 = vector.extract_strided_slice %convert_element_type3A_27 {offsets = [0, 160], sizes = [512, 32], strides = [1, 1]} : vector<512x512xbf16> to vector<512x32xbf16>
    %dot_general3A_108 = arith.constant dense<0.000000e+00> : vector<512x512xf32>
    %dot_general3A_109 = tpu.matmul %slice3A_106, %slice3A_107, %dot_general3A_108 {dimension_numbers = #tpu.dot_dimension_numbers<[1], [1], [0], [0], [0, 0, 1, 0], [], []>, transpose_lhs_hint = false} : vector<512x32xbf16>, vector<512x32xbf16>, vector<512x512xf32> -> vector<512x512xf32>
    %exp23A_110 = math.exp2 %dot_general3A_92 : vector<512x512xf32>
    %convert_element_type3A_111 = arith.truncf %exp23A_110 : vector<512x512xf32> to vector<512x512xbf16>
    %slice3A_112 = vector.extract_strided_slice %convert_element_type3A_34 {offsets = [0, 96], sizes = [512, 32], strides = [1, 1]} : vector<512x512xbf16> to vector<512x32xbf16>
    %concatenate3A_113 = tpu.concatenate %slice3A_112, %broadcast_in_dim3A_15 in 1 : vector<512x32xbf16>, vector<512x32xbf16> -> vector<512x64xbf16>
    %dot_general3A_114 = arith.constant dense<0.000000e+00> : vector<512x64xf32>
    %dot_general3A_115 = tpu.matmul %convert_element_type3A_94, %concatenate3A_113, %dot_general3A_114 {dimension_numbers = #tpu.dot_dimension_numbers<[1], [0], [0], [1], [0, 0, 1, 1], [], []>, transpose_lhs_hint = false} : vector<512x512xbf16>, vector<512x64xbf16>, vector<512x64xf32> -> vector<512x64xf32>
    %slice3A_116 = vector.extract_strided_slice %dot_general3A_115 {offsets = [0, 0], sizes = [512, 32], strides = [1, 1]} : vector<512x64xf32> to vector<512x32xf32>
    %slice3A_117 = vector.extract_strided_slice %dot_general3A_115 {offsets = [0, 32], sizes = [512, 32], strides = [1, 1]} : vector<512x64xf32> to vector<512x32xf32>
    %div3A_118 = arith.constant 1.000000e+00 : f32
    %div3A_119 = vector.broadcast %div3A_118 : f32 to vector<512x32xf32>
    %div3A_120 = arith.divf %div3A_119, %slice3A_117 : vector<512x32xf32>
    %mul3A_121 = arith.mulf %slice3A_116, %div3A_120 : vector<512x32xf32>
    %convert_element_type3A_122 = arith.truncf %mul3A_121 : vector<512x32xf32> to vector<512x32xbf16>
    %slice3A_123 = vector.extract_strided_slice %get3A_5 {offsets = [0, 1024], sizes = [512, 512], strides = [1, 1]} : vector<512x1536xbf16> to vector<512x512xbf16>
    %dot_general3A_124 = arith.constant dense<0.000000e+00> : vector<512x512xf32>
    %dot_general3A_125 = tpu.matmul %slice3A_2, %slice3A_123, %dot_general3A_124 {dimension_numbers = #tpu.dot_dimension_numbers<[1], [0], [0], [1], [0, 0, 1, 1], [], []>, transpose_lhs_hint = false} : vector<512x512xbf16>, vector<512x512xbf16>, vector<512x512xf32> -> vector<512x512xf32>
    %slice3A_126 = vector.extract_strided_slice %get3A_8 {offsets = [0, 1024], sizes = [1, 512], strides = [1, 1]} : vector<1x1536xf32> to vector<1x512xf32>
    %add3A_127 = vector.broadcast %slice3A_126 : vector<1x512xf32> to vector<512x512xf32>
    %add3A_128 = arith.addf %dot_general3A_125, %add3A_127 : vector<512x512xf32>
    %convert_element_type3A_129 = arith.truncf %add3A_128 : vector<512x512xf32> to vector<512x512xbf16>
    %slice3A_130 = vector.extract_strided_slice %convert_element_type3A_20 {offsets = [0, 192], sizes = [512, 32], strides = [1, 1]} : vector<512x512xbf16> to vector<512x32xbf16>
    %slice3A_131 = vector.extract_strided_slice %convert_element_type3A_27 {offsets = [0, 192], sizes = [512, 32], strides = [1, 1]} : vector<512x512xbf16> to vector<512x32xbf16>
    %dot_general3A_132 = arith.constant dense<0.000000e+00> : vector<512x512xf32>
    %dot_general3A_133 = tpu.matmul %slice3A_130, %slice3A_131, %dot_general3A_132 {dimension_numbers = #tpu.dot_dimension_numbers<[1], [1], [0], [0], [0, 0, 1, 0], [], []>, transpose_lhs_hint = false} : vector<512x32xbf16>, vector<512x32xbf16>, vector<512x512xf32> -> vector<512x512xf32>
    %exp23A_134 = math.exp2 %dot_general3A_109 : vector<512x512xf32>
    %convert_element_type3A_135 = arith.truncf %exp23A_134 : vector<512x512xf32> to vector<512x512xbf16>
    %slice3A_136 = vector.extract_strided_slice %convert_element_type3A_34 {offsets = [0, 128], sizes = [512, 32], strides = [1, 1]} : vector<512x512xbf16> to vector<512x32xbf16>
    %concatenate3A_137 = tpu.concatenate %slice3A_136, %broadcast_in_dim3A_15 in 1 : vector<512x32xbf16>, vector<512x32xbf16> -> vector<512x64xbf16>
    %dot_general3A_138 = arith.constant dense<0.000000e+00> : vector<512x64xf32>
    %dot_general3A_139 = tpu.matmul %convert_element_type3A_111, %concatenate3A_137, %dot_general3A_138 {dimension_numbers = #tpu.dot_dimension_numbers<[1], [0], [0], [1], [0, 0, 1, 1], [], []>, transpose_lhs_hint = false} : vector<512x512xbf16>, vector<512x64xbf16>, vector<512x64xf32> -> vector<512x64xf32>
    %slice3A_140 = vector.extract_strided_slice %dot_general3A_139 {offsets = [0, 0], sizes = [512, 32], strides = [1, 1]} : vector<512x64xf32> to vector<512x32xf32>
    %slice3A_141 = vector.extract_strided_slice %dot_general3A_139 {offsets = [0, 32], sizes = [512, 32], strides = [1, 1]} : vector<512x64xf32> to vector<512x32xf32>
    %div3A_142 = arith.constant 1.000000e+00 : f32
    %div3A_143 = vector.broadcast %div3A_142 : f32 to vector<512x32xf32>
    %div3A_144 = arith.divf %div3A_143, %slice3A_141 : vector<512x32xf32>
    %mul3A_145 = arith.mulf %slice3A_140, %div3A_144 : vector<512x32xf32>
    %convert_element_type3A_146 = arith.truncf %mul3A_145 : vector<512x32xf32> to vector<512x32xbf16>
    %slice3A_147 = vector.extract_strided_slice %convert_element_type3A_20 {offsets = [0, 224], sizes = [512, 32], strides = [1, 1]} : vector<512x512xbf16> to vector<512x32xbf16>
    %slice3A_148 = vector.extract_strided_slice %convert_element_type3A_27 {offsets = [0, 224], sizes = [512, 32], strides = [1, 1]} : vector<512x512xbf16> to vector<512x32xbf16>
    %dot_general3A_149 = arith.constant dense<0.000000e+00> : vector<512x512xf32>
    %dot_general3A_150 = tpu.matmul %slice3A_147, %slice3A_148, %dot_general3A_149 {dimension_numbers = #tpu.dot_dimension_numbers<[1], [1], [0], [0], [0, 0, 1, 0], [], []>, transpose_lhs_hint = false} : vector<512x32xbf16>, vector<512x32xbf16>, vector<512x512xf32> -> vector<512x512xf32>
    %exp23A_151 = math.exp2 %dot_general3A_133 : vector<512x512xf32>
    %convert_element_type3A_152 = arith.truncf %exp23A_151 : vector<512x512xf32> to vector<512x512xbf16>
    %slice3A_153 = vector.extract_strided_slice %convert_element_type3A_34 {offsets = [0, 160], sizes = [512, 32], strides = [1, 1]} : vector<512x512xbf16> to vector<512x32xbf16>
    %concatenate3A_154 = tpu.concatenate %slice3A_153, %broadcast_in_dim3A_15 in 1 : vector<512x32xbf16>, vector<512x32xbf16> -> vector<512x64xbf16>
    %dot_general3A_155 = arith.constant dense<0.000000e+00> : vector<512x64xf32>
    %dot_general3A_156 = tpu.matmul %convert_element_type3A_135, %concatenate3A_154, %dot_general3A_155 {dimension_numbers = #tpu.dot_dimension_numbers<[1], [0], [0], [1], [0, 0, 1, 1], [], []>, transpose_lhs_hint = false} : vector<512x512xbf16>, vector<512x64xbf16>, vector<512x64xf32> -> vector<512x64xf32>
    %slice3A_157 = vector.extract_strided_slice %dot_general3A_156 {offsets = [0, 0], sizes = [512, 32], strides = [1, 1]} : vector<512x64xf32> to vector<512x32xf32>
    %slice3A_158 = vector.extract_strided_slice %dot_general3A_156 {offsets = [0, 32], sizes = [512, 32], strides = [1, 1]} : vector<512x64xf32> to vector<512x32xf32>
    %div3A_159 = arith.constant 1.000000e+00 : f32
    %div3A_160 = vector.broadcast %div3A_159 : f32 to vector<512x32xf32>
    %div3A_161 = arith.divf %div3A_160, %slice3A_158 : vector<512x32xf32>
    %mul3A_162 = arith.mulf %slice3A_157, %div3A_161 : vector<512x32xf32>
    %convert_element_type3A_163 = arith.truncf %mul3A_162 : vector<512x32xf32> to vector<512x32xbf16>
    %slice3A_164 = vector.extract_strided_slice %convert_element_type3A_20 {offsets = [0, 256], sizes = [512, 32], strides = [1, 1]} : vector<512x512xbf16> to vector<512x32xbf16>
    %slice3A_165 = vector.extract_strided_slice %convert_element_type3A_27 {offsets = [0, 256], sizes = [512, 32], strides = [1, 1]} : vector<512x512xbf16> to vector<512x32xbf16>
    %dot_general3A_166 = arith.constant dense<0.000000e+00> : vector<512x512xf32>
    %dot_general3A_167 = tpu.matmul %slice3A_164, %slice3A_165, %dot_general3A_166 {dimension_numbers = #tpu.dot_dimension_numbers<[1], [1], [0], [0], [0, 0, 1, 0], [], []>, transpose_lhs_hint = false} : vector<512x32xbf16>, vector<512x32xbf16>, vector<512x512xf32> -> vector<512x512xf32>
    %exp23A_168 = math.exp2 %dot_general3A_150 : vector<512x512xf32>
    %convert_element_type3A_169 = arith.truncf %exp23A_168 : vector<512x512xf32> to vector<512x512xbf16>
    %slice3A_170 = vector.extract_strided_slice %convert_element_type3A_34 {offsets = [0, 192], sizes = [512, 32], strides = [1, 1]} : vector<512x512xbf16> to vector<512x32xbf16>
    %concatenate3A_171 = tpu.concatenate %slice3A_170, %broadcast_in_dim3A_15 in 1 : vector<512x32xbf16>, vector<512x32xbf16> -> vector<512x64xbf16>
    %dot_general3A_172 = arith.constant dense<0.000000e+00> : vector<512x64xf32>
    %dot_general3A_173 = tpu.matmul %convert_element_type3A_152, %concatenate3A_171, %dot_general3A_172 {dimension_numbers = #tpu.dot_dimension_numbers<[1], [0], [0], [1], [0, 0, 1, 1], [], []>, transpose_lhs_hint = false} : vector<512x512xbf16>, vector<512x64xbf16>, vector<512x64xf32> -> vector<512x64xf32>
    %slice3A_174 = vector.extract_strided_slice %dot_general3A_173 {offsets = [0, 0], sizes = [512, 32], strides = [1, 1]} : vector<512x64xf32> to vector<512x32xf32>
    %slice3A_175 = vector.extract_strided_slice %dot_general3A_173 {offsets = [0, 32], sizes = [512, 32], strides = [1, 1]} : vector<512x64xf32> to vector<512x32xf32>
    %div3A_176 = arith.constant 1.000000e+00 : f32
    %div3A_177 = vector.broadcast %div3A_176 : f32 to vector<512x32xf32>
    %div3A_178 = arith.divf %div3A_177, %slice3A_175 : vector<512x32xf32>
    %mul3A_179 = arith.mulf %slice3A_174, %div3A_178 : vector<512x32xf32>
    %convert_element_type3A_180 = arith.truncf %mul3A_179 : vector<512x32xf32> to vector<512x32xbf16>
    %slice3A_181 = vector.extract_strided_slice %convert_element_type3A_20 {offsets = [0, 288], sizes = [512, 32], strides = [1, 1]} : vector<512x512xbf16> to vector<512x32xbf16>
    %slice3A_182 = vector.extract_strided_slice %convert_element_type3A_27 {offsets = [0, 288], sizes = [512, 32], strides = [1, 1]} : vector<512x512xbf16> to vector<512x32xbf16>
    %dot_general3A_183 = arith.constant dense<0.000000e+00> : vector<512x512xf32>
    %dot_general3A_184 = tpu.matmul %slice3A_181, %slice3A_182, %dot_general3A_183 {dimension_numbers = #tpu.dot_dimension_numbers<[1], [1], [0], [0], [0, 0, 1, 0], [], []>, transpose_lhs_hint = false} : vector<512x32xbf16>, vector<512x32xbf16>, vector<512x512xf32> -> vector<512x512xf32>
    %exp23A_185 = math.exp2 %dot_general3A_167 : vector<512x512xf32>
    %convert_element_type3A_186 = arith.truncf %exp23A_185 : vector<512x512xf32> to vector<512x512xbf16>
    %slice3A_187 = vector.extract_strided_slice %convert_element_type3A_34 {offsets = [0, 224], sizes = [512, 32], strides = [1, 1]} : vector<512x512xbf16> to vector<512x32xbf16>
    %concatenate3A_188 = tpu.concatenate %slice3A_187, %broadcast_in_dim3A_15 in 1 : vector<512x32xbf16>, vector<512x32xbf16> -> vector<512x64xbf16>
    %dot_general3A_189 = arith.constant dense<0.000000e+00> : vector<512x64xf32>
    %dot_general3A_190 = tpu.matmul %convert_element_type3A_169, %concatenate3A_188, %dot_general3A_189 {dimension_numbers = #tpu.dot_dimension_numbers<[1], [0], [0], [1], [0, 0, 1, 1], [], []>, transpose_lhs_hint = false} : vector<512x512xbf16>, vector<512x64xbf16>, vector<512x64xf32> -> vector<512x64xf32>
    %slice3A_191 = vector.extract_strided_slice %dot_general3A_190 {offsets = [0, 0], sizes = [512, 32], strides = [1, 1]} : vector<512x64xf32> to vector<512x32xf32>
    %slice3A_192 = vector.extract_strided_slice %dot_general3A_190 {offsets = [0, 32], sizes = [512, 32], strides = [1, 1]} : vector<512x64xf32> to vector<512x32xf32>
    %div3A_193 = arith.constant 1.000000e+00 : f32
    %div3A_194 = vector.broadcast %div3A_193 : f32 to vector<512x32xf32>
    %div3A_195 = arith.divf %div3A_194, %slice3A_192 : vector<512x32xf32>
    %mul3A_196 = arith.mulf %slice3A_191, %div3A_195 : vector<512x32xf32>
    %convert_element_type3A_197 = arith.truncf %mul3A_196 : vector<512x32xf32> to vector<512x32xbf16>
    %slice3A_198 = vector.extract_strided_slice %convert_element_type3A_20 {offsets = [0, 320], sizes = [512, 32], strides = [1, 1]} : vector<512x512xbf16> to vector<512x32xbf16>
    %slice3A_199 = vector.extract_strided_slice %convert_element_type3A_27 {offsets = [0, 320], sizes = [512, 32], strides = [1, 1]} : vector<512x512xbf16> to vector<512x32xbf16>
    %dot_general3A_200 = arith.constant dense<0.000000e+00> : vector<512x512xf32>
    %dot_general3A_201 = tpu.matmul %slice3A_198, %slice3A_199, %dot_general3A_200 {dimension_numbers = #tpu.dot_dimension_numbers<[1], [1], [0], [0], [0, 0, 1, 0], [], []>, transpose_lhs_hint = false} : vector<512x32xbf16>, vector<512x32xbf16>, vector<512x512xf32> -> vector<512x512xf32>
    %exp23A_202 = math.exp2 %dot_general3A_184 : vector<512x512xf32>
    %convert_element_type3A_203 = arith.truncf %exp23A_202 : vector<512x512xf32> to vector<512x512xbf16>
    %slice3A_204 = vector.extract_strided_slice %convert_element_type3A_34 {offsets = [0, 256], sizes = [512, 32], strides = [1, 1]} : vector<512x512xbf16> to vector<512x32xbf16>
    %concatenate3A_205 = tpu.concatenate %slice3A_204, %broadcast_in_dim3A_15 in 1 : vector<512x32xbf16>, vector<512x32xbf16> -> vector<512x64xbf16>
    %dot_general3A_206 = arith.constant dense<0.000000e+00> : vector<512x64xf32>
    %dot_general3A_207 = tpu.matmul %convert_element_type3A_186, %concatenate3A_205, %dot_general3A_206 {dimension_numbers = #tpu.dot_dimension_numbers<[1], [0], [0], [1], [0, 0, 1, 1], [], []>, transpose_lhs_hint = false} : vector<512x512xbf16>, vector<512x64xbf16>, vector<512x64xf32> -> vector<512x64xf32>
    %slice3A_208 = vector.extract_strided_slice %dot_general3A_207 {offsets = [0, 0], sizes = [512, 32], strides = [1, 1]} : vector<512x64xf32> to vector<512x32xf32>
    %slice3A_209 = vector.extract_strided_slice %dot_general3A_207 {offsets = [0, 32], sizes = [512, 32], strides = [1, 1]} : vector<512x64xf32> to vector<512x32xf32>
    %div3A_210 = arith.constant 1.000000e+00 : f32
    %div3A_211 = vector.broadcast %div3A_210 : f32 to vector<512x32xf32>
    %div3A_212 = arith.divf %div3A_211, %slice3A_209 : vector<512x32xf32>
    %mul3A_213 = arith.mulf %slice3A_208, %div3A_212 : vector<512x32xf32>
    %convert_element_type3A_214 = arith.truncf %mul3A_213 : vector<512x32xf32> to vector<512x32xbf16>
    %slice3A_215 = vector.extract_strided_slice %convert_element_type3A_20 {offsets = [0, 352], sizes = [512, 32], strides = [1, 1]} : vector<512x512xbf16> to vector<512x32xbf16>
    %slice3A_216 = vector.extract_strided_slice %convert_element_type3A_27 {offsets = [0, 352], sizes = [512, 32], strides = [1, 1]} : vector<512x512xbf16> to vector<512x32xbf16>
    %dot_general3A_217 = arith.constant dense<0.000000e+00> : vector<512x512xf32>
    %dot_general3A_218 = tpu.matmul %slice3A_215, %slice3A_216, %dot_general3A_217 {dimension_numbers = #tpu.dot_dimension_numbers<[1], [1], [0], [0], [0, 0, 1, 0], [], []>, transpose_lhs_hint = false} : vector<512x32xbf16>, vector<512x32xbf16>, vector<512x512xf32> -> vector<512x512xf32>
    %exp23A_219 = math.exp2 %dot_general3A_201 : vector<512x512xf32>
    %convert_element_type3A_220 = arith.truncf %exp23A_219 : vector<512x512xf32> to vector<512x512xbf16>
    %slice3A_221 = vector.extract_strided_slice %convert_element_type3A_34 {offsets = [0, 288], sizes = [512, 32], strides = [1, 1]} : vector<512x512xbf16> to vector<512x32xbf16>
    %concatenate3A_222 = tpu.concatenate %slice3A_221, %broadcast_in_dim3A_15 in 1 : vector<512x32xbf16>, vector<512x32xbf16> -> vector<512x64xbf16>
    %dot_general3A_223 = arith.constant dense<0.000000e+00> : vector<512x64xf32>
    %dot_general3A_224 = tpu.matmul %convert_element_type3A_203, %concatenate3A_222, %dot_general3A_223 {dimension_numbers = #tpu.dot_dimension_numbers<[1], [0], [0], [1], [0, 0, 1, 1], [], []>, transpose_lhs_hint = false} : vector<512x512xbf16>, vector<512x64xbf16>, vector<512x64xf32> -> vector<512x64xf32>
    %slice3A_225 = vector.extract_strided_slice %dot_general3A_224 {offsets = [0, 0], sizes = [512, 32], strides = [1, 1]} : vector<512x64xf32> to vector<512x32xf32>
    %slice3A_226 = vector.extract_strided_slice %dot_general3A_224 {offsets = [0, 32], sizes = [512, 32], strides = [1, 1]} : vector<512x64xf32> to vector<512x32xf32>
    %div3A_227 = arith.constant 1.000000e+00 : f32
    %div3A_228 = vector.broadcast %div3A_227 : f32 to vector<512x32xf32>
    %div3A_229 = arith.divf %div3A_228, %slice3A_226 : vector<512x32xf32>
    %mul3A_230 = arith.mulf %slice3A_225, %div3A_229 : vector<512x32xf32>
    %convert_element_type3A_231 = arith.truncf %mul3A_230 : vector<512x32xf32> to vector<512x32xbf16>
    %slice3A_232 = vector.extract_strided_slice %convert_element_type3A_20 {offsets = [0, 384], sizes = [512, 32], strides = [1, 1]} : vector<512x512xbf16> to vector<512x32xbf16>
    %slice3A_233 = vector.extract_strided_slice %convert_element_type3A_27 {offsets = [0, 384], sizes = [512, 32], strides = [1, 1]} : vector<512x512xbf16> to vector<512x32xbf16>
    %dot_general3A_234 = arith.constant dense<0.000000e+00> : vector<512x512xf32>
    %dot_general3A_235 = tpu.matmul %slice3A_232, %slice3A_233, %dot_general3A_234 {dimension_numbers = #tpu.dot_dimension_numbers<[1], [1], [0], [0], [0, 0, 1, 0], [], []>, transpose_lhs_hint = false} : vector<512x32xbf16>, vector<512x32xbf16>, vector<512x512xf32> -> vector<512x512xf32>
    %exp23A_236 = math.exp2 %dot_general3A_218 : vector<512x512xf32>
    %convert_element_type3A_237 = arith.truncf %exp23A_236 : vector<512x512xf32> to vector<512x512xbf16>
    %slice3A_238 = vector.extract_strided_slice %convert_element_type3A_34 {offsets = [0, 320], sizes = [512, 32], strides = [1, 1]} : vector<512x512xbf16> to vector<512x32xbf16>
    %concatenate3A_239 = tpu.concatenate %slice3A_238, %broadcast_in_dim3A_15 in 1 : vector<512x32xbf16>, vector<512x32xbf16> -> vector<512x64xbf16>
    %dot_general3A_240 = arith.constant dense<0.000000e+00> : vector<512x64xf32>
    %dot_general3A_241 = tpu.matmul %convert_element_type3A_220, %concatenate3A_239, %dot_general3A_240 {dimension_numbers = #tpu.dot_dimension_numbers<[1], [0], [0], [1], [0, 0, 1, 1], [], []>, transpose_lhs_hint = false} : vector<512x512xbf16>, vector<512x64xbf16>, vector<512x64xf32> -> vector<512x64xf32>
    %slice3A_242 = vector.extract_strided_slice %dot_general3A_241 {offsets = [0, 0], sizes = [512, 32], strides = [1, 1]} : vector<512x64xf32> to vector<512x32xf32>
    %slice3A_243 = vector.extract_strided_slice %dot_general3A_241 {offsets = [0, 32], sizes = [512, 32], strides = [1, 1]} : vector<512x64xf32> to vector<512x32xf32>
    %div3A_244 = arith.constant 1.000000e+00 : f32
    %div3A_245 = vector.broadcast %div3A_244 : f32 to vector<512x32xf32>
    %div3A_246 = arith.divf %div3A_245, %slice3A_243 : vector<512x32xf32>
    %mul3A_247 = arith.mulf %slice3A_242, %div3A_246 : vector<512x32xf32>
    %convert_element_type3A_248 = arith.truncf %mul3A_247 : vector<512x32xf32> to vector<512x32xbf16>
    %slice3A_249 = vector.extract_strided_slice %convert_element_type3A_20 {offsets = [0, 416], sizes = [512, 32], strides = [1, 1]} : vector<512x512xbf16> to vector<512x32xbf16>
    %slice3A_250 = vector.extract_strided_slice %convert_element_type3A_27 {offsets = [0, 416], sizes = [512, 32], strides = [1, 1]} : vector<512x512xbf16> to vector<512x32xbf16>
    %dot_general3A_251 = arith.constant dense<0.000000e+00> : vector<512x512xf32>
    %dot_general3A_252 = tpu.matmul %slice3A_249, %slice3A_250, %dot_general3A_251 {dimension_numbers = #tpu.dot_dimension_numbers<[1], [1], [0], [0], [0, 0, 1, 0], [], []>, transpose_lhs_hint = false} : vector<512x32xbf16>, vector<512x32xbf16>, vector<512x512xf32> -> vector<512x512xf32>
    %exp23A_253 = math.exp2 %dot_general3A_235 : vector<512x512xf32>
    %convert_element_type3A_254 = arith.truncf %exp23A_253 : vector<512x512xf32> to vector<512x512xbf16>
    %slice3A_255 = vector.extract_strided_slice %convert_element_type3A_34 {offsets = [0, 352], sizes = [512, 32], strides = [1, 1]} : vector<512x512xbf16> to vector<512x32xbf16>
    %concatenate3A_256 = tpu.concatenate %slice3A_255, %broadcast_in_dim3A_15 in 1 : vector<512x32xbf16>, vector<512x32xbf16> -> vector<512x64xbf16>
    %dot_general3A_257 = arith.constant dense<0.000000e+00> : vector<512x64xf32>
    %dot_general3A_258 = tpu.matmul %convert_element_type3A_237, %concatenate3A_256, %dot_general3A_257 {dimension_numbers = #tpu.dot_dimension_numbers<[1], [0], [0], [1], [0, 0, 1, 1], [], []>, transpose_lhs_hint = false} : vector<512x512xbf16>, vector<512x64xbf16>, vector<512x64xf32> -> vector<512x64xf32>
    %slice3A_259 = vector.extract_strided_slice %dot_general3A_258 {offsets = [0, 0], sizes = [512, 32], strides = [1, 1]} : vector<512x64xf32> to vector<512x32xf32>
    %slice3A_260 = vector.extract_strided_slice %dot_general3A_258 {offsets = [0, 32], sizes = [512, 32], strides = [1, 1]} : vector<512x64xf32> to vector<512x32xf32>
    %div3A_261 = arith.constant 1.000000e+00 : f32
    %div3A_262 = vector.broadcast %div3A_261 : f32 to vector<512x32xf32>
    %div3A_263 = arith.divf %div3A_262, %slice3A_260 : vector<512x32xf32>
    %mul3A_264 = arith.mulf %slice3A_259, %div3A_263 : vector<512x32xf32>
    %convert_element_type3A_265 = arith.truncf %mul3A_264 : vector<512x32xf32> to vector<512x32xbf16>
    %slice3A_266 = vector.extract_strided_slice %convert_element_type3A_20 {offsets = [0, 448], sizes = [512, 32], strides = [1, 1]} : vector<512x512xbf16> to vector<512x32xbf16>
    %slice3A_267 = vector.extract_strided_slice %convert_element_type3A_27 {offsets = [0, 448], sizes = [512, 32], strides = [1, 1]} : vector<512x512xbf16> to vector<512x32xbf16>
    %dot_general3A_268 = arith.constant dense<0.000000e+00> : vector<512x512xf32>
    %dot_general3A_269 = tpu.matmul %slice3A_266, %slice3A_267, %dot_general3A_268 {dimension_numbers = #tpu.dot_dimension_numbers<[1], [1], [0], [0], [0, 0, 1, 0], [], []>, transpose_lhs_hint = false} : vector<512x32xbf16>, vector<512x32xbf16>, vector<512x512xf32> -> vector<512x512xf32>
    %exp23A_270 = math.exp2 %dot_general3A_252 : vector<512x512xf32>
    %convert_element_type3A_271 = arith.truncf %exp23A_270 : vector<512x512xf32> to vector<512x512xbf16>
    %slice3A_272 = vector.extract_strided_slice %convert_element_type3A_34 {offsets = [0, 384], sizes = [512, 32], strides = [1, 1]} : vector<512x512xbf16> to vector<512x32xbf16>
    %concatenate3A_273 = tpu.concatenate %slice3A_272, %broadcast_in_dim3A_15 in 1 : vector<512x32xbf16>, vector<512x32xbf16> -> vector<512x64xbf16>
    %dot_general3A_274 = arith.constant dense<0.000000e+00> : vector<512x64xf32>
    %dot_general3A_275 = tpu.matmul %convert_element_type3A_254, %concatenate3A_273, %dot_general3A_274 {dimension_numbers = #tpu.dot_dimension_numbers<[1], [0], [0], [1], [0, 0, 1, 1], [], []>, transpose_lhs_hint = false} : vector<512x512xbf16>, vector<512x64xbf16>, vector<512x64xf32> -> vector<512x64xf32>
    %slice3A_276 = vector.extract_strided_slice %dot_general3A_275 {offsets = [0, 0], sizes = [512, 32], strides = [1, 1]} : vector<512x64xf32> to vector<512x32xf32>
    %slice3A_277 = vector.extract_strided_slice %dot_general3A_275 {offsets = [0, 32], sizes = [512, 32], strides = [1, 1]} : vector<512x64xf32> to vector<512x32xf32>
    %div3A_278 = arith.constant 1.000000e+00 : f32
    %div3A_279 = vector.broadcast %div3A_278 : f32 to vector<512x32xf32>
    %div3A_280 = arith.divf %div3A_279, %slice3A_277 : vector<512x32xf32>
    %mul3A_281 = arith.mulf %slice3A_276, %div3A_280 : vector<512x32xf32>
    %convert_element_type3A_282 = arith.truncf %mul3A_281 : vector<512x32xf32> to vector<512x32xbf16>
    %slice3A_283 = vector.extract_strided_slice %convert_element_type3A_20 {offsets = [0, 480], sizes = [512, 32], strides = [1, 1]} : vector<512x512xbf16> to vector<512x32xbf16>
    %slice3A_284 = vector.extract_strided_slice %convert_element_type3A_27 {offsets = [0, 480], sizes = [512, 32], strides = [1, 1]} : vector<512x512xbf16> to vector<512x32xbf16>
    %dot_general3A_285 = arith.constant dense<0.000000e+00> : vector<512x512xf32>
    %dot_general3A_286 = tpu.matmul %slice3A_283, %slice3A_284, %dot_general3A_285 {dimension_numbers = #tpu.dot_dimension_numbers<[1], [1], [0], [0], [0, 0, 1, 0], [], []>, transpose_lhs_hint = false} : vector<512x32xbf16>, vector<512x32xbf16>, vector<512x512xf32> -> vector<512x512xf32>
    %exp23A_287 = math.exp2 %dot_general3A_269 : vector<512x512xf32>
    %convert_element_type3A_288 = arith.truncf %exp23A_287 : vector<512x512xf32> to vector<512x512xbf16>
    %slice3A_289 = vector.extract_strided_slice %convert_element_type3A_34 {offsets = [0, 416], sizes = [512, 32], strides = [1, 1]} : vector<512x512xbf16> to vector<512x32xbf16>
    %concatenate3A_290 = tpu.concatenate %slice3A_289, %broadcast_in_dim3A_15 in 1 : vector<512x32xbf16>, vector<512x32xbf16> -> vector<512x64xbf16>
    %dot_general3A_291 = arith.constant dense<0.000000e+00> : vector<512x64xf32>
    %dot_general3A_292 = tpu.matmul %convert_element_type3A_271, %concatenate3A_290, %dot_general3A_291 {dimension_numbers = #tpu.dot_dimension_numbers<[1], [0], [0], [1], [0, 0, 1, 1], [], []>, transpose_lhs_hint = false} : vector<512x512xbf16>, vector<512x64xbf16>, vector<512x64xf32> -> vector<512x64xf32>
    %slice3A_293 = vector.extract_strided_slice %dot_general3A_292 {offsets = [0, 0], sizes = [512, 32], strides = [1, 1]} : vector<512x64xf32> to vector<512x32xf32>
    %slice3A_294 = vector.extract_strided_slice %dot_general3A_292 {offsets = [0, 32], sizes = [512, 32], strides = [1, 1]} : vector<512x64xf32> to vector<512x32xf32>
    %div3A_295 = arith.constant 1.000000e+00 : f32
    %div3A_296 = vector.broadcast %div3A_295 : f32 to vector<512x32xf32>
    %div3A_297 = arith.divf %div3A_296, %slice3A_294 : vector<512x32xf32>
    %mul3A_298 = arith.mulf %slice3A_293, %div3A_297 : vector<512x32xf32>
    %convert_element_type3A_299 = arith.truncf %mul3A_298 : vector<512x32xf32> to vector<512x32xbf16>
    %exp23A_300 = math.exp2 %dot_general3A_286 : vector<512x512xf32>
    %convert_element_type3A_301 = arith.truncf %exp23A_300 : vector<512x512xf32> to vector<512x512xbf16>
    %slice3A_302 = vector.extract_strided_slice %convert_element_type3A_34 {offsets = [0, 448], sizes = [512, 32], strides = [1, 1]} : vector<512x512xbf16> to vector<512x32xbf16>
    %concatenate3A_303 = tpu.concatenate %slice3A_302, %broadcast_in_dim3A_15 in 1 : vector<512x32xbf16>, vector<512x32xbf16> -> vector<512x64xbf16>
    %dot_general3A_304 = arith.constant dense<0.000000e+00> : vector<512x64xf32>
    %dot_general3A_305 = tpu.matmul %convert_element_type3A_288, %concatenate3A_303, %dot_general3A_304 {dimension_numbers = #tpu.dot_dimension_numbers<[1], [0], [0], [1], [0, 0, 1, 1], [], []>, transpose_lhs_hint = false} : vector<512x512xbf16>, vector<512x64xbf16>, vector<512x64xf32> -> vector<512x64xf32>
    %slice3A_306 = vector.extract_strided_slice %dot_general3A_305 {offsets = [0, 0], sizes = [512, 32], strides = [1, 1]} : vector<512x64xf32> to vector<512x32xf32>
    %slice3A_307 = vector.extract_strided_slice %dot_general3A_305 {offsets = [0, 32], sizes = [512, 32], strides = [1, 1]} : vector<512x64xf32> to vector<512x32xf32>
    %div3A_308 = arith.constant 1.000000e+00 : f32
    %div3A_309 = vector.broadcast %div3A_308 : f32 to vector<512x32xf32>
    %div3A_310 = arith.divf %div3A_309, %slice3A_307 : vector<512x32xf32>
    %mul3A_311 = arith.mulf %slice3A_306, %div3A_310 : vector<512x32xf32>
    %convert_element_type3A_312 = arith.truncf %mul3A_311 : vector<512x32xf32> to vector<512x32xbf16>
    %slice3A_313 = vector.extract_strided_slice %convert_element_type3A_34 {offsets = [0, 480], sizes = [512, 32], strides = [1, 1]} : vector<512x512xbf16> to vector<512x32xbf16>
    %concatenate3A_314 = tpu.concatenate %slice3A_313, %broadcast_in_dim3A_15 in 1 : vector<512x32xbf16>, vector<512x32xbf16> -> vector<512x64xbf16>
    %dot_general3A_315 = arith.constant dense<0.000000e+00> : vector<512x64xf32>
    %dot_general3A_316 = tpu.matmul %convert_element_type3A_301, %concatenate3A_314, %dot_general3A_315 {dimension_numbers = #tpu.dot_dimension_numbers<[1], [0], [0], [1], [0, 0, 1, 1], [], []>, transpose_lhs_hint = false} : vector<512x512xbf16>, vector<512x64xbf16>, vector<512x64xf32> -> vector<512x64xf32>
    %slice3A_317 = vector.extract_strided_slice %dot_general3A_316 {offsets = [0, 0], sizes = [512, 32], strides = [1, 1]} : vector<512x64xf32> to vector<512x32xf32>
    %slice3A_318 = vector.extract_strided_slice %dot_general3A_316 {offsets = [0, 32], sizes = [512, 32], strides = [1, 1]} : vector<512x64xf32> to vector<512x32xf32>
    %div3A_319 = arith.constant 1.000000e+00 : f32
    %div3A_320 = vector.broadcast %div3A_319 : f32 to vector<512x32xf32>
    %div3A_321 = arith.divf %div3A_320, %slice3A_318 : vector<512x32xf32>
    %mul3A_322 = arith.mulf %slice3A_317, %div3A_321 : vector<512x32xf32>
    %convert_element_type3A_323 = arith.truncf %mul3A_322 : vector<512x32xf32> to vector<512x32xbf16>
    %slice3A_324 = vector.extract_strided_slice %convert_element_type3A_50 {offsets = [0, 0], sizes = [512, 32], strides = [1, 1]} : vector<512x512xbf16> to vector<512x32xbf16>
    %slice3A_325 = vector.extract_strided_slice %convert_element_type3A_88 {offsets = [0, 0], sizes = [512, 32], strides = [1, 1]} : vector<512x512xbf16> to vector<512x32xbf16>
    %dot_general3A_326 = arith.constant dense<0.000000e+00> : vector<512x512xf32>
    %dot_general3A_327 = tpu.matmul %slice3A_324, %slice3A_325, %dot_general3A_326 {dimension_numbers = #tpu.dot_dimension_numbers<[1], [1], [0], [0], [0, 0, 1, 0], [], []>, transpose_lhs_hint = false} : vector<512x32xbf16>, vector<512x32xbf16>, vector<512x512xf32> -> vector<512x512xf32>
    %slice3A_328 = vector.extract_strided_slice %convert_element_type3A_50 {offsets = [0, 32], sizes = [512, 32], strides = [1, 1]} : vector<512x512xbf16> to vector<512x32xbf16>
    %slice3A_329 = vector.extract_strided_slice %convert_element_type3A_88 {offsets = [0, 32], sizes = [512, 32], strides = [1, 1]} : vector<512x512xbf16> to vector<512x32xbf16>
    %dot_general3A_330 = arith.constant dense<0.000000e+00> : vector<512x512xf32>
    %dot_general3A_331 = tpu.matmul %slice3A_328, %slice3A_329, %dot_general3A_330 {dimension_numbers = #tpu.dot_dimension_numbers<[1], [1], [0], [0], [0, 0, 1, 0], [], []>, transpose_lhs_hint = false} : vector<512x32xbf16>, vector<512x32xbf16>, vector<512x512xf32> -> vector<512x512xf32>
    %exp23A_332 = math.exp2 %dot_general3A_327 : vector<512x512xf32>
    %convert_element_type3A_333 = arith.truncf %exp23A_332 : vector<512x512xf32> to vector<512x512xbf16>
    %slice3A_334 = vector.extract_strided_slice %convert_element_type3A_50 {offsets = [0, 64], sizes = [512, 32], strides = [1, 1]} : vector<512x512xbf16> to vector<512x32xbf16>
    %slice3A_335 = vector.extract_strided_slice %convert_element_type3A_88 {offsets = [0, 64], sizes = [512, 32], strides = [1, 1]} : vector<512x512xbf16> to vector<512x32xbf16>
    %dot_general3A_336 = arith.constant dense<0.000000e+00> : vector<512x512xf32>
    %dot_general3A_337 = tpu.matmul %slice3A_334, %slice3A_335, %dot_general3A_336 {dimension_numbers = #tpu.dot_dimension_numbers<[1], [1], [0], [0], [0, 0, 1, 0], [], []>, transpose_lhs_hint = false} : vector<512x32xbf16>, vector<512x32xbf16>, vector<512x512xf32> -> vector<512x512xf32>
    %exp23A_338 = math.exp2 %dot_general3A_331 : vector<512x512xf32>
    %convert_element_type3A_339 = arith.truncf %exp23A_338 : vector<512x512xf32> to vector<512x512xbf16>
    %slice3A_340 = vector.extract_strided_slice %convert_element_type3A_129 {offsets = [0, 0], sizes = [512, 32], strides = [1, 1]} : vector<512x512xbf16> to vector<512x32xbf16>
    %concatenate3A_341 = tpu.concatenate %slice3A_340, %broadcast_in_dim3A_15 in 1 : vector<512x32xbf16>, vector<512x32xbf16> -> vector<512x64xbf16>
    %dot_general3A_342 = arith.constant dense<0.000000e+00> : vector<512x64xf32>
    %dot_general3A_343 = tpu.matmul %convert_element_type3A_333, %concatenate3A_341, %dot_general3A_342 {dimension_numbers = #tpu.dot_dimension_numbers<[1], [0], [0], [1], [0, 0, 1, 1], [], []>, transpose_lhs_hint = false} : vector<512x512xbf16>, vector<512x64xbf16>, vector<512x64xf32> -> vector<512x64xf32>
    %slice3A_344 = vector.extract_strided_slice %dot_general3A_343 {offsets = [0, 0], sizes = [512, 32], strides = [1, 1]} : vector<512x64xf32> to vector<512x32xf32>
    %slice3A_345 = vector.extract_strided_slice %dot_general3A_343 {offsets = [0, 32], sizes = [512, 32], strides = [1, 1]} : vector<512x64xf32> to vector<512x32xf32>
    %div3A_346 = arith.constant 1.000000e+00 : f32
    %div3A_347 = vector.broadcast %div3A_346 : f32 to vector<512x32xf32>
    %div3A_348 = arith.divf %div3A_347, %slice3A_345 : vector<512x32xf32>
    %mul3A_349 = arith.mulf %slice3A_344, %div3A_348 : vector<512x32xf32>
    %convert_element_type3A_350 = arith.truncf %mul3A_349 : vector<512x32xf32> to vector<512x32xbf16>
    %concatenate3A_351 = tpu.concatenate %convert_element_type3A_64, %convert_element_type3A_81, %convert_element_type3A_105, %convert_element_type3A_122, %convert_element_type3A_146, %convert_element_type3A_163, %convert_element_type3A_180, %convert_element_type3A_197, %convert_element_type3A_214, %convert_element_type3A_231, %convert_element_type3A_248, %convert_element_type3A_265, %convert_element_type3A_282, %convert_element_type3A_299, %convert_element_type3A_312, %convert_element_type3A_323 in 1 : vector<512x32xbf16>, vector<512x32xbf16>, vector<512x32xbf16>, vector<512x32xbf16>, vector<512x32xbf16>, vector<512x32xbf16>, vector<512x32xbf16>, vector<512x32xbf16>, vector<512x32xbf16>, vector<512x32xbf16>, vector<512x32xbf16>, vector<512x32xbf16>, vector<512x32xbf16>, vector<512x32xbf16>, vector<512x32xbf16>, vector<512x32xbf16> -> vector<512x512xbf16>
    %dot_general3A_352 = arith.constant dense<0.000000e+00> : vector<512x512xf32>
    %dot_general3A_353 = tpu.matmul %concatenate3A_351, %get3A_11, %dot_general3A_352 {dimension_numbers = #tpu.dot_dimension_numbers<[1], [0], [0], [1], [0, 0, 1, 1], [], []>, transpose_lhs_hint = false} : vector<512x512xbf16>, vector<512x512xbf16>, vector<512x512xf32> -> vector<512x512xf32>
    %add3A_354 = vector.broadcast %get3A_14 : vector<1x512xf32> to vector<512x512xf32>
    %add3A_355 = arith.addf %dot_general3A_353, %add3A_354 : vector<512x512xf32>
    %swap3A = arith.constant 0 : index
    %swap3A_356 = arith.constant 0 : index
    %swap3A_357 = vector.load %arg6[%swap3A, %swap3A_356] : memref<1024x512xf32, #tpu.memory_space<vmem>>, vector<512x512xf32>
    tpu.vector_store %arg6[%swap3A, %swap3A_356], %add3A_355 {strides = array<i32>} : memref<1024x512xf32, #tpu.memory_space<vmem>>, vector<512x512xf32>,
    %slice3A_358 = vector.extract_strided_slice %convert_element_type3A_50 {offsets = [0, 96], sizes = [512, 32], strides = [1, 1]} : vector<512x512xbf16> to vector<512x32xbf16>
    %slice3A_359 = vector.extract_strided_slice %convert_element_type3A_88 {offsets = [0, 96], sizes = [512, 32], strides = [1, 1]} : vector<512x512xbf16> to vector<512x32xbf16>
    %dot_general3A_360 = arith.constant dense<0.000000e+00> : vector<512x512xf32>
    %dot_general3A_361 = tpu.matmul %slice3A_358, %slice3A_359, %dot_general3A_360 {dimension_numbers = #tpu.dot_dimension_numbers<[1], [1], [0], [0], [0, 0, 1, 0], [], []>, transpose_lhs_hint = false} : vector<512x32xbf16>, vector<512x32xbf16>, vector<512x512xf32> -> vector<512x512xf32>
    %exp23A_362 = math.exp2 %dot_general3A_337 : vector<512x512xf32>
    %convert_element_type3A_363 = arith.truncf %exp23A_362 : vector<512x512xf32> to vector<512x512xbf16>
    %slice3A_364 = vector.extract_strided_slice %convert_element_type3A_129 {offsets = [0, 32], sizes = [512, 32], strides = [1, 1]} : vector<512x512xbf16> to vector<512x32xbf16>
    %concatenate3A_365 = tpu.concatenate %slice3A_364, %broadcast_in_dim3A_15 in 1 : vector<512x32xbf16>, vector<512x32xbf16> -> vector<512x64xbf16>
    %dot_general3A_366 = arith.constant dense<0.000000e+00> : vector<512x64xf32>
    %dot_general3A_367 = tpu.matmul %convert_element_type3A_339, %concatenate3A_365, %dot_general3A_366 {dimension_numbers = #tpu.dot_dimension_numbers<[1], [0], [0], [1], [0, 0, 1, 1], [], []>, transpose_lhs_hint = false} : vector<512x512xbf16>, vector<512x64xbf16>, vector<512x64xf32> -> vector<512x64xf32>
    %slice3A_368 = vector.extract_strided_slice %dot_general3A_367 {offsets = [0, 0], sizes = [512, 32], strides = [1, 1]} : vector<512x64xf32> to vector<512x32xf32>
    %slice3A_369 = vector.extract_strided_slice %dot_general3A_367 {offsets = [0, 32], sizes = [512, 32], strides = [1, 1]} : vector<512x64xf32> to vector<512x32xf32>
    %div3A_370 = arith.constant 1.000000e+00 : f32
    %div3A_371 = vector.broadcast %div3A_370 : f32 to vector<512x32xf32>
    %div3A_372 = arith.divf %div3A_371, %slice3A_369 : vector<512x32xf32>
    %mul3A_373 = arith.mulf %slice3A_368, %div3A_372 : vector<512x32xf32>
    %convert_element_type3A_374 = arith.truncf %mul3A_373 : vector<512x32xf32> to vector<512x32xbf16>
    %slice3A_375 = vector.extract_strided_slice %convert_element_type3A_50 {offsets = [0, 128], sizes = [512, 32], strides = [1, 1]} : vector<512x512xbf16> to vector<512x32xbf16>
    %slice3A_376 = vector.extract_strided_slice %convert_element_type3A_88 {offsets = [0, 128], sizes = [512, 32], strides = [1, 1]} : vector<512x512xbf16> to vector<512x32xbf16>
    %dot_general3A_377 = arith.constant dense<0.000000e+00> : vector<512x512xf32>
    %dot_general3A_378 = tpu.matmul %slice3A_375, %slice3A_376, %dot_general3A_377 {dimension_numbers = #tpu.dot_dimension_numbers<[1], [1], [0], [0], [0, 0, 1, 0], [], []>, transpose_lhs_hint = false} : vector<512x32xbf16>, vector<512x32xbf16>, vector<512x512xf32> -> vector<512x512xf32>
    %exp23A_379 = math.exp2 %dot_general3A_361 : vector<512x512xf32>
    %convert_element_type3A_380 = arith.truncf %exp23A_379 : vector<512x512xf32> to vector<512x512xbf16>
    %slice3A_381 = vector.extract_strided_slice %convert_element_type3A_129 {offsets = [0, 64], sizes = [512, 32], strides = [1, 1]} : vector<512x512xbf16> to vector<512x32xbf16>
    %concatenate3A_382 = tpu.concatenate %slice3A_381, %broadcast_in_dim3A_15 in 1 : vector<512x32xbf16>, vector<512x32xbf16> -> vector<512x64xbf16>
    %dot_general3A_383 = arith.constant dense<0.000000e+00> : vector<512x64xf32>
    %dot_general3A_384 = tpu.matmul %convert_element_type3A_363, %concatenate3A_382, %dot_general3A_383 {dimension_numbers = #tpu.dot_dimension_numbers<[1], [0], [0], [1], [0, 0, 1, 1], [], []>, transpose_lhs_hint = false} : vector<512x512xbf16>, vector<512x64xbf16>, vector<512x64xf32> -> vector<512x64xf32>
    %slice3A_385 = vector.extract_strided_slice %dot_general3A_384 {offsets = [0, 0], sizes = [512, 32], strides = [1, 1]} : vector<512x64xf32> to vector<512x32xf32>
    %slice3A_386 = vector.extract_strided_slice %dot_general3A_384 {offsets = [0, 32], sizes = [512, 32], strides = [1, 1]} : vector<512x64xf32> to vector<512x32xf32>
    %div3A_387 = arith.constant 1.000000e+00 : f32
    %div3A_388 = vector.broadcast %div3A_387 : f32 to vector<512x32xf32>
    %div3A_389 = arith.divf %div3A_388, %slice3A_386 : vector<512x32xf32>
    %mul3A_390 = arith.mulf %slice3A_385, %div3A_389 : vector<512x32xf32>
    %convert_element_type3A_391 = arith.truncf %mul3A_390 : vector<512x32xf32> to vector<512x32xbf16>
    %slice3A_392 = vector.extract_strided_slice %convert_element_type3A_50 {offsets = [0, 160], sizes = [512, 32], strides = [1, 1]} : vector<512x512xbf16> to vector<512x32xbf16>
    %slice3A_393 = vector.extract_strided_slice %convert_element_type3A_88 {offsets = [0, 160], sizes = [512, 32], strides = [1, 1]} : vector<512x512xbf16> to vector<512x32xbf16>
    %dot_general3A_394 = arith.constant dense<0.000000e+00> : vector<512x512xf32>
    %dot_general3A_395 = tpu.matmul %slice3A_392, %slice3A_393, %dot_general3A_394 {dimension_numbers = #tpu.dot_dimension_numbers<[1], [1], [0], [0], [0, 0, 1, 0], [], []>, transpose_lhs_hint = false} : vector<512x32xbf16>, vector<512x32xbf16>, vector<512x512xf32> -> vector<512x512xf32>
    %exp23A_396 = math.exp2 %dot_general3A_378 : vector<512x512xf32>
    %convert_element_type3A_397 = arith.truncf %exp23A_396 : vector<512x512xf32> to vector<512x512xbf16>
    %slice3A_398 = vector.extract_strided_slice %convert_element_type3A_129 {offsets = [0, 96], sizes = [512, 32], strides = [1, 1]} : vector<512x512xbf16> to vector<512x32xbf16>
    %concatenate3A_399 = tpu.concatenate %slice3A_398, %broadcast_in_dim3A_15 in 1 : vector<512x32xbf16>, vector<512x32xbf16> -> vector<512x64xbf16>
    %dot_general3A_400 = arith.constant dense<0.000000e+00> : vector<512x64xf32>
    %dot_general3A_401 = tpu.matmul %convert_element_type3A_380, %concatenate3A_399, %dot_general3A_400 {dimension_numbers = #tpu.dot_dimension_numbers<[1], [0], [0], [1], [0, 0, 1, 1], [], []>, transpose_lhs_hint = false} : vector<512x512xbf16>, vector<512x64xbf16>, vector<512x64xf32> -> vector<512x64xf32>
    %slice3A_402 = vector.extract_strided_slice %dot_general3A_401 {offsets = [0, 0], sizes = [512, 32], strides = [1, 1]} : vector<512x64xf32> to vector<512x32xf32>
    %slice3A_403 = vector.extract_strided_slice %dot_general3A_401 {offsets = [0, 32], sizes = [512, 32], strides = [1, 1]} : vector<512x64xf32> to vector<512x32xf32>
    %div3A_404 = arith.constant 1.000000e+00 : f32
    %div3A_405 = vector.broadcast %div3A_404 : f32 to vector<512x32xf32>
    %div3A_406 = arith.divf %div3A_405, %slice3A_403 : vector<512x32xf32>
    %mul3A_407 = arith.mulf %slice3A_402, %div3A_406 : vector<512x32xf32>
    %convert_element_type3A_408 = arith.truncf %mul3A_407 : vector<512x32xf32> to vector<512x32xbf16>
    %slice3A_409 = vector.extract_strided_slice %convert_element_type3A_50 {offsets = [0, 192], sizes = [512, 32], strides = [1, 1]} : vector<512x512xbf16> to vector<512x32xbf16>
    %slice3A_410 = vector.extract_strided_slice %convert_element_type3A_88 {offsets = [0, 192], sizes = [512, 32], strides = [1, 1]} : vector<512x512xbf16> to vector<512x32xbf16>
    %dot_general3A_411 = arith.constant dense<0.000000e+00> : vector<512x512xf32>
    %dot_general3A_412 = tpu.matmul %slice3A_409, %slice3A_410, %dot_general3A_411 {dimension_numbers = #tpu.dot_dimension_numbers<[1], [1], [0], [0], [0, 0, 1, 0], [], []>, transpose_lhs_hint = false} : vector<512x32xbf16>, vector<512x32xbf16>, vector<512x512xf32> -> vector<512x512xf32>
    %exp23A_413 = math.exp2 %dot_general3A_395 : vector<512x512xf32>
    %convert_element_type3A_414 = arith.truncf %exp23A_413 : vector<512x512xf32> to vector<512x512xbf16>
    %slice3A_415 = vector.extract_strided_slice %convert_element_type3A_129 {offsets = [0, 128], sizes = [512, 32], strides = [1, 1]} : vector<512x512xbf16> to vector<512x32xbf16>
    %concatenate3A_416 = tpu.concatenate %slice3A_415, %broadcast_in_dim3A_15 in 1 : vector<512x32xbf16>, vector<512x32xbf16> -> vector<512x64xbf16>
    %dot_general3A_417 = arith.constant dense<0.000000e+00> : vector<512x64xf32>
    %dot_general3A_418 = tpu.matmul %convert_element_type3A_397, %concatenate3A_416, %dot_general3A_417 {dimension_numbers = #tpu.dot_dimension_numbers<[1], [0], [0], [1], [0, 0, 1, 1], [], []>, transpose_lhs_hint = false} : vector<512x512xbf16>, vector<512x64xbf16>, vector<512x64xf32> -> vector<512x64xf32>
    %slice3A_419 = vector.extract_strided_slice %dot_general3A_418 {offsets = [0, 0], sizes = [512, 32], strides = [1, 1]} : vector<512x64xf32> to vector<512x32xf32>
    %slice3A_420 = vector.extract_strided_slice %dot_general3A_418 {offsets = [0, 32], sizes = [512, 32], strides = [1, 1]} : vector<512x64xf32> to vector<512x32xf32>
    %div3A_421 = arith.constant 1.000000e+00 : f32
    %div3A_422 = vector.broadcast %div3A_421 : f32 to vector<512x32xf32>
    %div3A_423 = arith.divf %div3A_422, %slice3A_420 : vector<512x32xf32>
    %mul3A_424 = arith.mulf %slice3A_419, %div3A_423 : vector<512x32xf32>
    %convert_element_type3A_425 = arith.truncf %mul3A_424 : vector<512x32xf32> to vector<512x32xbf16>
    %slice3A_426 = vector.extract_strided_slice %convert_element_type3A_50 {offsets = [0, 224], sizes = [512, 32], strides = [1, 1]} : vector<512x512xbf16> to vector<512x32xbf16>
    %slice3A_427 = vector.extract_strided_slice %convert_element_type3A_88 {offsets = [0, 224], sizes = [512, 32], strides = [1, 1]} : vector<512x512xbf16> to vector<512x32xbf16>
    %dot_general3A_428 = arith.constant dense<0.000000e+00> : vector<512x512xf32>
    %dot_general3A_429 = tpu.matmul %slice3A_426, %slice3A_427, %dot_general3A_428 {dimension_numbers = #tpu.dot_dimension_numbers<[1], [1], [0], [0], [0, 0, 1, 0], [], []>, transpose_lhs_hint = false} : vector<512x32xbf16>, vector<512x32xbf16>, vector<512x512xf32> -> vector<512x512xf32>
    %exp23A_430 = math.exp2 %dot_general3A_412 : vector<512x512xf32>
    %convert_element_type3A_431 = arith.truncf %exp23A_430 : vector<512x512xf32> to vector<512x512xbf16>
    %slice3A_432 = vector.extract_strided_slice %convert_element_type3A_129 {offsets = [0, 160], sizes = [512, 32], strides = [1, 1]} : vector<512x512xbf16> to vector<512x32xbf16>
    %concatenate3A_433 = tpu.concatenate %slice3A_432, %broadcast_in_dim3A_15 in 1 : vector<512x32xbf16>, vector<512x32xbf16> -> vector<512x64xbf16>
    %dot_general3A_434 = arith.constant dense<0.000000e+00> : vector<512x64xf32>
    %dot_general3A_435 = tpu.matmul %convert_element_type3A_414, %concatenate3A_433, %dot_general3A_434 {dimension_numbers = #tpu.dot_dimension_numbers<[1], [0], [0], [1], [0, 0, 1, 1], [], []>, transpose_lhs_hint = false} : vector<512x512xbf16>, vector<512x64xbf16>, vector<512x64xf32> -> vector<512x64xf32>
    %slice3A_436 = vector.extract_strided_slice %dot_general3A_435 {offsets = [0, 0], sizes = [512, 32], strides = [1, 1]} : vector<512x64xf32> to vector<512x32xf32>
    %slice3A_437 = vector.extract_strided_slice %dot_general3A_435 {offsets = [0, 32], sizes = [512, 32], strides = [1, 1]} : vector<512x64xf32> to vector<512x32xf32>
    %div3A_438 = arith.constant 1.000000e+00 : f32
    %div3A_439 = vector.broadcast %div3A_438 : f32 to vector<512x32xf32>
    %div3A_440 = arith.divf %div3A_439, %slice3A_437 : vector<512x32xf32>
    %mul3A_441 = arith.mulf %slice3A_436, %div3A_440 : vector<512x32xf32>
    %convert_element_type3A_442 = arith.truncf %mul3A_441 : vector<512x32xf32> to vector<512x32xbf16>
    %slice3A_443 = vector.extract_strided_slice %convert_element_type3A_50 {offsets = [0, 256], sizes = [512, 32], strides = [1, 1]} : vector<512x512xbf16> to vector<512x32xbf16>
    %slice3A_444 = vector.extract_strided_slice %convert_element_type3A_88 {offsets = [0, 256], sizes = [512, 32], strides = [1, 1]} : vector<512x512xbf16> to vector<512x32xbf16>
    %dot_general3A_445 = arith.constant dense<0.000000e+00> : vector<512x512xf32>
    %dot_general3A_446 = tpu.matmul %slice3A_443, %slice3A_444, %dot_general3A_445 {dimension_numbers = #tpu.dot_dimension_numbers<[1], [1], [0], [0], [0, 0, 1, 0], [], []>, transpose_lhs_hint = false} : vector<512x32xbf16>, vector<512x32xbf16>, vector<512x512xf32> -> vector<512x512xf32>
    %exp23A_447 = math.exp2 %dot_general3A_429 : vector<512x512xf32>
    %convert_element_type3A_448 = arith.truncf %exp23A_447 : vector<512x512xf32> to vector<512x512xbf16>
    %slice3A_449 = vector.extract_strided_slice %convert_element_type3A_129 {offsets = [0, 192], sizes = [512, 32], strides = [1, 1]} : vector<512x512xbf16> to vector<512x32xbf16>
    %concatenate3A_450 = tpu.concatenate %slice3A_449, %broadcast_in_dim3A_15 in 1 : vector<512x32xbf16>, vector<512x32xbf16> -> vector<512x64xbf16>
    %dot_general3A_451 = arith.constant dense<0.000000e+00> : vector<512x64xf32>
    %dot_general3A_452 = tpu.matmul %convert_element_type3A_431, %concatenate3A_450, %dot_general3A_451 {dimension_numbers = #tpu.dot_dimension_numbers<[1], [0], [0], [1], [0, 0, 1, 1], [], []>, transpose_lhs_hint = false} : vector<512x512xbf16>, vector<512x64xbf16>, vector<512x64xf32> -> vector<512x64xf32>
    %slice3A_453 = vector.extract_strided_slice %dot_general3A_452 {offsets = [0, 0], sizes = [512, 32], strides = [1, 1]} : vector<512x64xf32> to vector<512x32xf32>
    %slice3A_454 = vector.extract_strided_slice %dot_general3A_452 {offsets = [0, 32], sizes = [512, 32], strides = [1, 1]} : vector<512x64xf32> to vector<512x32xf32>
    %div3A_455 = arith.constant 1.000000e+00 : f32
    %div3A_456 = vector.broadcast %div3A_455 : f32 to vector<512x32xf32>
    %div3A_457 = arith.divf %div3A_456, %slice3A_454 : vector<512x32xf32>
    %mul3A_458 = arith.mulf %slice3A_453, %div3A_457 : vector<512x32xf32>
    %convert_element_type3A_459 = arith.truncf %mul3A_458 : vector<512x32xf32> to vector<512x32xbf16>
    %slice3A_460 = vector.extract_strided_slice %convert_element_type3A_50 {offsets = [0, 288], sizes = [512, 32], strides = [1, 1]} : vector<512x512xbf16> to vector<512x32xbf16>
    %slice3A_461 = vector.extract_strided_slice %convert_element_type3A_88 {offsets = [0, 288], sizes = [512, 32], strides = [1, 1]} : vector<512x512xbf16> to vector<512x32xbf16>
    %dot_general3A_462 = arith.constant dense<0.000000e+00> : vector<512x512xf32>
    %dot_general3A_463 = tpu.matmul %slice3A_460, %slice3A_461, %dot_general3A_462 {dimension_numbers = #tpu.dot_dimension_numbers<[1], [1], [0], [0], [0, 0, 1, 0], [], []>, transpose_lhs_hint = false} : vector<512x32xbf16>, vector<512x32xbf16>, vector<512x512xf32> -> vector<512x512xf32>
    %exp23A_464 = math.exp2 %dot_general3A_446 : vector<512x512xf32>
    %convert_element_type3A_465 = arith.truncf %exp23A_464 : vector<512x512xf32> to vector<512x512xbf16>
    %slice3A_466 = vector.extract_strided_slice %convert_element_type3A_129 {offsets = [0, 224], sizes = [512, 32], strides = [1, 1]} : vector<512x512xbf16> to vector<512x32xbf16>
    %concatenate3A_467 = tpu.concatenate %slice3A_466, %broadcast_in_dim3A_15 in 1 : vector<512x32xbf16>, vector<512x32xbf16> -> vector<512x64xbf16>
    %dot_general3A_468 = arith.constant dense<0.000000e+00> : vector<512x64xf32>
    %dot_general3A_469 = tpu.matmul %convert_element_type3A_448, %concatenate3A_467, %dot_general3A_468 {dimension_numbers = #tpu.dot_dimension_numbers<[1], [0], [0], [1], [0, 0, 1, 1], [], []>, transpose_lhs_hint = false} : vector<512x512xbf16>, vector<512x64xbf16>, vector<512x64xf32> -> vector<512x64xf32>
    %slice3A_470 = vector.extract_strided_slice %dot_general3A_469 {offsets = [0, 0], sizes = [512, 32], strides = [1, 1]} : vector<512x64xf32> to vector<512x32xf32>
    %slice3A_471 = vector.extract_strided_slice %dot_general3A_469 {offsets = [0, 32], sizes = [512, 32], strides = [1, 1]} : vector<512x64xf32> to vector<512x32xf32>
    %div3A_472 = arith.constant 1.000000e+00 : f32
    %div3A_473 = vector.broadcast %div3A_472 : f32 to vector<512x32xf32>
    %div3A_474 = arith.divf %div3A_473, %slice3A_471 : vector<512x32xf32>
    %mul3A_475 = arith.mulf %slice3A_470, %div3A_474 : vector<512x32xf32>
    %convert_element_type3A_476 = arith.truncf %mul3A_475 : vector<512x32xf32> to vector<512x32xbf16>
    %slice3A_477 = vector.extract_strided_slice %convert_element_type3A_50 {offsets = [0, 320], sizes = [512, 32], strides = [1, 1]} : vector<512x512xbf16> to vector<512x32xbf16>
    %slice3A_478 = vector.extract_strided_slice %convert_element_type3A_88 {offsets = [0, 320], sizes = [512, 32], strides = [1, 1]} : vector<512x512xbf16> to vector<512x32xbf16>
    %dot_general3A_479 = arith.constant dense<0.000000e+00> : vector<512x512xf32>
    %dot_general3A_480 = tpu.matmul %slice3A_477, %slice3A_478, %dot_general3A_479 {dimension_numbers = #tpu.dot_dimension_numbers<[1], [1], [0], [0], [0, 0, 1, 0], [], []>, transpose_lhs_hint = false} : vector<512x32xbf16>, vector<512x32xbf16>, vector<512x512xf32> -> vector<512x512xf32>
    %exp23A_481 = math.exp2 %dot_general3A_463 : vector<512x512xf32>
    %convert_element_type3A_482 = arith.truncf %exp23A_481 : vector<512x512xf32> to vector<512x512xbf16>
    %slice3A_483 = vector.extract_strided_slice %convert_element_type3A_129 {offsets = [0, 256], sizes = [512, 32], strides = [1, 1]} : vector<512x512xbf16> to vector<512x32xbf16>
    %concatenate3A_484 = tpu.concatenate %slice3A_483, %broadcast_in_dim3A_15 in 1 : vector<512x32xbf16>, vector<512x32xbf16> -> vector<512x64xbf16>
    %dot_general3A_485 = arith.constant dense<0.000000e+00> : vector<512x64xf32>
    %dot_general3A_486 = tpu.matmul %convert_element_type3A_465, %concatenate3A_484, %dot_general3A_485 {dimension_numbers = #tpu.dot_dimension_numbers<[1], [0], [0], [1], [0, 0, 1, 1], [], []>, transpose_lhs_hint = false} : vector<512x512xbf16>, vector<512x64xbf16>, vector<512x64xf32> -> vector<512x64xf32>
    %slice3A_487 = vector.extract_strided_slice %dot_general3A_486 {offsets = [0, 0], sizes = [512, 32], strides = [1, 1]} : vector<512x64xf32> to vector<512x32xf32>
    %slice3A_488 = vector.extract_strided_slice %dot_general3A_486 {offsets = [0, 32], sizes = [512, 32], strides = [1, 1]} : vector<512x64xf32> to vector<512x32xf32>
    %div3A_489 = arith.constant 1.000000e+00 : f32
    %div3A_490 = vector.broadcast %div3A_489 : f32 to vector<512x32xf32>
    %div3A_491 = arith.divf %div3A_490, %slice3A_488 : vector<512x32xf32>
    %mul3A_492 = arith.mulf %slice3A_487, %div3A_491 : vector<512x32xf32>
    %convert_element_type3A_493 = arith.truncf %mul3A_492 : vector<512x32xf32> to vector<512x32xbf16>
    %slice3A_494 = vector.extract_strided_slice %convert_element_type3A_50 {offsets = [0, 352], sizes = [512, 32], strides = [1, 1]} : vector<512x512xbf16> to vector<512x32xbf16>
    %slice3A_495 = vector.extract_strided_slice %convert_element_type3A_88 {offsets = [0, 352], sizes = [512, 32], strides = [1, 1]} : vector<512x512xbf16> to vector<512x32xbf16>
    %dot_general3A_496 = arith.constant dense<0.000000e+00> : vector<512x512xf32>
    %dot_general3A_497 = tpu.matmul %slice3A_494, %slice3A_495, %dot_general3A_496 {dimension_numbers = #tpu.dot_dimension_numbers<[1], [1], [0], [0], [0, 0, 1, 0], [], []>, transpose_lhs_hint = false} : vector<512x32xbf16>, vector<512x32xbf16>, vector<512x512xf32> -> vector<512x512xf32>
    %exp23A_498 = math.exp2 %dot_general3A_480 : vector<512x512xf32>
    %convert_element_type3A_499 = arith.truncf %exp23A_498 : vector<512x512xf32> to vector<512x512xbf16>
    %slice3A_500 = vector.extract_strided_slice %convert_element_type3A_129 {offsets = [0, 288], sizes = [512, 32], strides = [1, 1]} : vector<512x512xbf16> to vector<512x32xbf16>
    %concatenate3A_501 = tpu.concatenate %slice3A_500, %broadcast_in_dim3A_15 in 1 : vector<512x32xbf16>, vector<512x32xbf16> -> vector<512x64xbf16>
    %dot_general3A_502 = arith.constant dense<0.000000e+00> : vector<512x64xf32>
    %dot_general3A_503 = tpu.matmul %convert_element_type3A_482, %concatenate3A_501, %dot_general3A_502 {dimension_numbers = #tpu.dot_dimension_numbers<[1], [0], [0], [1], [0, 0, 1, 1], [], []>, transpose_lhs_hint = false} : vector<512x512xbf16>, vector<512x64xbf16>, vector<512x64xf32> -> vector<512x64xf32>
    %slice3A_504 = vector.extract_strided_slice %dot_general3A_503 {offsets = [0, 0], sizes = [512, 32], strides = [1, 1]} : vector<512x64xf32> to vector<512x32xf32>
    %slice3A_505 = vector.extract_strided_slice %dot_general3A_503 {offsets = [0, 32], sizes = [512, 32], strides = [1, 1]} : vector<512x64xf32> to vector<512x32xf32>
    %div3A_506 = arith.constant 1.000000e+00 : f32
    %div3A_507 = vector.broadcast %div3A_506 : f32 to vector<512x32xf32>
    %div3A_508 = arith.divf %div3A_507, %slice3A_505 : vector<512x32xf32>
    %mul3A_509 = arith.mulf %slice3A_504, %div3A_508 : vector<512x32xf32>
    %convert_element_type3A_510 = arith.truncf %mul3A_509 : vector<512x32xf32> to vector<512x32xbf16>
    %slice3A_511 = vector.extract_strided_slice %convert_element_type3A_50 {offsets = [0, 384], sizes = [512, 32], strides = [1, 1]} : vector<512x512xbf16> to vector<512x32xbf16>
    %slice3A_512 = vector.extract_strided_slice %convert_element_type3A_88 {offsets = [0, 384], sizes = [512, 32], strides = [1, 1]} : vector<512x512xbf16> to vector<512x32xbf16>
    %dot_general3A_513 = arith.constant dense<0.000000e+00> : vector<512x512xf32>
    %dot_general3A_514 = tpu.matmul %slice3A_511, %slice3A_512, %dot_general3A_513 {dimension_numbers = #tpu.dot_dimension_numbers<[1], [1], [0], [0], [0, 0, 1, 0], [], []>, transpose_lhs_hint = false} : vector<512x32xbf16>, vector<512x32xbf16>, vector<512x512xf32> -> vector<512x512xf32>
    %exp23A_515 = math.exp2 %dot_general3A_497 : vector<512x512xf32>
    %convert_element_type3A_516 = arith.truncf %exp23A_515 : vector<512x512xf32> to vector<512x512xbf16>
    %slice3A_517 = vector.extract_strided_slice %convert_element_type3A_129 {offsets = [0, 320], sizes = [512, 32], strides = [1, 1]} : vector<512x512xbf16> to vector<512x32xbf16>
    %concatenate3A_518 = tpu.concatenate %slice3A_517, %broadcast_in_dim3A_15 in 1 : vector<512x32xbf16>, vector<512x32xbf16> -> vector<512x64xbf16>
    %dot_general3A_519 = arith.constant dense<0.000000e+00> : vector<512x64xf32>
    %dot_general3A_520 = tpu.matmul %convert_element_type3A_499, %concatenate3A_518, %dot_general3A_519 {dimension_numbers = #tpu.dot_dimension_numbers<[1], [0], [0], [1], [0, 0, 1, 1], [], []>, transpose_lhs_hint = false} : vector<512x512xbf16>, vector<512x64xbf16>, vector<512x64xf32> -> vector<512x64xf32>
    %slice3A_521 = vector.extract_strided_slice %dot_general3A_520 {offsets = [0, 0], sizes = [512, 32], strides = [1, 1]} : vector<512x64xf32> to vector<512x32xf32>
    %slice3A_522 = vector.extract_strided_slice %dot_general3A_520 {offsets = [0, 32], sizes = [512, 32], strides = [1, 1]} : vector<512x64xf32> to vector<512x32xf32>
    %div3A_523 = arith.constant 1.000000e+00 : f32
    %div3A_524 = vector.broadcast %div3A_523 : f32 to vector<512x32xf32>
    %div3A_525 = arith.divf %div3A_524, %slice3A_522 : vector<512x32xf32>
    %mul3A_526 = arith.mulf %slice3A_521, %div3A_525 : vector<512x32xf32>
    %convert_element_type3A_527 = arith.truncf %mul3A_526 : vector<512x32xf32> to vector<512x32xbf16>
    %slice3A_528 = vector.extract_strided_slice %convert_element_type3A_50 {offsets = [0, 416], sizes = [512, 32], strides = [1, 1]} : vector<512x512xbf16> to vector<512x32xbf16>
    %slice3A_529 = vector.extract_strided_slice %convert_element_type3A_88 {offsets = [0, 416], sizes = [512, 32], strides = [1, 1]} : vector<512x512xbf16> to vector<512x32xbf16>
    %dot_general3A_530 = arith.constant dense<0.000000e+00> : vector<512x512xf32>
    %dot_general3A_531 = tpu.matmul %slice3A_528, %slice3A_529, %dot_general3A_530 {dimension_numbers = #tpu.dot_dimension_numbers<[1], [1], [0], [0], [0, 0, 1, 0], [], []>, transpose_lhs_hint = false} : vector<512x32xbf16>, vector<512x32xbf16>, vector<512x512xf32> -> vector<512x512xf32>
    %exp23A_532 = math.exp2 %dot_general3A_514 : vector<512x512xf32>
    %convert_element_type3A_533 = arith.truncf %exp23A_532 : vector<512x512xf32> to vector<512x512xbf16>
    %slice3A_534 = vector.extract_strided_slice %convert_element_type3A_129 {offsets = [0, 352], sizes = [512, 32], strides = [1, 1]} : vector<512x512xbf16> to vector<512x32xbf16>
    %concatenate3A_535 = tpu.concatenate %slice3A_534, %broadcast_in_dim3A_15 in 1 : vector<512x32xbf16>, vector<512x32xbf16> -> vector<512x64xbf16>
    %dot_general3A_536 = arith.constant dense<0.000000e+00> : vector<512x64xf32>
    %dot_general3A_537 = tpu.matmul %convert_element_type3A_516, %concatenate3A_535, %dot_general3A_536 {dimension_numbers = #tpu.dot_dimension_numbers<[1], [0], [0], [1], [0, 0, 1, 1], [], []>, transpose_lhs_hint = false} : vector<512x512xbf16>, vector<512x64xbf16>, vector<512x64xf32> -> vector<512x64xf32>
    %slice3A_538 = vector.extract_strided_slice %dot_general3A_537 {offsets = [0, 0], sizes = [512, 32], strides = [1, 1]} : vector<512x64xf32> to vector<512x32xf32>
    %slice3A_539 = vector.extract_strided_slice %dot_general3A_537 {offsets = [0, 32], sizes = [512, 32], strides = [1, 1]} : vector<512x64xf32> to vector<512x32xf32>
    %div3A_540 = arith.constant 1.000000e+00 : f32
    %div3A_541 = vector.broadcast %div3A_540 : f32 to vector<512x32xf32>
    %div3A_542 = arith.divf %div3A_541, %slice3A_539 : vector<512x32xf32>
    %mul3A_543 = arith.mulf %slice3A_538, %div3A_542 : vector<512x32xf32>
    %convert_element_type3A_544 = arith.truncf %mul3A_543 : vector<512x32xf32> to vector<512x32xbf16>
    %slice3A_545 = vector.extract_strided_slice %convert_element_type3A_50 {offsets = [0, 448], sizes = [512, 32], strides = [1, 1]} : vector<512x512xbf16> to vector<512x32xbf16>
    %slice3A_546 = vector.extract_strided_slice %convert_element_type3A_88 {offsets = [0, 448], sizes = [512, 32], strides = [1, 1]} : vector<512x512xbf16> to vector<512x32xbf16>
    %dot_general3A_547 = arith.constant dense<0.000000e+00> : vector<512x512xf32>
    %dot_general3A_548 = tpu.matmul %slice3A_545, %slice3A_546, %dot_general3A_547 {dimension_numbers = #tpu.dot_dimension_numbers<[1], [1], [0], [0], [0, 0, 1, 0], [], []>, transpose_lhs_hint = false} : vector<512x32xbf16>, vector<512x32xbf16>, vector<512x512xf32> -> vector<512x512xf32>
    %exp23A_549 = math.exp2 %dot_general3A_531 : vector<512x512xf32>
    %convert_element_type3A_550 = arith.truncf %exp23A_549 : vector<512x512xf32> to vector<512x512xbf16>
    %slice3A_551 = vector.extract_strided_slice %convert_element_type3A_129 {offsets = [0, 384], sizes = [512, 32], strides = [1, 1]} : vector<512x512xbf16> to vector<512x32xbf16>
    %concatenate3A_552 = tpu.concatenate %slice3A_551, %broadcast_in_dim3A_15 in 1 : vector<512x32xbf16>, vector<512x32xbf16> -> vector<512x64xbf16>
    %dot_general3A_553 = arith.constant dense<0.000000e+00> : vector<512x64xf32>
    %dot_general3A_554 = tpu.matmul %convert_element_type3A_533, %concatenate3A_552, %dot_general3A_553 {dimension_numbers = #tpu.dot_dimension_numbers<[1], [0], [0], [1], [0, 0, 1, 1], [], []>, transpose_lhs_hint = false} : vector<512x512xbf16>, vector<512x64xbf16>, vector<512x64xf32> -> vector<512x64xf32>
    %slice3A_555 = vector.extract_strided_slice %dot_general3A_554 {offsets = [0, 0], sizes = [512, 32], strides = [1, 1]} : vector<512x64xf32> to vector<512x32xf32>
    %slice3A_556 = vector.extract_strided_slice %dot_general3A_554 {offsets = [0, 32], sizes = [512, 32], strides = [1, 1]} : vector<512x64xf32> to vector<512x32xf32>
    %div3A_557 = arith.constant 1.000000e+00 : f32
    %div3A_558 = vector.broadcast %div3A_557 : f32 to vector<512x32xf32>
    %div3A_559 = arith.divf %div3A_558, %slice3A_556 : vector<512x32xf32>
    %mul3A_560 = arith.mulf %slice3A_555, %div3A_559 : vector<512x32xf32>
    %convert_element_type3A_561 = arith.truncf %mul3A_560 : vector<512x32xf32> to vector<512x32xbf16>
    %slice3A_562 = vector.extract_strided_slice %convert_element_type3A_50 {offsets = [0, 480], sizes = [512, 32], strides = [1, 1]} : vector<512x512xbf16> to vector<512x32xbf16>
    %slice3A_563 = vector.extract_strided_slice %convert_element_type3A_88 {offsets = [0, 480], sizes = [512, 32], strides = [1, 1]} : vector<512x512xbf16> to vector<512x32xbf16>
    %dot_general3A_564 = arith.constant dense<0.000000e+00> : vector<512x512xf32>
    %dot_general3A_565 = tpu.matmul %slice3A_562, %slice3A_563, %dot_general3A_564 {dimension_numbers = #tpu.dot_dimension_numbers<[1], [1], [0], [0], [0, 0, 1, 0], [], []>, transpose_lhs_hint = false} : vector<512x32xbf16>, vector<512x32xbf16>, vector<512x512xf32> -> vector<512x512xf32>
    %exp23A_566 = math.exp2 %dot_general3A_548 : vector<512x512xf32>
    %convert_element_type3A_567 = arith.truncf %exp23A_566 : vector<512x512xf32> to vector<512x512xbf16>
    %slice3A_568 = vector.extract_strided_slice %convert_element_type3A_129 {offsets = [0, 416], sizes = [512, 32], strides = [1, 1]} : vector<512x512xbf16> to vector<512x32xbf16>
    %concatenate3A_569 = tpu.concatenate %slice3A_568, %broadcast_in_dim3A_15 in 1 : vector<512x32xbf16>, vector<512x32xbf16> -> vector<512x64xbf16>
    %dot_general3A_570 = arith.constant dense<0.000000e+00> : vector<512x64xf32>
    %dot_general3A_571 = tpu.matmul %convert_element_type3A_550, %concatenate3A_569, %dot_general3A_570 {dimension_numbers = #tpu.dot_dimension_numbers<[1], [0], [0], [1], [0, 0, 1, 1], [], []>, transpose_lhs_hint = false} : vector<512x512xbf16>, vector<512x64xbf16>, vector<512x64xf32> -> vector<512x64xf32>
    %slice3A_572 = vector.extract_strided_slice %dot_general3A_571 {offsets = [0, 0], sizes = [512, 32], strides = [1, 1]} : vector<512x64xf32> to vector<512x32xf32>
    %slice3A_573 = vector.extract_strided_slice %dot_general3A_571 {offsets = [0, 32], sizes = [512, 32], strides = [1, 1]} : vector<512x64xf32> to vector<512x32xf32>
    %div3A_574 = arith.constant 1.000000e+00 : f32
    %div3A_575 = vector.broadcast %div3A_574 : f32 to vector<512x32xf32>
    %div3A_576 = arith.divf %div3A_575, %slice3A_573 : vector<512x32xf32>
    %mul3A_577 = arith.mulf %slice3A_572, %div3A_576 : vector<512x32xf32>
    %convert_element_type3A_578 = arith.truncf %mul3A_577 : vector<512x32xf32> to vector<512x32xbf16>
    %exp23A_579 = math.exp2 %dot_general3A_565 : vector<512x512xf32>
    %convert_element_type3A_580 = arith.truncf %exp23A_579 : vector<512x512xf32> to vector<512x512xbf16>
    %slice3A_581 = vector.extract_strided_slice %convert_element_type3A_129 {offsets = [0, 448], sizes = [512, 32], strides = [1, 1]} : vector<512x512xbf16> to vector<512x32xbf16>
    %concatenate3A_582 = tpu.concatenate %slice3A_581, %broadcast_in_dim3A_15 in 1 : vector<512x32xbf16>, vector<512x32xbf16> -> vector<512x64xbf16>
    %dot_general3A_583 = arith.constant dense<0.000000e+00> : vector<512x64xf32>
    %dot_general3A_584 = tpu.matmul %convert_element_type3A_567, %concatenate3A_582, %dot_general3A_583 {dimension_numbers = #tpu.dot_dimension_numbers<[1], [0], [0], [1], [0, 0, 1, 1], [], []>, transpose_lhs_hint = false} : vector<512x512xbf16>, vector<512x64xbf16>, vector<512x64xf32> -> vector<512x64xf32>
    %slice3A_585 = vector.extract_strided_slice %dot_general3A_584 {offsets = [0, 0], sizes = [512, 32], strides = [1, 1]} : vector<512x64xf32> to vector<512x32xf32>
    %slice3A_586 = vector.extract_strided_slice %dot_general3A_584 {offsets = [0, 32], sizes = [512, 32], strides = [1, 1]} : vector<512x64xf32> to vector<512x32xf32>
    %div3A_587 = arith.constant 1.000000e+00 : f32
    %div3A_588 = vector.broadcast %div3A_587 : f32 to vector<512x32xf32>
    %div3A_589 = arith.divf %div3A_588, %slice3A_586 : vector<512x32xf32>
    %mul3A_590 = arith.mulf %slice3A_585, %div3A_589 : vector<512x32xf32>
    %convert_element_type3A_591 = arith.truncf %mul3A_590 : vector<512x32xf32> to vector<512x32xbf16>
    %slice3A_592 = vector.extract_strided_slice %convert_element_type3A_129 {offsets = [0, 480], sizes = [512, 32], strides = [1, 1]} : vector<512x512xbf16> to vector<512x32xbf16>
    %concatenate3A_593 = tpu.concatenate %slice3A_592, %broadcast_in_dim3A_15 in 1 : vector<512x32xbf16>, vector<512x32xbf16> -> vector<512x64xbf16>
    %dot_general3A_594 = arith.constant dense<0.000000e+00> : vector<512x64xf32>
    %dot_general3A_595 = tpu.matmul %convert_element_type3A_580, %concatenate3A_593, %dot_general3A_594 {dimension_numbers = #tpu.dot_dimension_numbers<[1], [0], [0], [1], [0, 0, 1, 1], [], []>, transpose_lhs_hint = false} : vector<512x512xbf16>, vector<512x64xbf16>, vector<512x64xf32> -> vector<512x64xf32>
    %slice3A_596 = vector.extract_strided_slice %dot_general3A_595 {offsets = [0, 0], sizes = [512, 32], strides = [1, 1]} : vector<512x64xf32> to vector<512x32xf32>
    %slice3A_597 = vector.extract_strided_slice %dot_general3A_595 {offsets = [0, 32], sizes = [512, 32], strides = [1, 1]} : vector<512x64xf32> to vector<512x32xf32>
    %div3A_598 = arith.constant 1.000000e+00 : f32
    %div3A_599 = vector.broadcast %div3A_598 : f32 to vector<512x32xf32>
    %div3A_600 = arith.divf %div3A_599, %slice3A_597 : vector<512x32xf32>
    %mul3A_601 = arith.mulf %slice3A_596, %div3A_600 : vector<512x32xf32>
    %convert_element_type3A_602 = arith.truncf %mul3A_601 : vector<512x32xf32> to vector<512x32xbf16>
    %concatenate3A_603 = tpu.concatenate %convert_element_type3A_350, %convert_element_type3A_374, %convert_element_type3A_391, %convert_element_type3A_408, %convert_element_type3A_425, %convert_element_type3A_442, %convert_element_type3A_459, %convert_element_type3A_476, %convert_element_type3A_493, %convert_element_type3A_510, %convert_element_type3A_527, %convert_element_type3A_544, %convert_element_type3A_561, %convert_element_type3A_578, %convert_element_type3A_591, %convert_element_type3A_602 in 1 : vector<512x32xbf16>, vector<512x32xbf16>, vector<512x32xbf16>, vector<512x32xbf16>, vector<512x32xbf16>, vector<512x32xbf16>, vector<512x32xbf16>, vector<512x32xbf16>, vector<512x32xbf16>, vector<512x32xbf16>, vector<512x32xbf16>, vector<512x32xbf16>, vector<512x32xbf16>, vector<512x32xbf16>, vector<512x32xbf16>, vector<512x32xbf16> -> vector<512x512xbf16>
    %dot_general3A_604 = arith.constant dense<0.000000e+00> : vector<512x512xf32>
    %dot_general3A_605 = tpu.matmul %concatenate3A_603, %get3A_11, %dot_general3A_604 {dimension_numbers = #tpu.dot_dimension_numbers<[1], [0], [0], [1], [0, 0, 1, 1], [], []>, transpose_lhs_hint = false} : vector<512x512xbf16>, vector<512x512xbf16>, vector<512x512xf32> -> vector<512x512xf32>
    %add3A_606 = vector.broadcast %get3A_14 : vector<1x512xf32> to vector<512x512xf32>
    %add3A_607 = arith.addf %dot_general3A_605, %add3A_606 : vector<512x512xf32>
    %swap3A_608 = arith.constant 512 : index
    %swap3A_609 = arith.constant 0 : index
    %swap3A_610 = vector.load %arg6[%swap3A_608, %swap3A_609] : memref<1024x512xf32, #tpu.memory_space<vmem>>, vector<512x512xf32>
    tpu.vector_store %arg6[%swap3A_608, %swap3A_609], %add3A_607 {strides = array<i32>} : memref<1024x512xf32, #tpu.memory_space<vmem>>, vector<512x512xf32>,
    return
  }
  func.func @transform_0(%arg0: i32) -> (i32, i32) {
    %c0_i32 = arith.constant 0 : i32
    %c0_i32_0 = arith.constant 0 : i32
    return %arg0, %c0_i32 : i32, i32
  }
  func.func @transform_1(%arg0: i32) -> (i32, i32) {
    %c0_i32 = arith.constant 0 : i32
    %c0_i32_0 = arith.constant 0 : i32
    %c0_i32_1 = arith.constant 0 : i32
    return %c0_i32, %c0_i32_0 : i32, i32
  }
  func.func @transform_2(%arg0: i32) -> (i32, i32) {
    %c0_i32 = arith.constant 0 : i32
    %c0_i32_0 = arith.constant 0 : i32
    %c0_i32_1 = arith.constant 0 : i32
    return %c0_i32, %c0_i32_0 : i32, i32
  }
  func.func @transform_3(%arg0: i32) -> (i32, i32) {
    %c0_i32 = arith.constant 0 : i32
    %c0_i32_0 = arith.constant 0 : i32
    %c0_i32_1 = arith.constant 0 : i32
    return %c0_i32, %c0_i32_0 : i32, i32
  }
  func.func @transform_4(%arg0: i32) -> (i32, i32) {
    %c0_i32 = arith.constant 0 : i32
    %c0_i32_0 = arith.constant 0 : i32
    %c0_i32_1 = arith.constant 0 : i32
    return %c0_i32, %c0_i32_0 : i32, i32
  }
  func.func @transform_5(%arg0: i32) -> (i32, i32) {
    %c0_i32 = arith.constant 0 : i32
    %c0_i32_0 = arith.constant 0 : i32
    return %arg0, %c0_i32 : i32, i32
  }
}

</mosaic_0001>

<sc_bundles>
// kernel: kernel.5.cloned.1.call-start
scs
__scs_entry_jumppad:
0x0: {  	(pc) =	sbr.rel $0x88, $3  }
0x1: {  	(tag) =	ssettag $0x0;
	lr =	simm.s32 $0x1  }
0x2: {  	[smem:$0x3F9A] =	sst lr;
	_ =	strace $0xD0000000  }
0x3: {  	_ = 	snop  }
0x4: {  	_ = 	snop  }
0x5: {  	_ = 	snop  }
0x6: {  	_ = 	snop  }
0x7: {  	_ = 	snop  }
__scs_overlays_trampoline_lowered:
0x8: {  	[smem:$0x3FA9] =	sst s0  }
0x9: {  	[smem:$0x3FAA] =	sst s1  }
0xa: {  	[smem:$0x3FAB] =	sst s2  }
0xb: {  	[smem:$0x3FAC] =	sst s3  }
0xc: {  	[smem:$0x3FAD] =	sst s4  }
0xd: {  	[smem:$0x3FAE] =	sst s5  }
0xe: {  	[smem:$0x3FAF] =	sst s6  }
0xf: {  	[smem:$0x3FB0] =	sst s7  }
0x10: {  	[smem:$0x3FB1] =	sst s8  }
0x11: {  	[smem:$0x3FB2] =	sst s9;
	s0 =	simm.s32 @!p0 $0x0  }
0x12: {  	s1 =	sld [smem:$0x3F98];
	s0 =	simm.s32 @p0 $0x1  }
0x13: {  	[smem:$0x3FB3] =	sst s0;
	s0 =	simm.s32 @!p1 $0x0  }
0x14: {  	s2 =	sld [smem:$0x3F97];
	s0 =	simm.s32 @p1 $0x1  }
0x15: {  	[smem:$0x3FB4] =	sst s0;
	s0 =	simm.s32 @!p2 $0x0  }
0x16: {  	s3 =	sld [smem:$0x3FDB];
	s0 =	simm.s32 @p2 $0x1  }
0x17: {  	s4 =	simm.s32 $0x1BF5;
	[smem:$0x3FB6] =	sst s0  }
0x18: {  	s0 =	sld [smem:$0x3F99];
	_ =	swait.ge [sflag:s4], $0x0  }
0x19: {  	s7 =	sld [smem:$0x3F9A]  }
0x1a: {  	s8 =	sadd.s32 $0xFFFFE003, lr  }
0x1b: {  	s9 =	sadd.s32 $0xFFFFFEF7, lr;
	s5 =	simm.s32 $0xFFFFFFFF;
	p2 =	slt.u32 s8, $0xFFFFF086  }
0x1c: {  	p1 =	slt.u32 s9, $0xF7A;
	s5 =	simm.s32 @!p2 $0x0  }
0x1d: {  	s5 =	simm.s32 @p1 $0x1;
	p0 =	seq.s32 s7, s2  }
0x1e: {  	s7 =	smul.u32 @!p0 $0xF7A, s2;
	p2 =	seq.s32 @!p0 s5, $0x0  }
0x1f: {  	s9 =	smul.u32 $0xF7A, s1;
	s8 =	simm.s32 @!p0 $0x1BF5;
	p2 =	por !p2, p0  }
0x20: {  	[sflag:s8] =	ssyncset.s32 @!p0 $0xFFFFF086;
	s6 =	sadd.s32 @!p0 s3, s7;
	s7 =	simm.s32 @!p0 $0x108  }
0x21: {  	s3 =	sadd.s32 s3, s9;
	s6 =	sadd.s32 @!p0 $0x88, s6;
	s7 =	simm.s32 @p2 $0x1082  }
0x22: {  	[simem:s7], [sflag:s8] =	dma.local @!p0 [hbm:s6], $0xF7A  }
0x23: {  	s9 =	sor.u32 $0xD0000000, s2;
	s6 =	simm.s32 $0x108;
	_ =	swait.ge @!p0 [sflag:s8], $0x0  }
0x24: {  	s3 =	sadd.s32 $0x88, s3;
	s6 =	simm.s32 @!p1 $0x1082;
	[sflag:s4] =	ssyncset.s32 $0xFFFFF086  }
0x25: {  	[simem:s6], [sflag:s4] =	dma.local [hbm:s3], $0xF7A  }
0x26: {  	[smem:$0x3F9A] =	sst s1;
	(tag) =	ssettag s2;
	_ =	strace s9  }
0x27: {  	s1 =	sld [smem:$0x3FAA]  }
0x28: {  	s2 =	sld [smem:$0x3FAB]  }
0x29: {  	s4 =	sld [smem:$0x3FAD]  }
0x2a: {  	p0 =	seq.s32 s5, $0x0;
	s5 =	sld [smem:$0x3FAE]  }
0x2b: {  	s6 =	sld [smem:$0x3FAF]  }
0x2c: {  	s7 =	sld [smem:$0x3FB0]  }
0x2d: {  	s3 =	simm.s32 $0x108;
	s8 =	sld [smem:$0x3FB1]  }
0x2e: {  	s3 =	simm.s32 @!p0 $0x1082;
	s9 =	sld [smem:$0x3FB2]  }
0x2f: {  	lr =	sadd.s32 s0, s3;
	s0 =	sld [smem:$0x3FA9]  }
0x30: {  	s3 =	sld [smem:$0x3FAC]  }
0x31: {  	[smem:$0x3FB5] =	sst s10  }
0x32: {  	s10 =	sld [smem:$0x3FB3];
	_ =	sdelay $0x3  }
0x33: {  	p0 =	seq.s32 s10, $0x1;
	s10 =	sld [smem:$0x3FB5];
	_ =	sdelay $0x3  }
0x34: {  	[smem:$0x3FB5] =	sst s10  }
0x35: {  	s10 =	sld [smem:$0x3FB4];
	_ =	sdelay $0x3  }
0x36: {  	p1 =	seq.s32 s10, $0x1;
	s10 =	sld [smem:$0x3FB5];
	_ =	sdelay $0x3  }
0x37: {  	[smem:$0x3FB5] =	sst s10  }
0x38: {  	s10 =	sld [smem:$0x3FB6]  }
0x39: {  	_ = 	snop;
	(pc) =	sbr.ind lr, $3  }
0x3a: {  	_ = 	snop  }
0x3b: {  	_ = 	snop  }
0x3c: {  	p2 =	seq.s32 s10, $0x1;
	s10 =	sld [smem:$0x3FB5]  }
0x3d: {  	_ =	shalt  }
0x3e: {  	_ =	shalt  }
0x3f: {  	_ =	shalt  }
0x40: {  	_ =	shalt  }
0x41: {  	_ =	shalt  }
0x42: {  	_ =	shalt  }
0x43: {  	_ =	shalt  }
0x44: {  	_ =	shalt  }
0x45: {  	_ =	shalt  }
0x46: {  	_ =	shalt  }
0x47: {  	_ =	shalt  }
0x48: {  	_ =	shalt  }
0x49: {  	_ =	shalt  }
0x4a: {  	_ =	shalt  }
0x4b: {  	_ =	shalt  }
0x4c: {  	_ =	shalt  }
0x4d: {  	_ =	shalt  }
0x4e: {  	_ =	shalt  }
0x4f: {  	_ =	shalt  }
0x50: {  	_ =	shalt  }
0x51: {  	_ =	shalt  }
0x52: {  	_ =	shalt  }
0x53: {  	_ =	shalt  }
0x54: {  	_ =	shalt  }
0x55: {  	_ =	shalt  }
0x56: {  	_ =	shalt  }
0x57: {  	_ =	shalt  }
0x58: {  	_ =	shalt  }
0x59: {  	_ =	shalt  }
0x5a: {  	_ =	shalt  }
0x5b: {  	_ =	shalt  }
0x5c: {  	_ =	shalt  }
0x5d: {  	_ =	shalt  }
0x5e: {  	_ =	shalt  }
0x5f: {  	_ =	shalt  }
0x60: {  	_ =	shalt  }
0x61: {  	_ =	shalt  }
0x62: {  	_ =	shalt  }
0x63: {  	_ =	shalt  }
0x64: {  	_ =	shalt  }
0x65: {  	_ =	shalt  }
0x66: {  	_ =	shalt  }
0x67: {  	_ =	shalt  }
0x68: {  	_ =	shalt  }
0x69: {  	_ =	shalt  }
0x6a: {  	_ =	shalt  }
0x6b: {  	_ =	shalt  }
0x6c: {  	_ =	shalt  }
0x6d: {  	_ =	shalt  }
0x6e: {  	_ =	shalt  }
0x6f: {  	_ =	shalt  }
0x70: {  	_ =	shalt  }
0x71: {  	_ =	shalt  }
0x72: {  	_ =	shalt  }
0x73: {  	_ =	shalt  }
0x74: {  	_ =	shalt  }
0x75: {  	_ =	shalt  }
0x76: {  	_ =	shalt  }
0x77: {  	_ =	shalt  }
0x78: {  	_ =	shalt  }
0x79: {  	_ =	shalt  }
0x7a: {  	_ =	shalt  }
0x7b: {  	_ =	shalt  }
0x7c: {  	_ =	shalt  }
0x7d: {  	_ =	shalt  }
0x7e: {  	_ =	shalt  }
0x7f: {  	_ =	shalt  }
0x80: {  	_ =	shalt  }
0x81: {  	_ =	shalt  }
0x82: {  	_ =	shalt  }
0x83: {  	_ =	shalt  }
0x84: {  	_ =	shalt  }
0x85: {  	_ =	shalt  }
0x86: {  	_ =	shalt  }
0x87: {  	_ =	shalt  }
.Lfunc_end0:
.L_simem_size_0:
called_computation_lowered:
.L_overlay_start_0:
0x88: {  	s2 =	sld [smem:$0x3FD9]  }
0x89: {  	s3 =	sld [smem:$0x3FFE];
	_ =	sdelay $0x1  }
0x8a: {  	s1 =	srdreg.scid  }
0x8b: {  	s0 =	sand.u32 $0x1, s1  }
0x8c: {  	s18 =	sshll.u32 s0, $0xA;
	s2 =	sadd.s32 s3, s2  }
0x8d: {  	s2 =	sadd.s32 s2, s18  }
0x8e: {  	[smem:$0x3FC1] =	sst s2  }
0x8f: {  	_ = 	snop  }
0x90: {  	s2 =	sld [smem:$0x3FC9]  }
0x91: {  	s19 =	sld [smem:$0x3FC8]  }
0x92: {  	s4 =	sld [smem:$0x3FD0];
	(tm) =	ssettm $0x1  }
0x93: {  	s5 =	sld [smem:$0x3FFB];
	_ =	sdelay $0x3  }
0x94: {  	_ =	strace s5  }
0x95: {  	s5 =	sld [smem:$0x3FFC];
	_ =	sdelay $0x3  }
0x96: {  	_ =	strace s5  }
0x97: {  	s5 =	sld [smem:$0x3FFD];
	_ =	sdelay $0x3  }
0x98: {  	_ =	strace s5  }
0x99: {  	_ =	strace $0x8FFFFFFF  }
0x9a: {  	s20 =	sld [smem:$0x3FDB];
	_ =	sdelay $0x1  }
0x9b: {  	s6 =	simm.s32 $_scs_section_size  }
0x9c: {  	s7 =	simm.s32 $_size__tile_overlayer_lowered;
	s8 =	simm.s32 $_tile_overlayer_lowered  }
0x9d: {  	s23 =	simm.s32 $0x1BFF;
	s22 =	sshll.u32 s8, $0x1;
	s5 =	sadd.s32 s6, s20  }
0x9e: {  	s9 =	simm.s32 $0x0;
	s21 =	sshll.u32 s7, $0x1;
	s7 =	sadd.s32 s22, s5  }
0x9f: {  	[timem:s9], [sflag:s23] =	dma.local [hbm:s7], s21  }
0xa0: {  	_ =	swait.ge [sflag:s23], s21  }
0xa1: {  	s6 =	ssub.s32 $0x0, s21;
	[sflag:s23] =	ssyncset.done $0x0  }
0xa2: {  	[sflag:s23] =	ssyncadd.s32 s6;
	_ =	sdelay $0x1  }
0xa3: {  	s24 =	simm.s32 $0x1B8B  }
0xa4: {  	_ =	swait.ge [sflag:s24], $0x1  }
0xa5: {  	[sflag:s24] =	ssyncset.done $0x0  }
0xa6: {  	s25 =	simm.s32 $0x1B8E;
	[sflag:s24] =	ssyncadd.s32 $0xFFFFFFFF  }
0xa7: {  	s26 =	simm.s32 $execute0_lowered;
	[smem:$0x3FD2] =	sst s25  }
0xa8: {  	s6 =	sshll.u32 s26, $0x1;
	_ =	strace $0x80000046;
	[dreg:$0x1] =	wrdreg $0xFFFFFFFF  }
0xa9: {  	s28 =	simm.s32 $_size_execute0_lowered;
	s5 =	sadd.s32 s5, s6;
	[dreg:$0x0] =	wrdreg $0x0  }
0xaa: {  	s6 =	sshll.u32 s28, $0x1;
	[dreg:$0x2] =	wrdreg s5  }
0xab: {  	[dreg:$0x3] =	wrdreg s6  }
0xac: {  	[dreg:$0x4] =	wrdreg $0xC0  }
0xad: {  	_ =	task [dreg:s9], $0x5FFFF  }
0xae: {  	[dreg:$0x1] =	wrdreg $0xFFFFFFFF  }
0xaf: {  	[dreg:$0x0] =	wrdreg $0x60  }
0xb0: {  	[dreg:$0x2] =	wrdreg s2  }
0xb1: {  	[dreg:$0x3] =	wrdreg s19  }
0xb2: {  	[dreg:$0x4] =	wrdreg s4  }
0xb3: {  	[dreg:$0x5] =	wrdreg $0x9  }
0xb4: {  	_ =	task.clear_ibuf [dreg:s9], $0x6FFFF;
	_ =	strace $0x90000046  }
0xb5: {  	s29 =	simm.s32 $0x9;
	_ =	strace $0x80000048  }
0xb6: {  	_ =	swait.ge [sflag:s29], $0x1  }
0xb7: {  	[sflag:s29] =	ssyncadd.s32 $0xFFFFFFFF  }
0xb8: {  	_ =	strace $0x90000048  }
0xb9: {  	_ =	sfence  }
0xba: {  	s30 =	sld [smem:$0x0];
	_ =	sdelay $0x2  }
0xbb: {  	s31 =	sshll.u32 s1, $0xD;
	s1 =	sshrl.u32 s1, $0x2  }
0xbc: {  	s3 =	sand.u32 $0x4000, s31;
	s1 =	sadd.s32 s1, s30  }
0xbd: {  	s0 =	sor.u32 s3, s0;
	s1 =	sshll.u32 s1, $0x11  }
0xbe: {  	s0 =	sor.u32 s1, s0  }
0xbf: {  	s0 =	sadd.s32 $0x8F2B, s0  }
0xc0: {  	[sflag:s0] =	ssyncadd.remote.s32 $0x1  }
0xc1: {  	_ =	sfence.sel $0xFFFF  }
0xc2: {  	[dreg:$0x0] =	wrdreg $0xFFFFFFFF;
	(pc) =	sbr.abs _section_cstart, $3  }
0xc3: {  	[dreg:$0x1] =	wrdreg $0xFFFFFFFF  }
0xc4: {  	_ =	task.clear_ibuf [dreg:s9], $0x2FFFF;
	_ =	strace $0x9FFFFFFF  }
0xc5: {  	(tm) =	ssettm $0x7FFFFFFF  }
tec
execute0_lowered:
.L_overlay_start_1:
0x0: {  	(tag) =	ssettag $0x1  }
0x1: {  	s1 =	rddreg [dreg:$0x0]  }
0x2: {  	s0 =	srdreg.scid;
	s2 =	rddreg [dreg:$0x1]  }
0x3: {  	s3 =	stileid.u32;
	s4 =	rddreg [dreg:$0x2]  }
0x4: {  	s29 =	simm.s32 $0x8200;
	s14 =	simm.s32 $0x1;
	s16 =	simm.s32 $0x2  }
0x5: {  	s17 =	simm.s32 $0x4;
	s30 =	simm.s32 $0x3A00;
	s31 =	simm.s32 $0x4200  }
0x6: {  	s8 =	simm.s32 $0x10200;
	s12 =	simm.s32 $0x10A00;
	s13 =	simm.s32 $0x11200  }
0x7: {  	s15 =	simm.s32 $0x11A00;
	s7 =	simm.s32 $0x13A00;
	s0 =	sand.u32 $0x1, s0  }
0x8: {  	s9 =	simm.s32 $0x14200;
	s5 =	sshll.u32 s3, $0xA;
	s6 =	sshll.u32 s0, $0x9  }
0x9: {  	s10 =	simm.s32 $0x14A00;
	s11 =	simm.s32 $0x15200;
	s5 =	sor.u32 s6, s5  }
0xa: {  	s28 =	simm.s32 $0x17A00;
	s3 =	simm.s32 $0x0;
	s6 =	sshrl.u32 s5, $0x3  }
0xb: {  	[smem:$0x7FF] =	sst s3;
	s5 =	sshll.u32 s5, $0x6;
	s2 =	sadd.s32 s2, s6  }
0xc: {  	_ =	strace $0x80000047;
	s18 =	sadd.s32 s4, s5;
	[dreg:$0x4] =	wrdreg s2  }
0xd: {  	s0 =	ssub.s32 $0x2, s0;
	s19 =	sadd.s32 $0x1000, s18;
	[dreg:$0xc] =	wrdreg s18  }
0xe: {  	s23 =	sshrl.u32 s0, $0x1;
	s20 =	sadd.s32 $0x2000, s18;
	[dreg:$0x5] =	wrdreg s19  }
0xf: {  	s0 =	ssub.s32 s0, s23;
	s21 =	sadd.s32 $0x3000, s18;
	[dreg:$0x6] =	wrdreg s20  }
0x10: {  	s23 =	simm.s32 $0x16200;
	s22 =	sadd.s32 $0x4000, s18;
	[dreg:$0x7] =	wrdreg s21  }
0x11: {  	s5 =	sadd.s32 $0x100, s1;
	s24 =	sadd.s32 $0x5000, s18;
	[dreg:$0x8] =	wrdreg s22  }
0x12: {  	s6 =	smax.u32 s0, $0x1;
	s25 =	sadd.s32 $0x6000, s18;
	[dreg:$0x9] =	wrdreg s24  }
0x13: {  	s0 =	simm.s32 $0x200;
	s26 =	sadd.s32 $0x7000, s18;
	[dreg:$0xa] =	wrdreg s25  }
0x14: {  	v2 =	vlaneseq.u32;
	s4 =	simm.s32 $0x13200;
	s18 =	simm.s32 $0x3;
	[dreg:$0xb] =	wrdreg s26  }
0x15: {  	vm0 =	vmmov $0xffff;
	v1 =	vshrl.u32 v2, $0x3;
	s19 =	simm.s32 $0x5;
	s20 =	simm.s32 $0x6;
	s24 =	simm.s32 $0x12200  }
0x16: {  	v0 =	vand.u32 $0x7, v2;
	v2 =	vor.u32 $0x8, v2;
	v1 =	vmul.u32 $0x8, v1;
	s22 =	simm.s32 $0x15A00;
	s25 =	simm.s32 $0x16A00;
	s26 =	simm.s32 $0x17200  }
.LBB2_1:
0x17: {  	s21 =	rddreg [dreg:$0x4];
	s2 =	simm.s32 $0x7  }
0x18: {  	[tilespmem:s3], [sflag:$0x7] =	stream.linear.gather [hbm4b:s21+s3], $0x200, $0x38;
	[tilespmem:$0x18200] =	vst v63  }
0x19: {  	_ =	swait.ge [sflag:s2], $0x200  }
0x1a: {  	[sflag:s2] =	ssyncset.done $0x0  }
0x1b: {  	[sflag:s2] =	ssyncadd.s32 $0xFFFFFE00  }
0x1c: {  	v3 =	vld [tilespmem:$0x0];
	_ =	sdelay $0x4  }
0x1d: {  	v4 =	vshll.u32 v3, $0x2  }
0x1e: {  	v3 =	vand.u32 $0x7, v3;
	v4 =	vand.u32 $0xFFFFFFE0, v4  }
0x1f: {  	v3 =	vor.u32 v3, v4  }
0x20: {  	v4 =	vperm.xlane v3, v0;
	_ =	sdelay $0x1  }
0x21: {  	v4 =	vadd.s32 v1, v4;
	_ =	sdelay $0x1  }
0x22: {  	v3 =	vperm.xlane v3, v2;
	_ =	sdelay $0x1  }
0x23: {  	v3 =	vadd.s32 v1, v3  }
0x24: {  	[tilespmem:s0], [sflag:$0x1] =	stream.indirect_vreg.gather [hbm4b:s1+s3], $0x80, v4, vm0, $0xb8;
	[tilespmem:$0x18200] =	vst v63  }
0x25: {  	s2 =	simm.s32 $0xA00  }
0x26: {  	[tilespmem:s2], [sflag:$0x1] =	stream.indirect_vreg.gather [hbm4b:s5+s3], $0x80, v4, vm0, $0xb8;
	[tilespmem:$0x18200] =	vst v63  }
0x27: {  	s21 =	simm.s32 $0x1200  }
0x28: {  	[tilespmem:s21], [sflag:$0x1] =	stream.indirect_vreg.gather [hbm4b:s1+s3], $0x80, v3, vm0, $0xb8;
	[tilespmem:$0x18200] =	vst v63  }
0x29: {  	s21 =	simm.s32 $0x1A00  }
0x2a: {  	[tilespmem:s21], [sflag:$0x1] =	stream.indirect_vreg.gather [hbm4b:s5+s3], $0x80, v3, vm0, $0xb8;
	[tilespmem:$0x18200] =	vst v63  }
0x2b: {  	v3 =	vld [tilespmem:$0x10];
	_ =	sdelay $0x4  }
0x2c: {  	v33 =	vshll.u32 v3, $0x2  }
0x2d: {  	v3 =	vand.u32 $0x7, v3;
	v4 =	vand.u32 $0xFFFFFFE0, v33  }
0x2e: {  	v3 =	vor.u32 v3, v4  }
0x2f: {  	v4 =	vperm.xlane v3, v0;
	_ =	sdelay $0x1  }
0x30: {  	v4 =	vadd.s32 v1, v4;
	_ =	sdelay $0x1  }
0x31: {  	v3 =	vperm.xlane v3, v2;
	_ =	sdelay $0x1  }
0x32: {  	s21 =	simm.s32 $0x2200;
	v3 =	vadd.s32 v1, v3  }
0x33: {  	[tilespmem:s21], [sflag:$0x1] =	stream.indirect_vreg.gather [hbm4b:s1+s3], $0x80, v4, vm0, $0xb8;
	[tilespmem:$0x18200] =	vst v63  }
0x34: {  	s21 =	simm.s32 $0x2A00  }
0x35: {  	[tilespmem:s21], [sflag:$0x1] =	stream.indirect_vreg.gather [hbm4b:s5+s3], $0x80, v4, vm0, $0xb8;
	[tilespmem:$0x18200] =	vst v63  }
0x36: {  	s21 =	simm.s32 $0x3200  }
0x37: {  	[tilespmem:s21], [sflag:$0x1] =	stream.indirect_vreg.gather [hbm4b:s1+s3], $0x80, v3, vm0, $0xb8;
	[tilespmem:$0x18200] =	vst v63  }
0x38: {  	_ = 	snop  }
0x39: {  	[tilespmem:s30], [sflag:$0x1] =	stream.indirect_vreg.gather [hbm4b:s5+s3], $0x80, v3, vm0, $0xb8;
	[tilespmem:$0x18200] =	vst v63  }
0x3a: {  	v3 =	vld [tilespmem:$0x20];
	_ =	sdelay $0x4  }
0x3b: {  	v34 =	vshll.u32 v3, $0x2  }
0x3c: {  	v3 =	vand.u32 $0x7, v3;
	v4 =	vand.u32 $0xFFFFFFE0, v34  }
0x3d: {  	v3 =	vor.u32 v3, v4  }
0x3e: {  	v4 =	vperm.xlane v3, v0;
	_ =	sdelay $0x1  }
0x3f: {  	v4 =	vadd.s32 v1, v4;
	_ =	sdelay $0x1  }
0x40: {  	v3 =	vperm.xlane v3, v2;
	_ =	sdelay $0x1  }
0x41: {  	v3 =	vadd.s32 v1, v3  }
0x42: {  	[tilespmem:s31], [sflag:$0x1] =	stream.indirect_vreg.gather [hbm4b:s1+s3], $0x80, v4, vm0, $0xb8;
	[tilespmem:$0x18200] =	vst v63  }
0x43: {  	s21 =	simm.s32 $0x4A00  }
0x44: {  	[tilespmem:s21], [sflag:$0x1] =	stream.indirect_vreg.gather [hbm4b:s5+s3], $0x80, v4, vm0, $0xb8;
	[tilespmem:$0x18200] =	vst v63  }
0x45: {  	s21 =	simm.s32 $0x5200  }
0x46: {  	[tilespmem:s21], [sflag:$0x1] =	stream.indirect_vreg.gather [hbm4b:s1+s3], $0x80, v3, vm0, $0xb8;
	[tilespmem:$0x18200] =	vst v63  }
0x47: {  	s21 =	simm.s32 $0x5A00  }
0x48: {  	[tilespmem:s21], [sflag:$0x1] =	stream.indirect_vreg.gather [hbm4b:s5+s3], $0x80, v3, vm0, $0xb8;
	[tilespmem:$0x18200] =	vst v63  }
0x49: {  	v3 =	vld [tilespmem:$0x30];
	_ =	sdelay $0x4  }
0x4a: {  	v35 =	vshll.u32 v3, $0x2  }
0x4b: {  	v3 =	vand.u32 $0x7, v3;
	v4 =	vand.u32 $0xFFFFFFE0, v35  }
0x4c: {  	v3 =	vor.u32 v3, v4  }
0x4d: {  	v4 =	vperm.xlane v3, v0;
	_ =	sdelay $0x1  }
0x4e: {  	v4 =	vadd.s32 v1, v4;
	_ =	sdelay $0x1  }
0x4f: {  	v3 =	vperm.xlane v3, v2;
	_ =	sdelay $0x1  }
0x50: {  	s21 =	simm.s32 $0x6200;
	v3 =	vadd.s32 v1, v3  }
0x51: {  	[tilespmem:s21], [sflag:$0x1] =	stream.indirect_vreg.gather [hbm4b:s1+s3], $0x80, v4, vm0, $0xb8;
	[tilespmem:$0x18200] =	vst v63  }
0x52: {  	s21 =	simm.s32 $0x6A00  }
0x53: {  	[tilespmem:s21], [sflag:$0x1] =	stream.indirect_vreg.gather [hbm4b:s5+s3], $0x80, v4, vm0, $0xb8;
	[tilespmem:$0x18200] =	vst v63  }
0x54: {  	s21 =	simm.s32 $0x7200  }
0x55: {  	[tilespmem:s21], [sflag:$0x1] =	stream.indirect_vreg.gather [hbm4b:s1+s3], $0x80, v3, vm0, $0xb8;
	[tilespmem:$0x18200] =	vst v63  }
0x56: {  	s21 =	simm.s32 $0x7A00  }
0x57: {  	[tilespmem:s21], [sflag:$0x1] =	stream.indirect_vreg.gather [hbm4b:s5+s3], $0x80, v3, vm0, $0xb8;
	[tilespmem:$0x18200] =	vst v63  }
0x58: {  	v3 =	vld [tilespmem:$0x40];
	_ =	sdelay $0x4  }
0x59: {  	v36 =	vshll.u32 v3, $0x2  }
0x5a: {  	v3 =	vand.u32 $0x7, v3;
	v4 =	vand.u32 $0xFFFFFFE0, v36  }
0x5b: {  	v3 =	vor.u32 v3, v4  }
0x5c: {  	v4 =	vperm.xlane v3, v0;
	_ =	sdelay $0x1  }
0x5d: {  	v4 =	vadd.s32 v1, v4;
	_ =	sdelay $0x1  }
0x5e: {  	v3 =	vperm.xlane v3, v2;
	_ =	sdelay $0x1  }
0x5f: {  	v3 =	vadd.s32 v1, v3  }
0x60: {  	[tilespmem:s29], [sflag:$0x2] =	stream.indirect_vreg.gather [hbm4b:s1+s3], $0x80, v4, vm0, $0xb8;
	[tilespmem:$0x18200] =	vst v63  }
0x61: {  	s21 =	simm.s32 $0x8A00  }
0x62: {  	[tilespmem:s21], [sflag:$0x2] =	stream.indirect_vreg.gather [hbm4b:s5+s3], $0x80, v4, vm0, $0xb8;
	[tilespmem:$0x18200] =	vst v63  }
0x63: {  	s21 =	simm.s32 $0x9200  }
0x64: {  	[tilespmem:s21], [sflag:$0x2] =	stream.indirect_vreg.gather [hbm4b:s1+s3], $0x80, v3, vm0, $0xb8;
	[tilespmem:$0x18200] =	vst v63  }
0x65: {  	s21 =	simm.s32 $0x9A00  }
0x66: {  	[tilespmem:s21], [sflag:$0x2] =	stream.indirect_vreg.gather [hbm4b:s5+s3], $0x80, v3, vm0, $0xb8;
	[tilespmem:$0x18200] =	vst v63  }
0x67: {  	v3 =	vld [tilespmem:$0x50];
	_ =	sdelay $0x4  }
0x68: {  	v37 =	vshll.u32 v3, $0x2  }
0x69: {  	v3 =	vand.u32 $0x7, v3;
	v4 =	vand.u32 $0xFFFFFFE0, v37  }
0x6a: {  	v3 =	vor.u32 v3, v4  }
0x6b: {  	v4 =	vperm.xlane v3, v0;
	_ =	sdelay $0x1  }
0x6c: {  	v4 =	vadd.s32 v1, v4;
	_ =	sdelay $0x1  }
0x6d: {  	v3 =	vperm.xlane v3, v2;
	_ =	sdelay $0x1  }
0x6e: {  	s21 =	simm.s32 $0xA200;
	v3 =	vadd.s32 v1, v3  }
0x6f: {  	[tilespmem:s21], [sflag:$0x2] =	stream.indirect_vreg.gather [hbm4b:s1+s3], $0x80, v4, vm0, $0xb8;
	[tilespmem:$0x18200] =	vst v63  }
0x70: {  	s21 =	simm.s32 $0xAA00  }
0x71: {  	[tilespmem:s21], [sflag:$0x2] =	stream.indirect_vreg.gather [hbm4b:s5+s3], $0x80, v4, vm0, $0xb8;
	[tilespmem:$0x18200] =	vst v63  }
0x72: {  	s21 =	simm.s32 $0xB200  }
0x73: {  	[tilespmem:s21], [sflag:$0x2] =	stream.indirect_vreg.gather [hbm4b:s1+s3], $0x80, v3, vm0, $0xb8;
	[tilespmem:$0x18200] =	vst v63  }
0x74: {  	s21 =	simm.s32 $0xBA00  }
0x75: {  	[tilespmem:s21], [sflag:$0x2] =	stream.indirect_vreg.gather [hbm4b:s5+s3], $0x80, v3, vm0, $0xb8;
	[tilespmem:$0x18200] =	vst v63  }
0x76: {  	v3 =	vld [tilespmem:$0x60];
	_ =	sdelay $0x4  }
0x77: {  	v38 =	vshll.u32 v3, $0x2  }
0x78: {  	v3 =	vand.u32 $0x7, v3;
	v4 =	vand.u32 $0xFFFFFFE0, v38  }
0x79: {  	v3 =	vor.u32 v3, v4  }
0x7a: {  	v4 =	vperm.xlane v3, v0;
	_ =	sdelay $0x1  }
0x7b: {  	v4 =	vadd.s32 v1, v4;
	_ =	sdelay $0x1  }
0x7c: {  	v3 =	vperm.xlane v3, v2;
	_ =	sdelay $0x1  }
0x7d: {  	s21 =	simm.s32 $0xC200;
	v3 =	vadd.s32 v1, v3  }
0x7e: {  	[tilespmem:s21], [sflag:$0x2] =	stream.indirect_vreg.gather [hbm4b:s1+s3], $0x80, v4, vm0, $0xb8;
	[tilespmem:$0x18200] =	vst v63  }
0x7f: {  	s21 =	simm.s32 $0xCA00  }
0x80: {  	[tilespmem:s21], [sflag:$0x2] =	stream.indirect_vreg.gather [hbm4b:s5+s3], $0x80, v4, vm0, $0xb8;
	[tilespmem:$0x18200] =	vst v63  }
0x81: {  	s21 =	simm.s32 $0xD200  }
0x82: {  	[tilespmem:s21], [sflag:$0x2] =	stream.indirect_vreg.gather [hbm4b:s1+s3], $0x80, v3, vm0, $0xb8;
	[tilespmem:$0x18200] =	vst v63  }
0x83: {  	s21 =	simm.s32 $0xDA00  }
0x84: {  	[tilespmem:s21], [sflag:$0x2] =	stream.indirect_vreg.gather [hbm4b:s5+s3], $0x80, v3, vm0, $0xb8;
	[tilespmem:$0x18200] =	vst v63  }
0x85: {  	v3 =	vld [tilespmem:$0x70];
	_ =	sdelay $0x4  }
0x86: {  	v39 =	vshll.u32 v3, $0x2  }
0x87: {  	v3 =	vand.u32 $0x7, v3;
	v4 =	vand.u32 $0xFFFFFFE0, v39  }
0x88: {  	v3 =	vor.u32 v3, v4  }
0x89: {  	v4 =	vperm.xlane v3, v0;
	_ =	sdelay $0x1  }
0x8a: {  	v4 =	vadd.s32 v1, v4;
	_ =	sdelay $0x1  }
0x8b: {  	v3 =	vperm.xlane v3, v2;
	_ =	sdelay $0x1  }
0x8c: {  	s21 =	simm.s32 $0xE200;
	v3 =	vadd.s32 v1, v3  }
0x8d: {  	[tilespmem:s21], [sflag:$0x2] =	stream.indirect_vreg.gather [hbm4b:s1+s3], $0x80, v4, vm0, $0xb8;
	[tilespmem:$0x18200] =	vst v63  }
0x8e: {  	s21 =	simm.s32 $0xEA00  }
0x8f: {  	[tilespmem:s21], [sflag:$0x2] =	stream.indirect_vreg.gather [hbm4b:s5+s3], $0x80, v4, vm0, $0xb8;
	[tilespmem:$0x18200] =	vst v63  }
0x90: {  	s21 =	simm.s32 $0xF200  }
0x91: {  	[tilespmem:s21], [sflag:$0x2] =	stream.indirect_vreg.gather [hbm4b:s1+s3], $0x80, v3, vm0, $0xb8;
	[tilespmem:$0x18200] =	vst v63  }
0x92: {  	s21 =	simm.s32 $0xFA00  }
0x93: {  	[tilespmem:s21], [sflag:$0x2] =	stream.indirect_vreg.gather [hbm4b:s5+s3], $0x80, v3, vm0, $0xb8;
	[tilespmem:$0x18200] =	vst v63  }
0x94: {  	_ =	swait.ge [sflag:s14], $0x8000  }
0x95: {  	[sflag:s14] =	ssyncset.done $0x0  }
0x96: {  	s2 =	rddreg [dreg:$0xc];
	[sflag:s14] =	ssyncadd.s32 $0xFFFF8000  }
0x97: {  	[hbm4b:s2+s3] =	stream.linear.scatter [tilespmem:s0], [sflag:$0x4], $0x8000, $0x38;
	[tilespmem:$0x18200] =	vst v63  }
0x98: {  	v3 =	vld [tilespmem:$0x80];
	_ =	sdelay $0x4  }
0x99: {  	v40 =	vshll.u32 v3, $0x2  }
0x9a: {  	v3 =	vand.u32 $0x7, v3;
	v4 =	vand.u32 $0xFFFFFFE0, v40  }
0x9b: {  	v3 =	vor.u32 v3, v4  }
0x9c: {  	v4 =	vperm.xlane v3, v0;
	_ =	sdelay $0x1  }
0x9d: {  	v4 =	vadd.s32 v1, v4;
	_ =	sdelay $0x1  }
0x9e: {  	v3 =	vperm.xlane v3, v2;
	_ =	sdelay $0x1  }
0x9f: {  	v3 =	vadd.s32 v1, v3  }
0xa0: {  	[tilespmem:s8], [sflag:$0x3] =	stream.indirect_vreg.gather [hbm4b:s1+s3], $0x80, v4, vm0, $0xb8;
	[tilespmem:$0x18200] =	vst v63  }
0xa1: {  	_ = 	snop  }
0xa2: {  	[tilespmem:s12], [sflag:$0x3] =	stream.indirect_vreg.gather [hbm4b:s5+s3], $0x80, v4, vm0, $0xb8;
	[tilespmem:$0x18200] =	vst v63  }
0xa3: {  	_ = 	snop  }
0xa4: {  	[tilespmem:s13], [sflag:$0x3] =	stream.indirect_vreg.gather [hbm4b:s1+s3], $0x80, v3, vm0, $0xb8;
	[tilespmem:$0x18200] =	vst v63  }
0xa5: {  	_ = 	snop  }
0xa6: {  	[tilespmem:s15], [sflag:$0x3] =	stream.indirect_vreg.gather [hbm4b:s5+s3], $0x80, v3, vm0, $0xb8;
	[tilespmem:$0x18200] =	vst v63  }
0xa7: {  	v3 =	vld [tilespmem:$0x90];
	_ =	sdelay $0x4  }
0xa8: {  	v41 =	vshll.u32 v3, $0x2  }
0xa9: {  	v3 =	vand.u32 $0x7, v3;
	v4 =	vand.u32 $0xFFFFFFE0, v41  }
0xaa: {  	v3 =	vor.u32 v3, v4  }
0xab: {  	v4 =	vperm.xlane v3, v0;
	_ =	sdelay $0x1  }
0xac: {  	v4 =	vadd.s32 v1, v4;
	_ =	sdelay $0x1  }
0xad: {  	v3 =	vperm.xlane v3, v2;
	_ =	sdelay $0x1  }
0xae: {  	v3 =	vadd.s32 v1, v3  }
0xaf: {  	[tilespmem:s24], [sflag:$0x3] =	stream.indirect_vreg.gather [hbm4b:s1+s3], $0x80, v4, vm0, $0xb8;
	[tilespmem:$0x18200] =	vst v63  }
0xb0: {  	s2 =	simm.s32 $0x12A00  }
0xb1: {  	[tilespmem:s2], [sflag:$0x3] =	stream.indirect_vreg.gather [hbm4b:s5+s3], $0x80, v4, vm0, $0xb8;
	[tilespmem:$0x18200] =	vst v63  }
0xb2: {  	_ = 	snop  }
0xb3: {  	[tilespmem:s4], [sflag:$0x3] =	stream.indirect_vreg.gather [hbm4b:s1+s3], $0x80, v3, vm0, $0xb8;
	[tilespmem:$0x18200] =	vst v63  }
0xb4: {  	_ = 	snop  }
0xb5: {  	[tilespmem:s7], [sflag:$0x3] =	stream.indirect_vreg.gather [hbm4b:s5+s3], $0x80, v3, vm0, $0xb8;
	[tilespmem:$0x18200] =	vst v63  }
0xb6: {  	v3 =	vld [tilespmem:$0xA0];
	_ =	sdelay $0x4  }
0xb7: {  	v42 =	vshll.u32 v3, $0x2  }
0xb8: {  	v3 =	vand.u32 $0x7, v3;
	v4 =	vand.u32 $0xFFFFFFE0, v42  }
0xb9: {  	v3 =	vor.u32 v3, v4  }
0xba: {  	v4 =	vperm.xlane v3, v0;
	_ =	sdelay $0x1  }
0xbb: {  	v4 =	vadd.s32 v1, v4;
	_ =	sdelay $0x1  }
0xbc: {  	v3 =	vperm.xlane v3, v2;
	_ =	sdelay $0x1  }
0xbd: {  	v3 =	vadd.s32 v1, v3  }
0xbe: {  	[tilespmem:s9], [sflag:$0x3] =	stream.indirect_vreg.gather [hbm4b:s1+s3], $0x80, v4, vm0, $0xb8;
	[tilespmem:$0x18200] =	vst v63  }
0xbf: {  	_ = 	snop  }
0xc0: {  	[tilespmem:s10], [sflag:$0x3] =	stream.indirect_vreg.gather [hbm4b:s5+s3], $0x80, v4, vm0, $0xb8;
	[tilespmem:$0x18200] =	vst v63  }
0xc1: {  	_ = 	snop  }
0xc2: {  	[tilespmem:s11], [sflag:$0x3] =	stream.indirect_vreg.gather [hbm4b:s1+s3], $0x80, v3, vm0, $0xb8;
	[tilespmem:$0x18200] =	vst v63  }
0xc3: {  	_ = 	snop  }
0xc4: {  	[tilespmem:s22], [sflag:$0x3] =	stream.indirect_vreg.gather [hbm4b:s5+s3], $0x80, v3, vm0, $0xb8;
	[tilespmem:$0x18200] =	vst v63  }
0xc5: {  	v3 =	vld [tilespmem:$0xB0];
	_ =	sdelay $0x4  }
0xc6: {  	v43 =	vshll.u32 v3, $0x2  }
0xc7: {  	v3 =	vand.u32 $0x7, v3;
	v4 =	vand.u32 $0xFFFFFFE0, v43  }
0xc8: {  	v3 =	vor.u32 v3, v4  }
0xc9: {  	v4 =	vperm.xlane v3, v0;
	_ =	sdelay $0x1  }
0xca: {  	v4 =	vadd.s32 v1, v4;
	_ =	sdelay $0x1  }
0xcb: {  	v3 =	vperm.xlane v3, v2;
	_ =	sdelay $0x1  }
0xcc: {  	v3 =	vadd.s32 v1, v3  }
0xcd: {  	[tilespmem:s23], [sflag:$0x3] =	stream.indirect_vreg.gather [hbm4b:s1+s3], $0x80, v4, vm0, $0xb8;
	[tilespmem:$0x18200] =	vst v63  }
0xce: {  	_ = 	snop  }
0xcf: {  	[tilespmem:s25], [sflag:$0x3] =	stream.indirect_vreg.gather [hbm4b:s5+s3], $0x80, v4, vm0, $0xb8;
	[tilespmem:$0x18200] =	vst v63  }
0xd0: {  	_ = 	snop  }
0xd1: {  	[tilespmem:s26], [sflag:$0x3] =	stream.indirect_vreg.gather [hbm4b:s1+s3], $0x80, v3, vm0, $0xb8;
	[tilespmem:$0x18200] =	vst v63  }
0xd2: {  	_ = 	snop  }
0xd3: {  	[tilespmem:s28], [sflag:$0x3] =	stream.indirect_vreg.gather [hbm4b:s5+s3], $0x80, v3, vm0, $0xb8;
	[tilespmem:$0x18200] =	vst v63  }
0xd4: {  	_ =	swait.ge [sflag:s16], $0x8000  }
0xd5: {  	[sflag:s16] =	ssyncset.done $0x0  }
0xd6: {  	s21 =	rddreg [dreg:$0x5];
	[sflag:s16] =	ssyncadd.s32 $0xFFFF8000  }
0xd7: {  	[hbm4b:s21+s3] =	stream.linear.scatter [tilespmem:s29], [sflag:$0x5], $0x8000, $0x38;
	[tilespmem:$0x18200] =	vst v63  }
0xd8: {  	_ =	swait.ge [sflag:s17], $0x8000  }
0xd9: {  	[sflag:s17] =	ssyncset.done $0x0  }
0xda: {  	[sflag:s17] =	ssyncadd.s32 $0xFFFF8000  }
0xdb: {  	v3 =	vld [tilespmem:$0xC0];
	_ =	sdelay $0x4  }
0xdc: {  	v44 =	vshll.u32 v3, $0x2  }
0xdd: {  	v3 =	vand.u32 $0x7, v3;
	v4 =	vand.u32 $0xFFFFFFE0, v44  }
0xde: {  	v3 =	vor.u32 v3, v4  }
0xdf: {  	v4 =	vperm.xlane v3, v0;
	_ =	sdelay $0x1  }
0xe0: {  	v4 =	vadd.s32 v1, v4;
	_ =	sdelay $0x1  }
0xe1: {  	v3 =	vperm.xlane v3, v2;
	_ =	sdelay $0x1  }
0xe2: {  	v3 =	vadd.s32 v1, v3  }
0xe3: {  	[tilespmem:s0], [sflag:$0x1] =	stream.indirect_vreg.gather [hbm4b:s1+s3], $0x80, v4, vm0, $0xb8;
	[tilespmem:$0x18200] =	vst v63  }
0xe4: {  	s21 =	simm.s32 $0xA00  }
0xe5: {  	[tilespmem:s21], [sflag:$0x1] =	stream.indirect_vreg.gather [hbm4b:s5+s3], $0x80, v4, vm0, $0xb8;
	[tilespmem:$0x18200] =	vst v63  }
0xe6: {  	s21 =	simm.s32 $0x1200  }
0xe7: {  	[tilespmem:s21], [sflag:$0x1] =	stream.indirect_vreg.gather [hbm4b:s1+s3], $0x80, v3, vm0, $0xb8;
	[tilespmem:$0x18200] =	vst v63  }
0xe8: {  	s21 =	simm.s32 $0x1A00  }
0xe9: {  	[tilespmem:s21], [sflag:$0x1] =	stream.indirect_vreg.gather [hbm4b:s5+s3], $0x80, v3, vm0, $0xb8;
	[tilespmem:$0x18200] =	vst v63  }
0xea: {  	v3 =	vld [tilespmem:$0xD0];
	_ =	sdelay $0x4  }
0xeb: {  	v45 =	vshll.u32 v3, $0x2  }
0xec: {  	v3 =	vand.u32 $0x7, v3;
	v4 =	vand.u32 $0xFFFFFFE0, v45  }
0xed: {  	v3 =	vor.u32 v3, v4  }
0xee: {  	v4 =	vperm.xlane v3, v0;
	_ =	sdelay $0x1  }
0xef: {  	v4 =	vadd.s32 v1, v4;
	_ =	sdelay $0x1  }
0xf0: {  	v3 =	vperm.xlane v3, v2;
	_ =	sdelay $0x1  }
0xf1: {  	s21 =	simm.s32 $0x2200;
	v3 =	vadd.s32 v1, v3  }
0xf2: {  	[tilespmem:s21], [sflag:$0x1] =	stream.indirect_vreg.gather [hbm4b:s1+s3], $0x80, v4, vm0, $0xb8;
	[tilespmem:$0x18200] =	vst v63  }
0xf3: {  	s21 =	simm.s32 $0x2A00  }
0xf4: {  	[tilespmem:s21], [sflag:$0x1] =	stream.indirect_vreg.gather [hbm4b:s5+s3], $0x80, v4, vm0, $0xb8;
	[tilespmem:$0x18200] =	vst v63  }
0xf5: {  	s21 =	simm.s32 $0x3200  }
0xf6: {  	[tilespmem:s21], [sflag:$0x1] =	stream.indirect_vreg.gather [hbm4b:s1+s3], $0x80, v3, vm0, $0xb8;
	[tilespmem:$0x18200] =	vst v63  }
0xf7: {  	_ = 	snop  }
0xf8: {  	[tilespmem:s30], [sflag:$0x1] =	stream.indirect_vreg.gather [hbm4b:s5+s3], $0x80, v3, vm0, $0xb8;
	[tilespmem:$0x18200] =	vst v63  }
0xf9: {  	v3 =	vld [tilespmem:$0xE0];
	_ =	sdelay $0x4  }
0xfa: {  	v46 =	vshll.u32 v3, $0x2  }
0xfb: {  	v3 =	vand.u32 $0x7, v3;
	v4 =	vand.u32 $0xFFFFFFE0, v46  }
0xfc: {  	v3 =	vor.u32 v3, v4  }
0xfd: {  	v4 =	vperm.xlane v3, v0;
	_ =	sdelay $0x1  }
0xfe: {  	v4 =	vadd.s32 v1, v4;
	_ =	sdelay $0x1  }
0xff: {  	v3 =	vperm.xlane v3, v2;
	_ =	sdelay $0x1  }
0x100: {  	v3 =	vadd.s32 v1, v3  }
0x101: {  	[tilespmem:s31], [sflag:$0x1] =	stream.indirect_vreg.gather [hbm4b:s1+s3], $0x80, v4, vm0, $0xb8;
	[tilespmem:$0x18200] =	vst v63  }
0x102: {  	s21 =	simm.s32 $0x4A00  }
0x103: {  	[tilespmem:s21], [sflag:$0x1] =	stream.indirect_vreg.gather [hbm4b:s5+s3], $0x80, v4, vm0, $0xb8;
	[tilespmem:$0x18200] =	vst v63  }
0x104: {  	s21 =	simm.s32 $0x5200  }
0x105: {  	[tilespmem:s21], [sflag:$0x1] =	stream.indirect_vreg.gather [hbm4b:s1+s3], $0x80, v3, vm0, $0xb8;
	[tilespmem:$0x18200] =	vst v63  }
0x106: {  	s21 =	simm.s32 $0x5A00  }
0x107: {  	[tilespmem:s21], [sflag:$0x1] =	stream.indirect_vreg.gather [hbm4b:s5+s3], $0x80, v3, vm0, $0xb8;
	[tilespmem:$0x18200] =	vst v63  }
0x108: {  	v3 =	vld [tilespmem:$0xF0];
	_ =	sdelay $0x4  }
0x109: {  	v47 =	vshll.u32 v3, $0x2  }
0x10a: {  	v3 =	vand.u32 $0x7, v3;
	v4 =	vand.u32 $0xFFFFFFE0, v47  }
0x10b: {  	v3 =	vor.u32 v3, v4  }
0x10c: {  	v4 =	vperm.xlane v3, v0;
	_ =	sdelay $0x1  }
0x10d: {  	v4 =	vadd.s32 v1, v4;
	_ =	sdelay $0x1  }
0x10e: {  	v3 =	vperm.xlane v3, v2;
	_ =	sdelay $0x1  }
0x10f: {  	s21 =	simm.s32 $0x6200;
	v3 =	vadd.s32 v1, v3  }
0x110: {  	[tilespmem:s21], [sflag:$0x1] =	stream.indirect_vreg.gather [hbm4b:s1+s3], $0x80, v4, vm0, $0xb8;
	[tilespmem:$0x18200] =	vst v63  }
0x111: {  	s21 =	simm.s32 $0x6A00  }
0x112: {  	[tilespmem:s21], [sflag:$0x1] =	stream.indirect_vreg.gather [hbm4b:s5+s3], $0x80, v4, vm0, $0xb8;
	[tilespmem:$0x18200] =	vst v63  }
0x113: {  	s21 =	simm.s32 $0x7200  }
0x114: {  	[tilespmem:s21], [sflag:$0x1] =	stream.indirect_vreg.gather [hbm4b:s1+s3], $0x80, v3, vm0, $0xb8;
	[tilespmem:$0x18200] =	vst v63  }
0x115: {  	s21 =	simm.s32 $0x7A00  }
0x116: {  	[tilespmem:s21], [sflag:$0x1] =	stream.indirect_vreg.gather [hbm4b:s5+s3], $0x80, v3, vm0, $0xb8;
	[tilespmem:$0x18200] =	vst v63  }
0x117: {  	_ =	swait.ge [sflag:s18], $0x8000  }
0x118: {  	[sflag:s18] =	ssyncset.done $0x0  }
0x119: {  	s21 =	rddreg [dreg:$0x6];
	[sflag:s18] =	ssyncadd.s32 $0xFFFF8000  }
0x11a: {  	[hbm4b:s21+s3] =	stream.linear.scatter [tilespmem:s8], [sflag:$0x6], $0x8000, $0x38;
	[tilespmem:$0x18200] =	vst v63  }
0x11b: {  	_ =	swait.ge [sflag:s19], $0x8000  }
0x11c: {  	[sflag:s19] =	ssyncset.done $0x0  }
0x11d: {  	[sflag:s19] =	ssyncadd.s32 $0xFFFF8000  }
0x11e: {  	v3 =	vld [tilespmem:$0x100];
	_ =	sdelay $0x4  }
0x11f: {  	v48 =	vshll.u32 v3, $0x2  }
0x120: {  	v3 =	vand.u32 $0x7, v3;
	v4 =	vand.u32 $0xFFFFFFE0, v48  }
0x121: {  	v3 =	vor.u32 v3, v4  }
0x122: {  	v4 =	vperm.xlane v3, v0;
	_ =	sdelay $0x1  }
0x123: {  	v4 =	vadd.s32 v1, v4;
	_ =	sdelay $0x1  }
0x124: {  	v3 =	vperm.xlane v3, v2;
	_ =	sdelay $0x1  }
0x125: {  	v3 =	vadd.s32 v1, v3  }
0x126: {  	[tilespmem:s29], [sflag:$0x2] =	stream.indirect_vreg.gather [hbm4b:s1+s3], $0x80, v4, vm0, $0xb8;
	[tilespmem:$0x18200] =	vst v63  }
0x127: {  	s21 =	simm.s32 $0x8A00  }
0x128: {  	[tilespmem:s21], [sflag:$0x2] =	stream.indirect_vreg.gather [hbm4b:s5+s3], $0x80, v4, vm0, $0xb8;
	[tilespmem:$0x18200] =	vst v63  }
0x129: {  	s21 =	simm.s32 $0x9200  }
0x12a: {  	[tilespmem:s21], [sflag:$0x2] =	stream.indirect_vreg.gather [hbm4b:s1+s3], $0x80, v3, vm0, $0xb8;
	[tilespmem:$0x18200] =	vst v63  }
0x12b: {  	s21 =	simm.s32 $0x9A00  }
0x12c: {  	[tilespmem:s21], [sflag:$0x2] =	stream.indirect_vreg.gather [hbm4b:s5+s3], $0x80, v3, vm0, $0xb8;
	[tilespmem:$0x18200] =	vst v63  }
0x12d: {  	v3 =	vld [tilespmem:$0x110];
	_ =	sdelay $0x4  }
0x12e: {  	v49 =	vshll.u32 v3, $0x2  }
0x12f: {  	v3 =	vand.u32 $0x7, v3;
	v4 =	vand.u32 $0xFFFFFFE0, v49  }
0x130: {  	v3 =	vor.u32 v3, v4  }
0x131: {  	v4 =	vperm.xlane v3, v0;
	_ =	sdelay $0x1  }
0x132: {  	v4 =	vadd.s32 v1, v4;
	_ =	sdelay $0x1  }
0x133: {  	v3 =	vperm.xlane v3, v2;
	_ =	sdelay $0x1  }
0x134: {  	s21 =	simm.s32 $0xA200;
	v3 =	vadd.s32 v1, v3  }
0x135: {  	[tilespmem:s21], [sflag:$0x2] =	stream.indirect_vreg.gather [hbm4b:s1+s3], $0x80, v4, vm0, $0xb8;
	[tilespmem:$0x18200] =	vst v63  }
0x136: {  	s21 =	simm.s32 $0xAA00  }
0x137: {  	[tilespmem:s21], [sflag:$0x2] =	stream.indirect_vreg.gather [hbm4b:s5+s3], $0x80, v4, vm0, $0xb8;
	[tilespmem:$0x18200] =	vst v63  }
0x138: {  	s21 =	simm.s32 $0xB200  }
0x139: {  	[tilespmem:s21], [sflag:$0x2] =	stream.indirect_vreg.gather [hbm4b:s1+s3], $0x80, v3, vm0, $0xb8;
	[tilespmem:$0x18200] =	vst v63  }
0x13a: {  	s21 =	simm.s32 $0xBA00  }
0x13b: {  	[tilespmem:s21], [sflag:$0x2] =	stream.indirect_vreg.gather [hbm4b:s5+s3], $0x80, v3, vm0, $0xb8;
	[tilespmem:$0x18200] =	vst v63  }
0x13c: {  	v3 =	vld [tilespmem:$0x120];
	_ =	sdelay $0x4  }
0x13d: {  	v50 =	vshll.u32 v3, $0x2  }
0x13e: {  	v3 =	vand.u32 $0x7, v3;
	v4 =	vand.u32 $0xFFFFFFE0, v50  }
0x13f: {  	v3 =	vor.u32 v3, v4  }
0x140: {  	v4 =	vperm.xlane v3, v0;
	_ =	sdelay $0x1  }
0x141: {  	v4 =	vadd.s32 v1, v4;
	_ =	sdelay $0x1  }
0x142: {  	v3 =	vperm.xlane v3, v2;
	_ =	sdelay $0x1  }
0x143: {  	s21 =	simm.s32 $0xC200;
	v3 =	vadd.s32 v1, v3  }
0x144: {  	[tilespmem:s21], [sflag:$0x2] =	stream.indirect_vreg.gather [hbm4b:s1+s3], $0x80, v4, vm0, $0xb8;
	[tilespmem:$0x18200] =	vst v63  }
0x145: {  	s21 =	simm.s32 $0xCA00  }
0x146: {  	[tilespmem:s21], [sflag:$0x2] =	stream.indirect_vreg.gather [hbm4b:s5+s3], $0x80, v4, vm0, $0xb8;
	[tilespmem:$0x18200] =	vst v63  }
0x147: {  	s21 =	simm.s32 $0xD200  }
0x148: {  	[tilespmem:s21], [sflag:$0x2] =	stream.indirect_vreg.gather [hbm4b:s1+s3], $0x80, v3, vm0, $0xb8;
	[tilespmem:$0x18200] =	vst v63  }
0x149: {  	s21 =	simm.s32 $0xDA00  }
0x14a: {  	[tilespmem:s21], [sflag:$0x2] =	stream.indirect_vreg.gather [hbm4b:s5+s3], $0x80, v3, vm0, $0xb8;
	[tilespmem:$0x18200] =	vst v63  }
0x14b: {  	v3 =	vld [tilespmem:$0x130];
	_ =	sdelay $0x4  }
0x14c: {  	v51 =	vshll.u32 v3, $0x2  }
0x14d: {  	v3 =	vand.u32 $0x7, v3;
	v4 =	vand.u32 $0xFFFFFFE0, v51  }
0x14e: {  	v3 =	vor.u32 v3, v4  }
0x14f: {  	v4 =	vperm.xlane v3, v0;
	_ =	sdelay $0x1  }
0x150: {  	v4 =	vadd.s32 v1, v4;
	_ =	sdelay $0x1  }
0x151: {  	v3 =	vperm.xlane v3, v2;
	_ =	sdelay $0x1  }
0x152: {  	s21 =	simm.s32 $0xE200;
	v3 =	vadd.s32 v1, v3  }
0x153: {  	[tilespmem:s21], [sflag:$0x2] =	stream.indirect_vreg.gather [hbm4b:s1+s3], $0x80, v4, vm0, $0xb8;
	[tilespmem:$0x18200] =	vst v63  }
0x154: {  	s21 =	simm.s32 $0xEA00  }
0x155: {  	[tilespmem:s21], [sflag:$0x2] =	stream.indirect_vreg.gather [hbm4b:s5+s3], $0x80, v4, vm0, $0xb8;
	[tilespmem:$0x18200] =	vst v63  }
0x156: {  	s21 =	simm.s32 $0xF200  }
0x157: {  	[tilespmem:s21], [sflag:$0x2] =	stream.indirect_vreg.gather [hbm4b:s1+s3], $0x80, v3, vm0, $0xb8;
	[tilespmem:$0x18200] =	vst v63  }
0x158: {  	s21 =	simm.s32 $0xFA00  }
0x159: {  	[tilespmem:s21], [sflag:$0x2] =	stream.indirect_vreg.gather [hbm4b:s5+s3], $0x80, v3, vm0, $0xb8;
	[tilespmem:$0x18200] =	vst v63  }
0x15a: {  	_ =	swait.ge [sflag:s14], $0x8000  }
0x15b: {  	[sflag:s14] =	ssyncset.done $0x0  }
0x15c: {  	s21 =	rddreg [dreg:$0x7];
	[sflag:s14] =	ssyncadd.s32 $0xFFFF8000  }
0x15d: {  	[hbm4b:s21+s3] =	stream.linear.scatter [tilespmem:s0], [sflag:$0x4], $0x8000, $0x38;
	[tilespmem:$0x18200] =	vst v63  }
0x15e: {  	_ =	swait.ge [sflag:s20], $0x8000  }
0x15f: {  	[sflag:s20] =	ssyncset.done $0x0  }
0x160: {  	[sflag:s20] =	ssyncadd.s32 $0xFFFF8000  }
0x161: {  	v3 =	vld [tilespmem:$0x140];
	_ =	sdelay $0x4  }
0x162: {  	v52 =	vshll.u32 v3, $0x2  }
0x163: {  	v3 =	vand.u32 $0x7, v3;
	v4 =	vand.u32 $0xFFFFFFE0, v52  }
0x164: {  	v3 =	vor.u32 v3, v4  }
0x165: {  	v4 =	vperm.xlane v3, v0;
	_ =	sdelay $0x1  }
0x166: {  	v4 =	vadd.s32 v1, v4;
	_ =	sdelay $0x1  }
0x167: {  	v3 =	vperm.xlane v3, v2;
	_ =	sdelay $0x1  }
0x168: {  	v3 =	vadd.s32 v1, v3  }
0x169: {  	[tilespmem:s8], [sflag:$0x3] =	stream.indirect_vreg.gather [hbm4b:s1+s3], $0x80, v4, vm0, $0xb8;
	[tilespmem:$0x18200] =	vst v63  }
0x16a: {  	_ = 	snop  }
0x16b: {  	[tilespmem:s12], [sflag:$0x3] =	stream.indirect_vreg.gather [hbm4b:s5+s3], $0x80, v4, vm0, $0xb8;
	[tilespmem:$0x18200] =	vst v63  }
0x16c: {  	_ = 	snop  }
0x16d: {  	[tilespmem:s13], [sflag:$0x3] =	stream.indirect_vreg.gather [hbm4b:s1+s3], $0x80, v3, vm0, $0xb8;
	[tilespmem:$0x18200] =	vst v63  }
0x16e: {  	_ = 	snop  }
0x16f: {  	[tilespmem:s15], [sflag:$0x3] =	stream.indirect_vreg.gather [hbm4b:s5+s3], $0x80, v3, vm0, $0xb8;
	[tilespmem:$0x18200] =	vst v63  }
0x170: {  	v3 =	vld [tilespmem:$0x150];
	_ =	sdelay $0x4  }
0x171: {  	v53 =	vshll.u32 v3, $0x2  }
0x172: {  	v3 =	vand.u32 $0x7, v3;
	v4 =	vand.u32 $0xFFFFFFE0, v53  }
0x173: {  	v3 =	vor.u32 v3, v4  }
0x174: {  	v4 =	vperm.xlane v3, v0;
	_ =	sdelay $0x1  }
0x175: {  	v4 =	vadd.s32 v1, v4;
	_ =	sdelay $0x1  }
0x176: {  	v3 =	vperm.xlane v3, v2;
	_ =	sdelay $0x1  }
0x177: {  	v3 =	vadd.s32 v1, v3  }
0x178: {  	[tilespmem:s24], [sflag:$0x3] =	stream.indirect_vreg.gather [hbm4b:s1+s3], $0x80, v4, vm0, $0xb8;
	[tilespmem:$0x18200] =	vst v63  }
0x179: {  	_ = 	snop  }
0x17a: {  	[tilespmem:s2], [sflag:$0x3] =	stream.indirect_vreg.gather [hbm4b:s5+s3], $0x80, v4, vm0, $0xb8;
	[tilespmem:$0x18200] =	vst v63  }
0x17b: {  	_ = 	snop  }
0x17c: {  	[tilespmem:s4], [sflag:$0x3] =	stream.indirect_vreg.gather [hbm4b:s1+s3], $0x80, v3, vm0, $0xb8;
	[tilespmem:$0x18200] =	vst v63  }
0x17d: {  	_ = 	snop  }
0x17e: {  	[tilespmem:s7], [sflag:$0x3] =	stream.indirect_vreg.gather [hbm4b:s5+s3], $0x80, v3, vm0, $0xb8;
	[tilespmem:$0x18200] =	vst v63  }
0x17f: {  	v3 =	vld [tilespmem:$0x160];
	_ =	sdelay $0x4  }
0x180: {  	v54 =	vshll.u32 v3, $0x2  }
0x181: {  	v3 =	vand.u32 $0x7, v3;
	v4 =	vand.u32 $0xFFFFFFE0, v54  }
0x182: {  	v3 =	vor.u32 v3, v4  }
0x183: {  	v4 =	vperm.xlane v3, v0;
	_ =	sdelay $0x1  }
0x184: {  	v4 =	vadd.s32 v1, v4;
	_ =	sdelay $0x1  }
0x185: {  	v3 =	vperm.xlane v3, v2;
	_ =	sdelay $0x1  }
0x186: {  	v3 =	vadd.s32 v1, v3  }
0x187: {  	[tilespmem:s9], [sflag:$0x3] =	stream.indirect_vreg.gather [hbm4b:s1+s3], $0x80, v4, vm0, $0xb8;
	[tilespmem:$0x18200] =	vst v63  }
0x188: {  	_ = 	snop  }
0x189: {  	[tilespmem:s10], [sflag:$0x3] =	stream.indirect_vreg.gather [hbm4b:s5+s3], $0x80, v4, vm0, $0xb8;
	[tilespmem:$0x18200] =	vst v63  }
0x18a: {  	_ = 	snop  }
0x18b: {  	[tilespmem:s11], [sflag:$0x3] =	stream.indirect_vreg.gather [hbm4b:s1+s3], $0x80, v3, vm0, $0xb8;
	[tilespmem:$0x18200] =	vst v63  }
0x18c: {  	_ = 	snop  }
0x18d: {  	[tilespmem:s22], [sflag:$0x3] =	stream.indirect_vreg.gather [hbm4b:s5+s3], $0x80, v3, vm0, $0xb8;
	[tilespmem:$0x18200] =	vst v63  }
0x18e: {  	v3 =	vld [tilespmem:$0x170];
	_ =	sdelay $0x4  }
0x18f: {  	v55 =	vshll.u32 v3, $0x2  }
0x190: {  	v3 =	vand.u32 $0x7, v3;
	v4 =	vand.u32 $0xFFFFFFE0, v55  }
0x191: {  	v3 =	vor.u32 v3, v4  }
0x192: {  	v4 =	vperm.xlane v3, v0;
	_ =	sdelay $0x1  }
0x193: {  	v4 =	vadd.s32 v1, v4;
	_ =	sdelay $0x1  }
0x194: {  	v3 =	vperm.xlane v3, v2;
	_ =	sdelay $0x1  }
0x195: {  	v3 =	vadd.s32 v1, v3  }
0x196: {  	[tilespmem:s23], [sflag:$0x3] =	stream.indirect_vreg.gather [hbm4b:s1+s3], $0x80, v4, vm0, $0xb8;
	[tilespmem:$0x18200] =	vst v63  }
0x197: {  	_ = 	snop  }
0x198: {  	[tilespmem:s25], [sflag:$0x3] =	stream.indirect_vreg.gather [hbm4b:s5+s3], $0x80, v4, vm0, $0xb8;
	[tilespmem:$0x18200] =	vst v63  }
0x199: {  	_ = 	snop  }
0x19a: {  	[tilespmem:s26], [sflag:$0x3] =	stream.indirect_vreg.gather [hbm4b:s1+s3], $0x80, v3, vm0, $0xb8;
	[tilespmem:$0x18200] =	vst v63  }
0x19b: {  	_ = 	snop  }
0x19c: {  	[tilespmem:s28], [sflag:$0x3] =	stream.indirect_vreg.gather [hbm4b:s5+s3], $0x80, v3, vm0, $0xb8;
	[tilespmem:$0x18200] =	vst v63  }
0x19d: {  	_ =	swait.ge [sflag:s16], $0x8000  }
0x19e: {  	[sflag:s16] =	ssyncset.done $0x0  }
0x19f: {  	s2 =	rddreg [dreg:$0x8];
	[sflag:s16] =	ssyncadd.s32 $0xFFFF8000  }
0x1a0: {  	[hbm4b:s2+s3] =	stream.linear.scatter [tilespmem:s29], [sflag:$0x5], $0x8000, $0x38;
	[tilespmem:$0x18200] =	vst v63  }
0x1a1: {  	_ =	swait.ge [sflag:s17], $0x8000  }
0x1a2: {  	[sflag:s17] =	ssyncset.done $0x0  }
0x1a3: {  	[sflag:s17] =	ssyncadd.s32 $0xFFFF8000  }
0x1a4: {  	v3 =	vld [tilespmem:$0x180];
	_ =	sdelay $0x4  }
0x1a5: {  	v56 =	vshll.u32 v3, $0x2  }
0x1a6: {  	v3 =	vand.u32 $0x7, v3;
	v4 =	vand.u32 $0xFFFFFFE0, v56  }
0x1a7: {  	v3 =	vor.u32 v3, v4  }
0x1a8: {  	v4 =	vperm.xlane v3, v0;
	_ =	sdelay $0x1  }
0x1a9: {  	v4 =	vadd.s32 v1, v4;
	_ =	sdelay $0x1  }
0x1aa: {  	v3 =	vperm.xlane v3, v2;
	_ =	sdelay $0x1  }
0x1ab: {  	v3 =	vadd.s32 v1, v3  }
0x1ac: {  	[tilespmem:s0], [sflag:$0x1] =	stream.indirect_vreg.gather [hbm4b:s1+s3], $0x80, v4, vm0, $0xb8;
	[tilespmem:$0x18200] =	vst v63  }
0x1ad: {  	s21 =	simm.s32 $0xA00  }
0x1ae: {  	[tilespmem:s21], [sflag:$0x1] =	stream.indirect_vreg.gather [hbm4b:s5+s3], $0x80, v4, vm0, $0xb8;
	[tilespmem:$0x18200] =	vst v63  }
0x1af: {  	s21 =	simm.s32 $0x1200  }
0x1b0: {  	[tilespmem:s21], [sflag:$0x1] =	stream.indirect_vreg.gather [hbm4b:s1+s3], $0x80, v3, vm0, $0xb8;
	[tilespmem:$0x18200] =	vst v63  }
0x1b1: {  	s21 =	simm.s32 $0x1A00  }
0x1b2: {  	[tilespmem:s21], [sflag:$0x1] =	stream.indirect_vreg.gather [hbm4b:s5+s3], $0x80, v3, vm0, $0xb8;
	[tilespmem:$0x18200] =	vst v63  }
0x1b3: {  	v3 =	vld [tilespmem:$0x190];
	_ =	sdelay $0x4  }
0x1b4: {  	v57 =	vshll.u32 v3, $0x2  }
0x1b5: {  	v3 =	vand.u32 $0x7, v3;
	v4 =	vand.u32 $0xFFFFFFE0, v57  }
0x1b6: {  	v3 =	vor.u32 v3, v4  }
0x1b7: {  	v4 =	vperm.xlane v3, v0;
	_ =	sdelay $0x1  }
0x1b8: {  	v4 =	vadd.s32 v1, v4;
	_ =	sdelay $0x1  }
0x1b9: {  	v3 =	vperm.xlane v3, v2;
	_ =	sdelay $0x1  }
0x1ba: {  	s21 =	simm.s32 $0x2200;
	v3 =	vadd.s32 v1, v3  }
0x1bb: {  	[tilespmem:s21], [sflag:$0x1] =	stream.indirect_vreg.gather [hbm4b:s1+s3], $0x80, v4, vm0, $0xb8;
	[tilespmem:$0x18200] =	vst v63  }
0x1bc: {  	s21 =	simm.s32 $0x2A00  }
0x1bd: {  	[tilespmem:s21], [sflag:$0x1] =	stream.indirect_vreg.gather [hbm4b:s5+s3], $0x80, v4, vm0, $0xb8;
	[tilespmem:$0x18200] =	vst v63  }
0x1be: {  	s21 =	simm.s32 $0x3200  }
0x1bf: {  	[tilespmem:s21], [sflag:$0x1] =	stream.indirect_vreg.gather [hbm4b:s1+s3], $0x80, v3, vm0, $0xb8;
	[tilespmem:$0x18200] =	vst v63  }
0x1c0: {  	_ = 	snop  }
0x1c1: {  	[tilespmem:s30], [sflag:$0x1] =	stream.indirect_vreg.gather [hbm4b:s5+s3], $0x80, v3, vm0, $0xb8;
	[tilespmem:$0x18200] =	vst v63  }
0x1c2: {  	v3 =	vld [tilespmem:$0x1A0];
	_ =	sdelay $0x4  }
0x1c3: {  	v58 =	vshll.u32 v3, $0x2  }
0x1c4: {  	v3 =	vand.u32 $0x7, v3;
	v4 =	vand.u32 $0xFFFFFFE0, v58  }
0x1c5: {  	v3 =	vor.u32 v3, v4  }
0x1c6: {  	v4 =	vperm.xlane v3, v0;
	_ =	sdelay $0x1  }
0x1c7: {  	v4 =	vadd.s32 v1, v4;
	_ =	sdelay $0x1  }
0x1c8: {  	v3 =	vperm.xlane v3, v2;
	_ =	sdelay $0x1  }
0x1c9: {  	v3 =	vadd.s32 v1, v3  }
0x1ca: {  	[tilespmem:s31], [sflag:$0x1] =	stream.indirect_vreg.gather [hbm4b:s1+s3], $0x80, v4, vm0, $0xb8;
	[tilespmem:$0x18200] =	vst v63  }
0x1cb: {  	s21 =	simm.s32 $0x4A00  }
0x1cc: {  	[tilespmem:s21], [sflag:$0x1] =	stream.indirect_vreg.gather [hbm4b:s5+s3], $0x80, v4, vm0, $0xb8;
	[tilespmem:$0x18200] =	vst v63  }
0x1cd: {  	s21 =	simm.s32 $0x5200  }
0x1ce: {  	[tilespmem:s21], [sflag:$0x1] =	stream.indirect_vreg.gather [hbm4b:s1+s3], $0x80, v3, vm0, $0xb8;
	[tilespmem:$0x18200] =	vst v63  }
0x1cf: {  	s21 =	simm.s32 $0x5A00  }
0x1d0: {  	[tilespmem:s21], [sflag:$0x1] =	stream.indirect_vreg.gather [hbm4b:s5+s3], $0x80, v3, vm0, $0xb8;
	[tilespmem:$0x18200] =	vst v63  }
0x1d1: {  	v3 =	vld [tilespmem:$0x1B0];
	_ =	sdelay $0x4  }
0x1d2: {  	v59 =	vshll.u32 v3, $0x2  }
0x1d3: {  	v3 =	vand.u32 $0x7, v3;
	v4 =	vand.u32 $0xFFFFFFE0, v59  }
0x1d4: {  	v3 =	vor.u32 v3, v4  }
0x1d5: {  	v4 =	vperm.xlane v3, v0;
	_ =	sdelay $0x1  }
0x1d6: {  	v4 =	vadd.s32 v1, v4;
	_ =	sdelay $0x1  }
0x1d7: {  	v3 =	vperm.xlane v3, v2;
	_ =	sdelay $0x1  }
0x1d8: {  	s21 =	simm.s32 $0x6200;
	v3 =	vadd.s32 v1, v3  }
0x1d9: {  	[tilespmem:s21], [sflag:$0x1] =	stream.indirect_vreg.gather [hbm4b:s1+s3], $0x80, v4, vm0, $0xb8;
	[tilespmem:$0x18200] =	vst v63  }
0x1da: {  	s21 =	simm.s32 $0x6A00  }
0x1db: {  	[tilespmem:s21], [sflag:$0x1] =	stream.indirect_vreg.gather [hbm4b:s5+s3], $0x80, v4, vm0, $0xb8;
	[tilespmem:$0x18200] =	vst v63  }
0x1dc: {  	s21 =	simm.s32 $0x7200  }
0x1dd: {  	[tilespmem:s21], [sflag:$0x1] =	stream.indirect_vreg.gather [hbm4b:s1+s3], $0x80, v3, vm0, $0xb8;
	[tilespmem:$0x18200] =	vst v63  }
0x1de: {  	s21 =	simm.s32 $0x7A00  }
0x1df: {  	[tilespmem:s21], [sflag:$0x1] =	stream.indirect_vreg.gather [hbm4b:s5+s3], $0x80, v3, vm0, $0xb8;
	[tilespmem:$0x18200] =	vst v63  }
0x1e0: {  	_ =	swait.ge [sflag:s18], $0x8000  }
0x1e1: {  	[sflag:s18] =	ssyncset.done $0x0  }
0x1e2: {  	s2 =	rddreg [dreg:$0x9];
	[sflag:s18] =	ssyncadd.s32 $0xFFFF8000  }
0x1e3: {  	[hbm4b:s2+s3] =	stream.linear.scatter [tilespmem:s8], [sflag:$0x6], $0x8000, $0x38;
	[tilespmem:$0x18200] =	vst v63  }
0x1e4: {  	_ =	swait.ge [sflag:s19], $0x8000  }
0x1e5: {  	[sflag:s19] =	ssyncset.done $0x0  }
0x1e6: {  	[sflag:s19] =	ssyncadd.s32 $0xFFFF8000  }
0x1e7: {  	v3 =	vld [tilespmem:$0x1C0];
	_ =	sdelay $0x4  }
0x1e8: {  	v60 =	vshll.u32 v3, $0x2  }
0x1e9: {  	v3 =	vand.u32 $0x7, v3;
	v4 =	vand.u32 $0xFFFFFFE0, v60  }
0x1ea: {  	v3 =	vor.u32 v3, v4  }
0x1eb: {  	v4 =	vperm.xlane v3, v0;
	_ =	sdelay $0x1  }
0x1ec: {  	v4 =	vadd.s32 v1, v4;
	_ =	sdelay $0x1  }
0x1ed: {  	v3 =	vperm.xlane v3, v2;
	_ =	sdelay $0x1  }
0x1ee: {  	v3 =	vadd.s32 v1, v3  }
0x1ef: {  	[tilespmem:s29], [sflag:$0x2] =	stream.indirect_vreg.gather [hbm4b:s1+s3], $0x80, v4, vm0, $0xb8;
	[tilespmem:$0x18200] =	vst v63  }
0x1f0: {  	s21 =	simm.s32 $0x8A00  }
0x1f1: {  	[tilespmem:s21], [sflag:$0x2] =	stream.indirect_vreg.gather [hbm4b:s5+s3], $0x80, v4, vm0, $0xb8;
	[tilespmem:$0x18200] =	vst v63  }
0x1f2: {  	s21 =	simm.s32 $0x9200  }
0x1f3: {  	[tilespmem:s21], [sflag:$0x2] =	stream.indirect_vreg.gather [hbm4b:s1+s3], $0x80, v3, vm0, $0xb8;
	[tilespmem:$0x18200] =	vst v63  }
0x1f4: {  	s21 =	simm.s32 $0x9A00  }
0x1f5: {  	[tilespmem:s21], [sflag:$0x2] =	stream.indirect_vreg.gather [hbm4b:s5+s3], $0x80, v3, vm0, $0xb8;
	[tilespmem:$0x18200] =	vst v63  }
0x1f6: {  	v3 =	vld [tilespmem:$0x1D0];
	_ =	sdelay $0x4  }
0x1f7: {  	v61 =	vshll.u32 v3, $0x2  }
0x1f8: {  	v3 =	vand.u32 $0x7, v3;
	v4 =	vand.u32 $0xFFFFFFE0, v61  }
0x1f9: {  	v3 =	vor.u32 v3, v4  }
0x1fa: {  	v4 =	vperm.xlane v3, v0;
	_ =	sdelay $0x1  }
0x1fb: {  	v4 =	vadd.s32 v1, v4;
	_ =	sdelay $0x1  }
0x1fc: {  	v3 =	vperm.xlane v3, v2;
	_ =	sdelay $0x1  }
0x1fd: {  	s21 =	simm.s32 $0xA200;
	v3 =	vadd.s32 v1, v3  }
0x1fe: {  	[tilespmem:s21], [sflag:$0x2] =	stream.indirect_vreg.gather [hbm4b:s1+s3], $0x80, v4, vm0, $0xb8;
	[tilespmem:$0x18200] =	vst v63  }
0x1ff: {  	s21 =	simm.s32 $0xAA00  }
0x200: {  	[tilespmem:s21], [sflag:$0x2] =	stream.indirect_vreg.gather [hbm4b:s5+s3], $0x80, v4, vm0, $0xb8;
	[tilespmem:$0x18200] =	vst v63  }
0x201: {  	s21 =	simm.s32 $0xB200  }
0x202: {  	[tilespmem:s21], [sflag:$0x2] =	stream.indirect_vreg.gather [hbm4b:s1+s3], $0x80, v3, vm0, $0xb8;
	[tilespmem:$0x18200] =	vst v63  }
0x203: {  	s21 =	simm.s32 $0xBA00  }
0x204: {  	[tilespmem:s21], [sflag:$0x2] =	stream.indirect_vreg.gather [hbm4b:s5+s3], $0x80, v3, vm0, $0xb8;
	[tilespmem:$0x18200] =	vst v63  }
0x205: {  	v3 =	vld [tilespmem:$0x1E0];
	_ =	sdelay $0x4  }
0x206: {  	v62 =	vshll.u32 v3, $0x2  }
0x207: {  	v3 =	vand.u32 $0x7, v3;
	v4 =	vand.u32 $0xFFFFFFE0, v62  }
0x208: {  	v3 =	vor.u32 v3, v4  }
0x209: {  	v4 =	vperm.xlane v3, v0;
	_ =	sdelay $0x1  }
0x20a: {  	v4 =	vadd.s32 v1, v4;
	_ =	sdelay $0x1  }
0x20b: {  	v3 =	vperm.xlane v3, v2;
	_ =	sdelay $0x1  }
0x20c: {  	s21 =	simm.s32 $0xC200;
	v3 =	vadd.s32 v1, v3  }
0x20d: {  	[tilespmem:s21], [sflag:$0x2] =	stream.indirect_vreg.gather [hbm4b:s1+s3], $0x80, v4, vm0, $0xb8;
	[tilespmem:$0x18200] =	vst v63  }
0x20e: {  	s21 =	simm.s32 $0xCA00  }
0x20f: {  	[tilespmem:s21], [sflag:$0x2] =	stream.indirect_vreg.gather [hbm4b:s5+s3], $0x80, v4, vm0, $0xb8;
	[tilespmem:$0x18200] =	vst v63  }
0x210: {  	s21 =	simm.s32 $0xD200  }
0x211: {  	[tilespmem:s21], [sflag:$0x2] =	stream.indirect_vreg.gather [hbm4b:s1+s3], $0x80, v3, vm0, $0xb8;
	[tilespmem:$0x18200] =	vst v63  }
0x212: {  	s21 =	simm.s32 $0xDA00  }
0x213: {  	[tilespmem:s21], [sflag:$0x2] =	stream.indirect_vreg.gather [hbm4b:s5+s3], $0x80, v3, vm0, $0xb8;
	[tilespmem:$0x18200] =	vst v63  }
0x214: {  	v3 =	vld [tilespmem:$0x1F0];
	_ =	sdelay $0x4  }
0x215: {  	v63 =	vshll.u32 v3, $0x2  }
0x216: {  	v3 =	vand.u32 $0x7, v3;
	v4 =	vand.u32 $0xFFFFFFE0, v63  }
0x217: {  	v3 =	vor.u32 v3, v4  }
0x218: {  	v4 =	vperm.xlane v3, v0;
	_ =	sdelay $0x1  }
0x219: {  	v4 =	vadd.s32 v1, v4;
	_ =	sdelay $0x1  }
0x21a: {  	v3 =	vperm.xlane v3, v2;
	_ =	sdelay $0x1  }
0x21b: {  	s21 =	simm.s32 $0xE200;
	v3 =	vadd.s32 v1, v3  }
0x21c: {  	[tilespmem:s21], [sflag:$0x2] =	stream.indirect_vreg.gather [hbm4b:s1+s3], $0x80, v4, vm0, $0xb8;
	[tilespmem:$0x18200] =	vst v63  }
0x21d: {  	s21 =	simm.s32 $0xEA00  }
0x21e: {  	[tilespmem:s21], [sflag:$0x2] =	stream.indirect_vreg.gather [hbm4b:s5+s3], $0x80, v4, vm0, $0xb8;
	[tilespmem:$0x18200] =	vst v63  }
0x21f: {  	s21 =	simm.s32 $0xF200  }
0x220: {  	[tilespmem:s21], [sflag:$0x2] =	stream.indirect_vreg.gather [hbm4b:s1+s3], $0x80, v3, vm0, $0xb8;
	[tilespmem:$0x18200] =	vst v63  }
0x221: {  	s21 =	simm.s32 $0xFA00  }
0x222: {  	[tilespmem:s21], [sflag:$0x2] =	stream.indirect_vreg.gather [hbm4b:s5+s3], $0x80, v3, vm0, $0xb8;
	[tilespmem:$0x18200] =	vst v63  }
0x223: {  	_ =	swait.ge [sflag:s14], $0x8000  }
0x224: {  	[sflag:s14] =	ssyncset.done $0x0  }
0x225: {  	s2 =	rddreg [dreg:$0xa];
	[sflag:s14] =	ssyncadd.s32 $0xFFFF8000  }
0x226: {  	[hbm4b:s2+s3] =	stream.linear.scatter [tilespmem:s0], [sflag:$0x4], $0x8000, $0x38;
	[tilespmem:$0x18200] =	vst v63  }
0x227: {  	_ =	swait.ge [sflag:s16], $0x8000  }
0x228: {  	[sflag:s16] =	ssyncset.done $0x0  }
0x229: {  	s2 =	rddreg [dreg:$0xb];
	[sflag:s16] =	ssyncadd.s32 $0xFFFF8000  }
0x22a: {  	[hbm4b:s2+s3] =	stream.linear.scatter [tilespmem:s29], [sflag:$0x5], $0x8000, $0x38;
	[tilespmem:$0x18200] =	vst v63  }
0x22b: {  	_ =	swait.ge [sflag:s17], $0x8000  }
0x22c: {  	[sflag:s17] =	ssyncset.done $0x0  }
0x22d: {  	[sflag:s17] =	ssyncadd.s32 $0xFFFF8000  }
0x22e: {  	p0 =	sne.s32 s6, $0x1;
	_ =	swait.ge [sflag:s19], $0x8000  }
.Ltmp0:
0x22f: {  	[sflag:s19] =	ssyncset.done $0x0;
	(pc) =	sbr.rel @p0 .LBB2_1-.Ltmp0, $4  }
0x230: {  	[sflag:s19] =	ssyncadd.s32 $0xFFFF8000  }
0x231: {  	_ =	swait.ge [sflag:s20], $0x8000  }
0x232: {  	[sflag:s20] =	ssyncset.done $0x0  }
0x233: {  	s6 =	sadd.s32 $0xFFFFFFFF, s6;
	[sflag:s20] =	ssyncadd.s32 $0xFFFF8000  }
0x234: {  	_ =	sfence.sel $0x180000  }
0x235: {  	[bflag:$0x0] =	sbarrier.arrive $0xFFFF  }
0x236: {  	_ =	strace $0x90000047  }
0x237: {  	s0 =	stileid.u32;
	[bflag:$0x2] =	sbarrier.arrive $0xFFFF  }
0x238: {  	p0 =	sne.s32 s0, $0x0;
	s0 =	rddreg [dreg:$0x3]  }
0x239: {  	s0 =	sadd.s32 @!p0 $0x100000, s0  }
0x23a: {  	[sflag:s0] =	ssyncadd.tile.s32 @!p0 $0x1;
	_ =	shalt  }
.Lfunc_end2:
_tile_overlayer_lowered:
.L_overlay_start_2:
0x23b: {  	(tag) =	ssettag $0x2  }
0x23c: {  	s0 =	rddreg [dreg:$0x0];
	s2 =	stileid.u32  }
0x23d: {  	s1 =	rddreg [dreg:$0x1];
	p0 =	sne.s32 s2, $0x0  }
0x23e: {  	s3 =	rddreg [dreg:$0x2];
	[bflag:$0x3] =	sbarrier.arrive $0xFFFF;
	s2 =	simm.s32 @!p0 $0x1C07  }
0x23f: {  	[timem:s3], [sflag:s2] =	dma.local @!p0 [hbm:s0], s1  }
0x240: {  	s0 =	simm.s32 @!p0 $0x7  }
0x241: {  	_ =	swait.ge @!p0 [sflag:s0], s1  }
0x242: {  	s1 =	ssub.s32 @!p0 $0x0, s1;
	[sflag:s0] =	ssyncset.done @!p0 $0x0  }
0x243: {  	[sflag:s0] =	ssyncadd.s32 @!p0 s1  }
0x244: {  	[bflag:$0x3] =	sbarrier.arrive $0xFFFF  }
0x245: {  	_ =	shalt  }

// kernel: kernel.8.cloned.1.call-start
scs
__scs_entry_jumppad:
0x0: {  	(pc) =	sbr.rel $0x88, $3  }
0x1: {  	(tag) =	ssettag $0x0;
	lr =	simm.s32 $0x1  }
0x2: {  	[smem:$0x3F9A] =	sst lr;
	_ =	strace $0xD0000000  }
0x3: {  	_ = 	snop  }
0x4: {  	_ = 	snop  }
0x5: {  	_ = 	snop  }
0x6: {  	_ = 	snop  }
0x7: {  	_ = 	snop  }
__scs_overlays_trampoline_lowered:
0x8: {  	[smem:$0x3FA9] =	sst s0  }
0x9: {  	[smem:$0x3FAA] =	sst s1  }
0xa: {  	[smem:$0x3FAB] =	sst s2  }
0xb: {  	[smem:$0x3FAC] =	sst s3  }
0xc: {  	[smem:$0x3FAD] =	sst s4  }
0xd: {  	[smem:$0x3FAE] =	sst s5  }
0xe: {  	[smem:$0x3FAF] =	sst s6  }
0xf: {  	[smem:$0x3FB0] =	sst s7  }
0x10: {  	[smem:$0x3FB1] =	sst s8  }
0x11: {  	[smem:$0x3FB2] =	sst s9;
	s0 =	simm.s32 @!p0 $0x0  }
0x12: {  	s1 =	sld [smem:$0x3F98];
	s0 =	simm.s32 @p0 $0x1  }
0x13: {  	[smem:$0x3FB3] =	sst s0;
	s0 =	simm.s32 @!p1 $0x0  }
0x14: {  	s2 =	sld [smem:$0x3F97];
	s0 =	simm.s32 @p1 $0x1  }
0x15: {  	[smem:$0x3FB4] =	sst s0;
	s0 =	simm.s32 @!p2 $0x0  }
0x16: {  	s3 =	sld [smem:$0x3FDB];
	s0 =	simm.s32 @p2 $0x1  }
0x17: {  	s4 =	simm.s32 $0x1BF5;
	[smem:$0x3FB6] =	sst s0  }
0x18: {  	s0 =	sld [smem:$0x3F99];
	_ =	swait.ge [sflag:s4], $0x0  }
0x19: {  	s7 =	sld [smem:$0x3F9A]  }
0x1a: {  	s8 =	sadd.s32 $0xFFFFE003, lr  }
0x1b: {  	s9 =	sadd.s32 $0xFFFFFEF7, lr;
	s5 =	simm.s32 $0xFFFFFFFF;
	p2 =	slt.u32 s8, $0xFFFFF086  }
0x1c: {  	p1 =	slt.u32 s9, $0xF7A;
	s5 =	simm.s32 @!p2 $0x0  }
0x1d: {  	s5 =	simm.s32 @p1 $0x1;
	p0 =	seq.s32 s7, s2  }
0x1e: {  	s7 =	smul.u32 @!p0 $0xF7A, s2;
	p2 =	seq.s32 @!p0 s5, $0x0  }
0x1f: {  	s9 =	smul.u32 $0xF7A, s1;
	s8 =	simm.s32 @!p0 $0x1BF5;
	p2 =	por !p2, p0  }
0x20: {  	[sflag:s8] =	ssyncset.s32 @!p0 $0xFFFFF086;
	s6 =	sadd.s32 @!p0 s3, s7;
	s7 =	simm.s32 @!p0 $0x108  }
0x21: {  	s3 =	sadd.s32 s3, s9;
	s6 =	sadd.s32 @!p0 $0x88, s6;
	s7 =	simm.s32 @p2 $0x1082  }
0x22: {  	[simem:s7], [sflag:s8] =	dma.local @!p0 [hbm:s6], $0xF7A  }
0x23: {  	s9 =	sor.u32 $0xD0000000, s2;
	s6 =	simm.s32 $0x108;
	_ =	swait.ge @!p0 [sflag:s8], $0x0  }
0x24: {  	s3 =	sadd.s32 $0x88, s3;
	s6 =	simm.s32 @!p1 $0x1082;
	[sflag:s4] =	ssyncset.s32 $0xFFFFF086  }
0x25: {  	[simem:s6], [sflag:s4] =	dma.local [hbm:s3], $0xF7A  }
0x26: {  	[smem:$0x3F9A] =	sst s1;
	(tag) =	ssettag s2;
	_ =	strace s9  }
0x27: {  	s1 =	sld [smem:$0x3FAA]  }
0x28: {  	s2 =	sld [smem:$0x3FAB]  }
0x29: {  	s4 =	sld [smem:$0x3FAD]  }
0x2a: {  	p0 =	seq.s32 s5, $0x0;
	s5 =	sld [smem:$0x3FAE]  }
0x2b: {  	s6 =	sld [smem:$0x3FAF]  }
0x2c: {  	s7 =	sld [smem:$0x3FB0]  }
0x2d: {  	s3 =	simm.s32 $0x108;
	s8 =	sld [smem:$0x3FB1]  }
0x2e: {  	s3 =	simm.s32 @!p0 $0x1082;
	s9 =	sld [smem:$0x3FB2]  }
0x2f: {  	lr =	sadd.s32 s0, s3;
	s0 =	sld [smem:$0x3FA9]  }
0x30: {  	s3 =	sld [smem:$0x3FAC]  }
0x31: {  	[smem:$0x3FB5] =	sst s10  }
0x32: {  	s10 =	sld [smem:$0x3FB3];
	_ =	sdelay $0x3  }
0x33: {  	p0 =	seq.s32 s10, $0x1;
	s10 =	sld [smem:$0x3FB5];
	_ =	sdelay $0x3  }
0x34: {  	[smem:$0x3FB5] =	sst s10  }
0x35: {  	s10 =	sld [smem:$0x3FB4];
	_ =	sdelay $0x3  }
0x36: {  	p1 =	seq.s32 s10, $0x1;
	s10 =	sld [smem:$0x3FB5];
	_ =	sdelay $0x3  }
0x37: {  	[smem:$0x3FB5] =	sst s10  }
0x38: {  	s10 =	sld [smem:$0x3FB6]  }
0x39: {  	_ = 	snop;
	(pc) =	sbr.ind lr, $3  }
0x3a: {  	_ = 	snop  }
0x3b: {  	_ = 	snop  }
0x3c: {  	p2 =	seq.s32 s10, $0x1;
	s10 =	sld [smem:$0x3FB5]  }
0x3d: {  	_ =	shalt  }
0x3e: {  	_ =	shalt  }
0x3f: {  	_ =	shalt  }
0x40: {  	_ =	shalt  }
0x41: {  	_ =	shalt  }
0x42: {  	_ =	shalt  }
0x43: {  	_ =	shalt  }
0x44: {  	_ =	shalt  }
0x45: {  	_ =	shalt  }
0x46: {  	_ =	shalt  }
0x47: {  	_ =	shalt  }
0x48: {  	_ =	shalt  }
0x49: {  	_ =	shalt  }
0x4a: {  	_ =	shalt  }
0x4b: {  	_ =	shalt  }
0x4c: {  	_ =	shalt  }
0x4d: {  	_ =	shalt  }
0x4e: {  	_ =	shalt  }
0x4f: {  	_ =	shalt  }
0x50: {  	_ =	shalt  }
0x51: {  	_ =	shalt  }
0x52: {  	_ =	shalt  }
0x53: {  	_ =	shalt  }
0x54: {  	_ =	shalt  }
0x55: {  	_ =	shalt  }
0x56: {  	_ =	shalt  }
0x57: {  	_ =	shalt  }
0x58: {  	_ =	shalt  }
0x59: {  	_ =	shalt  }
0x5a: {  	_ =	shalt  }
0x5b: {  	_ =	shalt  }
0x5c: {  	_ =	shalt  }
0x5d: {  	_ =	shalt  }
0x5e: {  	_ =	shalt  }
0x5f: {  	_ =	shalt  }
0x60: {  	_ =	shalt  }
0x61: {  	_ =	shalt  }
0x62: {  	_ =	shalt  }
0x63: {  	_ =	shalt  }
0x64: {  	_ =	shalt  }
0x65: {  	_ =	shalt  }
0x66: {  	_ =	shalt  }
0x67: {  	_ =	shalt  }
0x68: {  	_ =	shalt  }
0x69: {  	_ =	shalt  }
0x6a: {  	_ =	shalt  }
0x6b: {  	_ =	shalt  }
0x6c: {  	_ =	shalt  }
0x6d: {  	_ =	shalt  }
0x6e: {  	_ =	shalt  }
0x6f: {  	_ =	shalt  }
0x70: {  	_ =	shalt  }
0x71: {  	_ =	shalt  }
0x72: {  	_ =	shalt  }
0x73: {  	_ =	shalt  }
0x74: {  	_ =	shalt  }
0x75: {  	_ =	shalt  }
0x76: {  	_ =	shalt  }
0x77: {  	_ =	shalt  }
0x78: {  	_ =	shalt  }
0x79: {  	_ =	shalt  }
0x7a: {  	_ =	shalt  }
0x7b: {  	_ =	shalt  }
0x7c: {  	_ =	shalt  }
0x7d: {  	_ =	shalt  }
0x7e: {  	_ =	shalt  }
0x7f: {  	_ =	shalt  }
0x80: {  	_ =	shalt  }
0x81: {  	_ =	shalt  }
0x82: {  	_ =	shalt  }
0x83: {  	_ =	shalt  }
0x84: {  	_ =	shalt  }
0x85: {  	_ =	shalt  }
0x86: {  	_ =	shalt  }
0x87: {  	_ =	shalt  }
.Lfunc_end0:
.L_simem_size_0:
called_computation.1_lowered:
.L_overlay_start_0:
0x88: {  	s2 =	sld [smem:$0x3FD9]  }
0x89: {  	s3 =	sld [smem:$0x3FFE];
	_ =	sdelay $0x1  }
0x8a: {  	s1 =	srdreg.scid  }
0x8b: {  	s0 =	sand.u32 $0x1, s1  }
0x8c: {  	s17 =	sshll.u32 s0, $0xA;
	s2 =	sadd.s32 s3, s2  }
0x8d: {  	s2 =	sadd.s32 s2, s17  }
0x8e: {  	[smem:$0x3FC1] =	sst s2  }
0x8f: {  	_ = 	snop  }
0x90: {  	s2 =	sld [smem:$0x3FC7]  }
0x91: {  	s18 =	sld [smem:$0x3FD0];
	(tm) =	ssettm $0x1  }
0x92: {  	s4 =	sld [smem:$0x3FFB];
	_ =	sdelay $0x3  }
0x93: {  	_ =	strace s4  }
0x94: {  	s4 =	sld [smem:$0x3FFC];
	_ =	sdelay $0x3  }
0x95: {  	_ =	strace s4  }
0x96: {  	s4 =	sld [smem:$0x3FFD];
	_ =	sdelay $0x3  }
0x97: {  	_ =	strace s4  }
0x98: {  	_ =	strace $0x8FFFFFFF  }
0x99: {  	s19 =	sld [smem:$0x3FDB];
	_ =	sdelay $0x1  }
0x9a: {  	s5 =	simm.s32 $_scs_section_size  }
0x9b: {  	s6 =	simm.s32 $_size__tile_overlayer_lowered;
	s7 =	simm.s32 $_tile_overlayer_lowered  }
0x9c: {  	s22 =	simm.s32 $0x1BFF;
	s21 =	sshll.u32 s7, $0x1;
	s4 =	sadd.s32 s5, s19  }
0x9d: {  	s8 =	simm.s32 $0x0;
	s20 =	sshll.u32 s6, $0x1;
	s6 =	sadd.s32 s21, s4  }
0x9e: {  	[timem:s8], [sflag:s22] =	dma.local [hbm:s6], s20  }
0x9f: {  	_ =	swait.ge [sflag:s22], s20  }
0xa0: {  	s5 =	ssub.s32 $0x0, s20;
	[sflag:s22] =	ssyncset.done $0x0  }
0xa1: {  	[sflag:s22] =	ssyncadd.s32 s5;
	_ =	sdelay $0x1  }
0xa2: {  	s23 =	simm.s32 $0x1B8B  }
0xa3: {  	_ =	swait.ge [sflag:s23], $0x1  }
0xa4: {  	[sflag:s23] =	ssyncset.done $0x0  }
0xa5: {  	s25 =	simm.s32 $0x1B8E;
	s24 =	sld [smem:$0x3FFE];
	[sflag:s23] =	ssyncadd.s32 $0xFFFFFFFF  }
0xa6: {  	s26 =	simm.s32 $execute0_lowered;
	[smem:$0x3FD2] =	sst s25  }
0xa7: {  	s6 =	sshll.u32 s26, $0x1;
	_ =	strace $0x80000049;
	[dreg:$0x1] =	wrdreg $0xFFFFFFFF  }
0xa8: {  	s28 =	simm.s32 $_size_execute0_lowered;
	s4 =	sadd.s32 s4, s6;
	[dreg:$0x0] =	wrdreg $0x0  }
0xa9: {  	s6 =	sshll.u32 s28, $0x1;
	[dreg:$0x2] =	wrdreg s4  }
0xaa: {  	[dreg:$0x3] =	wrdreg s6  }
0xab: {  	[dreg:$0x4] =	wrdreg $0xC0  }
0xac: {  	_ =	task [dreg:s8], $0x5FFFF  }
0xad: {  	[dreg:$0x1] =	wrdreg $0xFFFFFFFF  }
0xae: {  	[dreg:$0x0] =	wrdreg $0x60  }
0xaf: {  	[dreg:$0x2] =	wrdreg s24  }
0xb0: {  	[dreg:$0x3] =	wrdreg s2  }
0xb1: {  	[dreg:$0x4] =	wrdreg s18  }
0xb2: {  	[dreg:$0x5] =	wrdreg $0x9  }
0xb3: {  	_ =	task.clear_ibuf [dreg:s8], $0x6FFFF;
	_ =	strace $0x90000049  }
0xb4: {  	s29 =	simm.s32 $0x9;
	_ =	strace $0x8000004B  }
0xb5: {  	_ =	swait.ge [sflag:s29], $0x1  }
0xb6: {  	[sflag:s29] =	ssyncadd.s32 $0xFFFFFFFF  }
0xb7: {  	_ =	strace $0x9000004B  }
0xb8: {  	_ =	sfence  }
0xb9: {  	s30 =	sld [smem:$0x0];
	_ =	sdelay $0x2  }
0xba: {  	s31 =	sshll.u32 s1, $0xD;
	s1 =	sshrl.u32 s1, $0x2  }
0xbb: {  	s3 =	sand.u32 $0x4000, s31;
	s1 =	sadd.s32 s1, s30  }
0xbc: {  	s0 =	sor.u32 s3, s0;
	s1 =	sshll.u32 s1, $0x11  }
0xbd: {  	s0 =	sor.u32 s1, s0  }
0xbe: {  	s0 =	sadd.s32 $0x8F2B, s0  }
0xbf: {  	[sflag:s0] =	ssyncadd.remote.s32 $0x1  }
0xc0: {  	_ =	sfence.sel $0xFFFF  }
0xc1: {  	[dreg:$0x0] =	wrdreg $0xFFFFFFFF;
	(pc) =	sbr.abs _section_cstart, $3  }
0xc2: {  	[dreg:$0x1] =	wrdreg $0xFFFFFFFF  }
0xc3: {  	_ =	task.clear_ibuf [dreg:s8], $0x2FFFF;
	_ =	strace $0x9FFFFFFF  }
0xc4: {  	(tm) =	ssettm $0x7FFFFFFF  }
0xc5: {  	_ =	shalt  }
tec
execute0_lowered:
.L_overlay_start_1:
0x0: {  	(tag) =	ssettag $0x1  }
0x1: {  	s0 =	rddreg [dreg:$0x0]  }
0x2: {  	s1 =	srdreg.scid;
	s3 =	rddreg [dreg:$0x1]  }
0x3: {  	s2 =	stileid.u32;
	s4 =	rddreg [dreg:$0x2];
	s29 =	simm.s32 $0x8200  }
0x4: {  	s14 =	simm.s32 $0x1;
	s16 =	simm.s32 $0x2;
	s17 =	simm.s32 $0x4  }
0x5: {  	s30 =	simm.s32 $0x3A00;
	s31 =	simm.s32 $0x4200;
	s8 =	simm.s32 $0x10200  }
0x6: {  	s12 =	simm.s32 $0x10A00;
	s13 =	simm.s32 $0x11200;
	s15 =	simm.s32 $0x11A00  }
0x7: {  	s7 =	simm.s32 $0x13A00;
	s9 =	simm.s32 $0x14200;
	s1 =	sand.u32 $0x1, s1  }
0x8: {  	s10 =	simm.s32 $0x14A00;
	s5 =	sshll.u32 s2, $0xA;
	s6 =	sshll.u32 s1, $0x9  }
0x9: {  	s11 =	simm.s32 $0x15200;
	s2 =	simm.s32 $0x0;
	s5 =	sor.u32 s6, s5  }
0xa: {  	s28 =	simm.s32 $0x17A00;
	[smem:$0x7FF] =	sst s2;
	s6 =	sshrl.u32 s5, $0x3  }
0xb: {  	s1 =	ssub.s32 $0x2, s1;
	s5 =	sshll.u32 s5, $0x6;
	s3 =	sadd.s32 s3, s6  }
0xc: {  	_ =	strace $0x8000004A;
	s18 =	sadd.s32 s4, s5;
	[dreg:$0x4] =	wrdreg s3  }
0xd: {  	s23 =	sshrl.u32 s1, $0x1;
	s19 =	sadd.s32 $0x1000, s18;
	[dreg:$0xc] =	wrdreg s18  }
0xe: {  	s1 =	ssub.s32 s1, s23;
	s20 =	sadd.s32 $0x2000, s18;
	[dreg:$0x5] =	wrdreg s19  }
0xf: {  	s23 =	simm.s32 $0x16200;
	s21 =	sadd.s32 $0x3000, s18;
	[dreg:$0x6] =	wrdreg s20  }
0x10: {  	s4 =	sadd.s32 $0x1200, s0;
	s22 =	sadd.s32 $0x4000, s18;
	[dreg:$0x7] =	wrdreg s21  }
0x11: {  	s5 =	sadd.s32 $0x1300, s0;
	s24 =	sadd.s32 $0x5000, s18;
	[dreg:$0x8] =	wrdreg s22  }
0x12: {  	s6 =	smax.u32 s1, $0x1;
	s25 =	sadd.s32 $0x6000, s18;
	[dreg:$0x9] =	wrdreg s24  }
0x13: {  	s0 =	simm.s32 $0x200;
	s26 =	sadd.s32 $0x7000, s18;
	[dreg:$0xa] =	wrdreg s25  }
0x14: {  	v2 =	vlaneseq.u32;
	s18 =	simm.s32 $0x3;
	s3 =	simm.s32 $0x13200;
	[dreg:$0xb] =	wrdreg s26  }
0x15: {  	vm0 =	vmmov $0xffff;
	v1 =	vshrl.u32 v2, $0x3;
	s19 =	simm.s32 $0x5;
	s20 =	simm.s32 $0x6;
	s24 =	simm.s32 $0x12200  }
0x16: {  	v0 =	vand.u32 $0x7, v2;
	v2 =	vor.u32 $0x8, v2;
	v1 =	vmul.u32 $0x8, v1;
	s22 =	simm.s32 $0x15A00;
	s25 =	simm.s32 $0x16A00;
	s26 =	simm.s32 $0x17200  }
.LBB2_1:
0x17: {  	s21 =	rddreg [dreg:$0x4];
	s1 =	simm.s32 $0x7  }
0x18: {  	[tilespmem:s2], [sflag:$0x7] =	stream.linear.gather [hbm4b:s21+s2], $0x200, $0x38;
	[tilespmem:$0x18200] =	vst v63  }
0x19: {  	_ =	swait.ge [sflag:s1], $0x200  }
0x1a: {  	[sflag:s1] =	ssyncset.done $0x0  }
0x1b: {  	[sflag:s1] =	ssyncadd.s32 $0xFFFFFE00  }
0x1c: {  	v3 =	vld [tilespmem:$0x0];
	_ =	sdelay $0x4  }
0x1d: {  	v4 =	vshll.u32 v3, $0x2  }
0x1e: {  	v3 =	vand.u32 $0x7, v3;
	v4 =	vand.u32 $0xFFFFFFE0, v4  }
0x1f: {  	v3 =	vor.u32 v3, v4  }
0x20: {  	v4 =	vperm.xlane v3, v0;
	_ =	sdelay $0x1  }
0x21: {  	v4 =	vadd.s32 v1, v4;
	_ =	sdelay $0x1  }
0x22: {  	v3 =	vperm.xlane v3, v2;
	_ =	sdelay $0x1  }
0x23: {  	v3 =	vadd.s32 v1, v3  }
0x24: {  	[tilespmem:s0], [sflag:$0x1] =	stream.indirect_vreg.gather [hbm4b:s4+s2], $0x80, v4, vm0, $0xb8;
	[tilespmem:$0x18200] =	vst v63  }
0x25: {  	s1 =	simm.s32 $0xA00  }
0x26: {  	[tilespmem:s1], [sflag:$0x1] =	stream.indirect_vreg.gather [hbm4b:s5+s2], $0x80, v4, vm0, $0xb8;
	[tilespmem:$0x18200] =	vst v63  }
0x27: {  	s21 =	simm.s32 $0x1200  }
0x28: {  	[tilespmem:s21], [sflag:$0x1] =	stream.indirect_vreg.gather [hbm4b:s4+s2], $0x80, v3, vm0, $0xb8;
	[tilespmem:$0x18200] =	vst v63  }
0x29: {  	s21 =	simm.s32 $0x1A00  }
0x2a: {  	[tilespmem:s21], [sflag:$0x1] =	stream.indirect_vreg.gather [hbm4b:s5+s2], $0x80, v3, vm0, $0xb8;
	[tilespmem:$0x18200] =	vst v63  }
0x2b: {  	v3 =	vld [tilespmem:$0x10];
	_ =	sdelay $0x4  }
0x2c: {  	v33 =	vshll.u32 v3, $0x2  }
0x2d: {  	v3 =	vand.u32 $0x7, v3;
	v4 =	vand.u32 $0xFFFFFFE0, v33  }
0x2e: {  	v3 =	vor.u32 v3, v4  }
0x2f: {  	v4 =	vperm.xlane v3, v0;
	_ =	sdelay $0x1  }
0x30: {  	v4 =	vadd.s32 v1, v4;
	_ =	sdelay $0x1  }
0x31: {  	v3 =	vperm.xlane v3, v2;
	_ =	sdelay $0x1  }
0x32: {  	s21 =	simm.s32 $0x2200;
	v3 =	vadd.s32 v1, v3  }
0x33: {  	[tilespmem:s21], [sflag:$0x1] =	stream.indirect_vreg.gather [hbm4b:s4+s2], $0x80, v4, vm0, $0xb8;
	[tilespmem:$0x18200] =	vst v63  }
0x34: {  	s21 =	simm.s32 $0x2A00  }
0x35: {  	[tilespmem:s21], [sflag:$0x1] =	stream.indirect_vreg.gather [hbm4b:s5+s2], $0x80, v4, vm0, $0xb8;
	[tilespmem:$0x18200] =	vst v63  }
0x36: {  	s21 =	simm.s32 $0x3200  }
0x37: {  	[tilespmem:s21], [sflag:$0x1] =	stream.indirect_vreg.gather [hbm4b:s4+s2], $0x80, v3, vm0, $0xb8;
	[tilespmem:$0x18200] =	vst v63  }
0x38: {  	_ = 	snop  }
0x39: {  	[tilespmem:s30], [sflag:$0x1] =	stream.indirect_vreg.gather [hbm4b:s5+s2], $0x80, v3, vm0, $0xb8;
	[tilespmem:$0x18200] =	vst v63  }
0x3a: {  	v3 =	vld [tilespmem:$0x20];
	_ =	sdelay $0x4  }
0x3b: {  	v34 =	vshll.u32 v3, $0x2  }
0x3c: {  	v3 =	vand.u32 $0x7, v3;
	v4 =	vand.u32 $0xFFFFFFE0, v34  }
0x3d: {  	v3 =	vor.u32 v3, v4  }
0x3e: {  	v4 =	vperm.xlane v3, v0;
	_ =	sdelay $0x1  }
0x3f: {  	v4 =	vadd.s32 v1, v4;
	_ =	sdelay $0x1  }
0x40: {  	v3 =	vperm.xlane v3, v2;
	_ =	sdelay $0x1  }
0x41: {  	v3 =	vadd.s32 v1, v3  }
0x42: {  	[tilespmem:s31], [sflag:$0x1] =	stream.indirect_vreg.gather [hbm4b:s4+s2], $0x80, v4, vm0, $0xb8;
	[tilespmem:$0x18200] =	vst v63  }
0x43: {  	s21 =	simm.s32 $0x4A00  }
0x44: {  	[tilespmem:s21], [sflag:$0x1] =	stream.indirect_vreg.gather [hbm4b:s5+s2], $0x80, v4, vm0, $0xb8;
	[tilespmem:$0x18200] =	vst v63  }
0x45: {  	s21 =	simm.s32 $0x5200  }
0x46: {  	[tilespmem:s21], [sflag:$0x1] =	stream.indirect_vreg.gather [hbm4b:s4+s2], $0x80, v3, vm0, $0xb8;
	[tilespmem:$0x18200] =	vst v63  }
0x47: {  	s21 =	simm.s32 $0x5A00  }
0x48: {  	[tilespmem:s21], [sflag:$0x1] =	stream.indirect_vreg.gather [hbm4b:s5+s2], $0x80, v3, vm0, $0xb8;
	[tilespmem:$0x18200] =	vst v63  }
0x49: {  	v3 =	vld [tilespmem:$0x30];
	_ =	sdelay $0x4  }
0x4a: {  	v35 =	vshll.u32 v3, $0x2  }
0x4b: {  	v3 =	vand.u32 $0x7, v3;
	v4 =	vand.u32 $0xFFFFFFE0, v35  }
0x4c: {  	v3 =	vor.u32 v3, v4  }
0x4d: {  	v4 =	vperm.xlane v3, v0;
	_ =	sdelay $0x1  }
0x4e: {  	v4 =	vadd.s32 v1, v4;
	_ =	sdelay $0x1  }
0x4f: {  	v3 =	vperm.xlane v3, v2;
	_ =	sdelay $0x1  }
0x50: {  	s21 =	simm.s32 $0x6200;
	v3 =	vadd.s32 v1, v3  }
0x51: {  	[tilespmem:s21], [sflag:$0x1] =	stream.indirect_vreg.gather [hbm4b:s4+s2], $0x80, v4, vm0, $0xb8;
	[tilespmem:$0x18200] =	vst v63  }
0x52: {  	s21 =	simm.s32 $0x6A00  }
0x53: {  	[tilespmem:s21], [sflag:$0x1] =	stream.indirect_vreg.gather [hbm4b:s5+s2], $0x80, v4, vm0, $0xb8;
	[tilespmem:$0x18200] =	vst v63  }
0x54: {  	s21 =	simm.s32 $0x7200  }
0x55: {  	[tilespmem:s21], [sflag:$0x1] =	stream.indirect_vreg.gather [hbm4b:s4+s2], $0x80, v3, vm0, $0xb8;
	[tilespmem:$0x18200] =	vst v63  }
0x56: {  	s21 =	simm.s32 $0x7A00  }
0x57: {  	[tilespmem:s21], [sflag:$0x1] =	stream.indirect_vreg.gather [hbm4b:s5+s2], $0x80, v3, vm0, $0xb8;
	[tilespmem:$0x18200] =	vst v63  }
0x58: {  	v3 =	vld [tilespmem:$0x40];
	_ =	sdelay $0x4  }
0x59: {  	v36 =	vshll.u32 v3, $0x2  }
0x5a: {  	v3 =	vand.u32 $0x7, v3;
	v4 =	vand.u32 $0xFFFFFFE0, v36  }
0x5b: {  	v3 =	vor.u32 v3, v4  }
0x5c: {  	v4 =	vperm.xlane v3, v0;
	_ =	sdelay $0x1  }
0x5d: {  	v4 =	vadd.s32 v1, v4;
	_ =	sdelay $0x1  }
0x5e: {  	v3 =	vperm.xlane v3, v2;
	_ =	sdelay $0x1  }
0x5f: {  	v3 =	vadd.s32 v1, v3  }
0x60: {  	[tilespmem:s29], [sflag:$0x2] =	stream.indirect_vreg.gather [hbm4b:s4+s2], $0x80, v4, vm0, $0xb8;
	[tilespmem:$0x18200] =	vst v63  }
0x61: {  	s21 =	simm.s32 $0x8A00  }
0x62: {  	[tilespmem:s21], [sflag:$0x2] =	stream.indirect_vreg.gather [hbm4b:s5+s2], $0x80, v4, vm0, $0xb8;
	[tilespmem:$0x18200] =	vst v63  }
0x63: {  	s21 =	simm.s32 $0x9200  }
0x64: {  	[tilespmem:s21], [sflag:$0x2] =	stream.indirect_vreg.gather [hbm4b:s4+s2], $0x80, v3, vm0, $0xb8;
	[tilespmem:$0x18200] =	vst v63  }
0x65: {  	s21 =	simm.s32 $0x9A00  }
0x66: {  	[tilespmem:s21], [sflag:$0x2] =	stream.indirect_vreg.gather [hbm4b:s5+s2], $0x80, v3, vm0, $0xb8;
	[tilespmem:$0x18200] =	vst v63  }
0x67: {  	v3 =	vld [tilespmem:$0x50];
	_ =	sdelay $0x4  }
0x68: {  	v37 =	vshll.u32 v3, $0x2  }
0x69: {  	v3 =	vand.u32 $0x7, v3;
	v4 =	vand.u32 $0xFFFFFFE0, v37  }
0x6a: {  	v3 =	vor.u32 v3, v4  }
0x6b: {  	v4 =	vperm.xlane v3, v0;
	_ =	sdelay $0x1  }
0x6c: {  	v4 =	vadd.s32 v1, v4;
	_ =	sdelay $0x1  }
0x6d: {  	v3 =	vperm.xlane v3, v2;
	_ =	sdelay $0x1  }
0x6e: {  	s21 =	simm.s32 $0xA200;
	v3 =	vadd.s32 v1, v3  }
0x6f: {  	[tilespmem:s21], [sflag:$0x2] =	stream.indirect_vreg.gather [hbm4b:s4+s2], $0x80, v4, vm0, $0xb8;
	[tilespmem:$0x18200] =	vst v63  }
0x70: {  	s21 =	simm.s32 $0xAA00  }
0x71: {  	[tilespmem:s21], [sflag:$0x2] =	stream.indirect_vreg.gather [hbm4b:s5+s2], $0x80, v4, vm0, $0xb8;
	[tilespmem:$0x18200] =	vst v63  }
0x72: {  	s21 =	simm.s32 $0xB200  }
0x73: {  	[tilespmem:s21], [sflag:$0x2] =	stream.indirect_vreg.gather [hbm4b:s4+s2], $0x80, v3, vm0, $0xb8;
	[tilespmem:$0x18200] =	vst v63  }
0x74: {  	s21 =	simm.s32 $0xBA00  }
0x75: {  	[tilespmem:s21], [sflag:$0x2] =	stream.indirect_vreg.gather [hbm4b:s5+s2], $0x80, v3, vm0, $0xb8;
	[tilespmem:$0x18200] =	vst v63  }
0x76: {  	v3 =	vld [tilespmem:$0x60];
	_ =	sdelay $0x4  }
0x77: {  	v38 =	vshll.u32 v3, $0x2  }
0x78: {  	v3 =	vand.u32 $0x7, v3;
	v4 =	vand.u32 $0xFFFFFFE0, v38  }
0x79: {  	v3 =	vor.u32 v3, v4  }
0x7a: {  	v4 =	vperm.xlane v3, v0;
	_ =	sdelay $0x1  }
0x7b: {  	v4 =	vadd.s32 v1, v4;
	_ =	sdelay $0x1  }
0x7c: {  	v3 =	vperm.xlane v3, v2;
	_ =	sdelay $0x1  }
0x7d: {  	s21 =	simm.s32 $0xC200;
	v3 =	vadd.s32 v1, v3  }
0x7e: {  	[tilespmem:s21], [sflag:$0x2] =	stream.indirect_vreg.gather [hbm4b:s4+s2], $0x80, v4, vm0, $0xb8;
	[tilespmem:$0x18200] =	vst v63  }
0x7f: {  	s21 =	simm.s32 $0xCA00  }
0x80: {  	[tilespmem:s21], [sflag:$0x2] =	stream.indirect_vreg.gather [hbm4b:s5+s2], $0x80, v4, vm0, $0xb8;
	[tilespmem:$0x18200] =	vst v63  }
0x81: {  	s21 =	simm.s32 $0xD200  }
0x82: {  	[tilespmem:s21], [sflag:$0x2] =	stream.indirect_vreg.gather [hbm4b:s4+s2], $0x80, v3, vm0, $0xb8;
	[tilespmem:$0x18200] =	vst v63  }
0x83: {  	s21 =	simm.s32 $0xDA00  }
0x84: {  	[tilespmem:s21], [sflag:$0x2] =	stream.indirect_vreg.gather [hbm4b:s5+s2], $0x80, v3, vm0, $0xb8;
	[tilespmem:$0x18200] =	vst v63  }
0x85: {  	v3 =	vld [tilespmem:$0x70];
	_ =	sdelay $0x4  }
0x86: {  	v39 =	vshll.u32 v3, $0x2  }
0x87: {  	v3 =	vand.u32 $0x7, v3;
	v4 =	vand.u32 $0xFFFFFFE0, v39  }
0x88: {  	v3 =	vor.u32 v3, v4  }
0x89: {  	v4 =	vperm.xlane v3, v0;
	_ =	sdelay $0x1  }
0x8a: {  	v4 =	vadd.s32 v1, v4;
	_ =	sdelay $0x1  }
0x8b: {  	v3 =	vperm.xlane v3, v2;
	_ =	sdelay $0x1  }
0x8c: {  	s21 =	simm.s32 $0xE200;
	v3 =	vadd.s32 v1, v3  }
0x8d: {  	[tilespmem:s21], [sflag:$0x2] =	stream.indirect_vreg.gather [hbm4b:s4+s2], $0x80, v4, vm0, $0xb8;
	[tilespmem:$0x18200] =	vst v63  }
0x8e: {  	s21 =	simm.s32 $0xEA00  }
0x8f: {  	[tilespmem:s21], [sflag:$0x2] =	stream.indirect_vreg.gather [hbm4b:s5+s2], $0x80, v4, vm0, $0xb8;
	[tilespmem:$0x18200] =	vst v63  }
0x90: {  	s21 =	simm.s32 $0xF200  }
0x91: {  	[tilespmem:s21], [sflag:$0x2] =	stream.indirect_vreg.gather [hbm4b:s4+s2], $0x80, v3, vm0, $0xb8;
	[tilespmem:$0x18200] =	vst v63  }
0x92: {  	s21 =	simm.s32 $0xFA00  }
0x93: {  	[tilespmem:s21], [sflag:$0x2] =	stream.indirect_vreg.gather [hbm4b:s5+s2], $0x80, v3, vm0, $0xb8;
	[tilespmem:$0x18200] =	vst v63  }
0x94: {  	_ =	swait.ge [sflag:s14], $0x8000  }
0x95: {  	[sflag:s14] =	ssyncset.done $0x0  }
0x96: {  	s1 =	rddreg [dreg:$0xc];
	[sflag:s14] =	ssyncadd.s32 $0xFFFF8000  }
0x97: {  	[hbm4b:s1+s2] =	stream.linear.scatter [tilespmem:s0], [sflag:$0x4], $0x8000, $0x38;
	[tilespmem:$0x18200] =	vst v63  }
0x98: {  	v3 =	vld [tilespmem:$0x80];
	_ =	sdelay $0x4  }
0x99: {  	v40 =	vshll.u32 v3, $0x2  }
0x9a: {  	v3 =	vand.u32 $0x7, v3;
	v4 =	vand.u32 $0xFFFFFFE0, v40  }
0x9b: {  	v3 =	vor.u32 v3, v4  }
0x9c: {  	v4 =	vperm.xlane v3, v0;
	_ =	sdelay $0x1  }
0x9d: {  	v4 =	vadd.s32 v1, v4;
	_ =	sdelay $0x1  }
0x9e: {  	v3 =	vperm.xlane v3, v2;
	_ =	sdelay $0x1  }
0x9f: {  	v3 =	vadd.s32 v1, v3  }
0xa0: {  	[tilespmem:s8], [sflag:$0x3] =	stream.indirect_vreg.gather [hbm4b:s4+s2], $0x80, v4, vm0, $0xb8;
	[tilespmem:$0x18200] =	vst v63  }
0xa1: {  	_ = 	snop  }
0xa2: {  	[tilespmem:s12], [sflag:$0x3] =	stream.indirect_vreg.gather [hbm4b:s5+s2], $0x80, v4, vm0, $0xb8;
	[tilespmem:$0x18200] =	vst v63  }
0xa3: {  	_ = 	snop  }
0xa4: {  	[tilespmem:s13], [sflag:$0x3] =	stream.indirect_vreg.gather [hbm4b:s4+s2], $0x80, v3, vm0, $0xb8;
	[tilespmem:$0x18200] =	vst v63  }
0xa5: {  	_ = 	snop  }
0xa6: {  	[tilespmem:s15], [sflag:$0x3] =	stream.indirect_vreg.gather [hbm4b:s5+s2], $0x80, v3, vm0, $0xb8;
	[tilespmem:$0x18200] =	vst v63  }
0xa7: {  	v3 =	vld [tilespmem:$0x90];
	_ =	sdelay $0x4  }
0xa8: {  	v41 =	vshll.u32 v3, $0x2  }
0xa9: {  	v3 =	vand.u32 $0x7, v3;
	v4 =	vand.u32 $0xFFFFFFE0, v41  }
0xaa: {  	v3 =	vor.u32 v3, v4  }
0xab: {  	v4 =	vperm.xlane v3, v0;
	_ =	sdelay $0x1  }
0xac: {  	v4 =	vadd.s32 v1, v4;
	_ =	sdelay $0x1  }
0xad: {  	v3 =	vperm.xlane v3, v2;
	_ =	sdelay $0x1  }
0xae: {  	v3 =	vadd.s32 v1, v3  }
0xaf: {  	[tilespmem:s24], [sflag:$0x3] =	stream.indirect_vreg.gather [hbm4b:s4+s2], $0x80, v4, vm0, $0xb8;
	[tilespmem:$0x18200] =	vst v63  }
0xb0: {  	s1 =	simm.s32 $0x12A00  }
0xb1: {  	[tilespmem:s1], [sflag:$0x3] =	stream.indirect_vreg.gather [hbm4b:s5+s2], $0x80, v4, vm0, $0xb8;
	[tilespmem:$0x18200] =	vst v63  }
0xb2: {  	_ = 	snop  }
0xb3: {  	[tilespmem:s3], [sflag:$0x3] =	stream.indirect_vreg.gather [hbm4b:s4+s2], $0x80, v3, vm0, $0xb8;
	[tilespmem:$0x18200] =	vst v63  }
0xb4: {  	_ = 	snop  }
0xb5: {  	[tilespmem:s7], [sflag:$0x3] =	stream.indirect_vreg.gather [hbm4b:s5+s2], $0x80, v3, vm0, $0xb8;
	[tilespmem:$0x18200] =	vst v63  }
0xb6: {  	v3 =	vld [tilespmem:$0xA0];
	_ =	sdelay $0x4  }
0xb7: {  	v42 =	vshll.u32 v3, $0x2  }
0xb8: {  	v3 =	vand.u32 $0x7, v3;
	v4 =	vand.u32 $0xFFFFFFE0, v42  }
0xb9: {  	v3 =	vor.u32 v3, v4  }
0xba: {  	v4 =	vperm.xlane v3, v0;
	_ =	sdelay $0x1  }
0xbb: {  	v4 =	vadd.s32 v1, v4;
	_ =	sdelay $0x1  }
0xbc: {  	v3 =	vperm.xlane v3, v2;
	_ =	sdelay $0x1  }
0xbd: {  	v3 =	vadd.s32 v1, v3  }
0xbe: {  	[tilespmem:s9], [sflag:$0x3] =	stream.indirect_vreg.gather [hbm4b:s4+s2], $0x80, v4, vm0, $0xb8;
	[tilespmem:$0x18200] =	vst v63  }
0xbf: {  	_ = 	snop  }
0xc0: {  	[tilespmem:s10], [sflag:$0x3] =	stream.indirect_vreg.gather [hbm4b:s5+s2], $0x80, v4, vm0, $0xb8;
	[tilespmem:$0x18200] =	vst v63  }
0xc1: {  	_ = 	snop  }
0xc2: {  	[tilespmem:s11], [sflag:$0x3] =	stream.indirect_vreg.gather [hbm4b:s4+s2], $0x80, v3, vm0, $0xb8;
	[tilespmem:$0x18200] =	vst v63  }
0xc3: {  	_ = 	snop  }
0xc4: {  	[tilespmem:s22], [sflag:$0x3] =	stream.indirect_vreg.gather [hbm4b:s5+s2], $0x80, v3, vm0, $0xb8;
	[tilespmem:$0x18200] =	vst v63  }
0xc5: {  	v3 =	vld [tilespmem:$0xB0];
	_ =	sdelay $0x4  }
0xc6: {  	v43 =	vshll.u32 v3, $0x2  }
0xc7: {  	v3 =	vand.u32 $0x7, v3;
	v4 =	vand.u32 $0xFFFFFFE0, v43  }
0xc8: {  	v3 =	vor.u32 v3, v4  }
0xc9: {  	v4 =	vperm.xlane v3, v0;
	_ =	sdelay $0x1  }
0xca: {  	v4 =	vadd.s32 v1, v4;
	_ =	sdelay $0x1  }
0xcb: {  	v3 =	vperm.xlane v3, v2;
	_ =	sdelay $0x1  }
0xcc: {  	v3 =	vadd.s32 v1, v3  }
0xcd: {  	[tilespmem:s23], [sflag:$0x3] =	stream.indirect_vreg.gather [hbm4b:s4+s2], $0x80, v4, vm0, $0xb8;
	[tilespmem:$0x18200] =	vst v63  }
0xce: {  	_ = 	snop  }
0xcf: {  	[tilespmem:s25], [sflag:$0x3] =	stream.indirect_vreg.gather [hbm4b:s5+s2], $0x80, v4, vm0, $0xb8;
	[tilespmem:$0x18200] =	vst v63  }
0xd0: {  	_ = 	snop  }
0xd1: {  	[tilespmem:s26], [sflag:$0x3] =	stream.indirect_vreg.gather [hbm4b:s4+s2], $0x80, v3, vm0, $0xb8;
	[tilespmem:$0x18200] =	vst v63  }
0xd2: {  	_ = 	snop  }
0xd3: {  	[tilespmem:s28], [sflag:$0x3] =	stream.indirect_vreg.gather [hbm4b:s5+s2], $0x80, v3, vm0, $0xb8;
	[tilespmem:$0x18200] =	vst v63  }
0xd4: {  	_ =	swait.ge [sflag:s16], $0x8000  }
0xd5: {  	[sflag:s16] =	ssyncset.done $0x0  }
0xd6: {  	s21 =	rddreg [dreg:$0x5];
	[sflag:s16] =	ssyncadd.s32 $0xFFFF8000  }
0xd7: {  	[hbm4b:s21+s2] =	stream.linear.scatter [tilespmem:s29], [sflag:$0x5], $0x8000, $0x38;
	[tilespmem:$0x18200] =	vst v63  }
0xd8: {  	_ =	swait.ge [sflag:s17], $0x8000  }
0xd9: {  	[sflag:s17] =	ssyncset.done $0x0  }
0xda: {  	[sflag:s17] =	ssyncadd.s32 $0xFFFF8000  }
0xdb: {  	v3 =	vld [tilespmem:$0xC0];
	_ =	sdelay $0x4  }
0xdc: {  	v44 =	vshll.u32 v3, $0x2  }
0xdd: {  	v3 =	vand.u32 $0x7, v3;
	v4 =	vand.u32 $0xFFFFFFE0, v44  }
0xde: {  	v3 =	vor.u32 v3, v4  }
0xdf: {  	v4 =	vperm.xlane v3, v0;
	_ =	sdelay $0x1  }
0xe0: {  	v4 =	vadd.s32 v1, v4;
	_ =	sdelay $0x1  }
0xe1: {  	v3 =	vperm.xlane v3, v2;
	_ =	sdelay $0x1  }
0xe2: {  	v3 =	vadd.s32 v1, v3  }
0xe3: {  	[tilespmem:s0], [sflag:$0x1] =	stream.indirect_vreg.gather [hbm4b:s4+s2], $0x80, v4, vm0, $0xb8;
	[tilespmem:$0x18200] =	vst v63  }
0xe4: {  	s21 =	simm.s32 $0xA00  }
0xe5: {  	[tilespmem:s21], [sflag:$0x1] =	stream.indirect_vreg.gather [hbm4b:s5+s2], $0x80, v4, vm0, $0xb8;
	[tilespmem:$0x18200] =	vst v63  }
0xe6: {  	s21 =	simm.s32 $0x1200  }
0xe7: {  	[tilespmem:s21], [sflag:$0x1] =	stream.indirect_vreg.gather [hbm4b:s4+s2], $0x80, v3, vm0, $0xb8;
	[tilespmem:$0x18200] =	vst v63  }
0xe8: {  	s21 =	simm.s32 $0x1A00  }
0xe9: {  	[tilespmem:s21], [sflag:$0x1] =	stream.indirect_vreg.gather [hbm4b:s5+s2], $0x80, v3, vm0, $0xb8;
	[tilespmem:$0x18200] =	vst v63  }
0xea: {  	v3 =	vld [tilespmem:$0xD0];
	_ =	sdelay $0x4  }
0xeb: {  	v45 =	vshll.u32 v3, $0x2  }
0xec: {  	v3 =	vand.u32 $0x7, v3;
	v4 =	vand.u32 $0xFFFFFFE0, v45  }
0xed: {  	v3 =	vor.u32 v3, v4  }
0xee: {  	v4 =	vperm.xlane v3, v0;
	_ =	sdelay $0x1  }
0xef: {  	v4 =	vadd.s32 v1, v4;
	_ =	sdelay $0x1  }
0xf0: {  	v3 =	vperm.xlane v3, v2;
	_ =	sdelay $0x1  }
0xf1: {  	s21 =	simm.s32 $0x2200;
	v3 =	vadd.s32 v1, v3  }
0xf2: {  	[tilespmem:s21], [sflag:$0x1] =	stream.indirect_vreg.gather [hbm4b:s4+s2], $0x80, v4, vm0, $0xb8;
	[tilespmem:$0x18200] =	vst v63  }
0xf3: {  	s21 =	simm.s32 $0x2A00  }
0xf4: {  	[tilespmem:s21], [sflag:$0x1] =	stream.indirect_vreg.gather [hbm4b:s5+s2], $0x80, v4, vm0, $0xb8;
	[tilespmem:$0x18200] =	vst v63  }
0xf5: {  	s21 =	simm.s32 $0x3200  }
0xf6: {  	[tilespmem:s21], [sflag:$0x1] =	stream.indirect_vreg.gather [hbm4b:s4+s2], $0x80, v3, vm0, $0xb8;
	[tilespmem:$0x18200] =	vst v63  }
0xf7: {  	_ = 	snop  }
0xf8: {  	[tilespmem:s30], [sflag:$0x1] =	stream.indirect_vreg.gather [hbm4b:s5+s2], $0x80, v3, vm0, $0xb8;
	[tilespmem:$0x18200] =	vst v63  }
0xf9: {  	v3 =	vld [tilespmem:$0xE0];
	_ =	sdelay $0x4  }
0xfa: {  	v46 =	vshll.u32 v3, $0x2  }
0xfb: {  	v3 =	vand.u32 $0x7, v3;
	v4 =	vand.u32 $0xFFFFFFE0, v46  }
0xfc: {  	v3 =	vor.u32 v3, v4  }
0xfd: {  	v4 =	vperm.xlane v3, v0;
	_ =	sdelay $0x1  }
0xfe: {  	v4 =	vadd.s32 v1, v4;
	_ =	sdelay $0x1  }
0xff: {  	v3 =	vperm.xlane v3, v2;
	_ =	sdelay $0x1  }
0x100: {  	v3 =	vadd.s32 v1, v3  }
0x101: {  	[tilespmem:s31], [sflag:$0x1] =	stream.indirect_vreg.gather [hbm4b:s4+s2], $0x80, v4, vm0, $0xb8;
	[tilespmem:$0x18200] =	vst v63  }
0x102: {  	s21 =	simm.s32 $0x4A00  }
0x103: {  	[tilespmem:s21], [sflag:$0x1] =	stream.indirect_vreg.gather [hbm4b:s5+s2], $0x80, v4, vm0, $0xb8;
	[tilespmem:$0x18200] =	vst v63  }
0x104: {  	s21 =	simm.s32 $0x5200  }
0x105: {  	[tilespmem:s21], [sflag:$0x1] =	stream.indirect_vreg.gather [hbm4b:s4+s2], $0x80, v3, vm0, $0xb8;
	[tilespmem:$0x18200] =	vst v63  }
0x106: {  	s21 =	simm.s32 $0x5A00  }
0x107: {  	[tilespmem:s21], [sflag:$0x1] =	stream.indirect_vreg.gather [hbm4b:s5+s2], $0x80, v3, vm0, $0xb8;
	[tilespmem:$0x18200] =	vst v63  }
0x108: {  	v3 =	vld [tilespmem:$0xF0];
	_ =	sdelay $0x4  }
0x109: {  	v47 =	vshll.u32 v3, $0x2  }
0x10a: {  	v3 =	vand.u32 $0x7, v3;
	v4 =	vand.u32 $0xFFFFFFE0, v47  }
0x10b: {  	v3 =	vor.u32 v3, v4  }
0x10c: {  	v4 =	vperm.xlane v3, v0;
	_ =	sdelay $0x1  }
0x10d: {  	v4 =	vadd.s32 v1, v4;
	_ =	sdelay $0x1  }
0x10e: {  	v3 =	vperm.xlane v3, v2;
	_ =	sdelay $0x1  }
0x10f: {  	s21 =	simm.s32 $0x6200;
	v3 =	vadd.s32 v1, v3  }
0x110: {  	[tilespmem:s21], [sflag:$0x1] =	stream.indirect_vreg.gather [hbm4b:s4+s2], $0x80, v4, vm0, $0xb8;
	[tilespmem:$0x18200] =	vst v63  }
0x111: {  	s21 =	simm.s32 $0x6A00  }
0x112: {  	[tilespmem:s21], [sflag:$0x1] =	stream.indirect_vreg.gather [hbm4b:s5+s2], $0x80, v4, vm0, $0xb8;
	[tilespmem:$0x18200] =	vst v63  }
0x113: {  	s21 =	simm.s32 $0x7200  }
0x114: {  	[tilespmem:s21], [sflag:$0x1] =	stream.indirect_vreg.gather [hbm4b:s4+s2], $0x80, v3, vm0, $0xb8;
	[tilespmem:$0x18200] =	vst v63  }
0x115: {  	s21 =	simm.s32 $0x7A00  }
0x116: {  	[tilespmem:s21], [sflag:$0x1] =	stream.indirect_vreg.gather [hbm4b:s5+s2], $0x80, v3, vm0, $0xb8;
	[tilespmem:$0x18200] =	vst v63  }
0x117: {  	_ =	swait.ge [sflag:s18], $0x8000  }
0x118: {  	[sflag:s18] =	ssyncset.done $0x0  }
0x119: {  	s21 =	rddreg [dreg:$0x6];
	[sflag:s18] =	ssyncadd.s32 $0xFFFF8000  }
0x11a: {  	[hbm4b:s21+s2] =	stream.linear.scatter [tilespmem:s8], [sflag:$0x6], $0x8000, $0x38;
	[tilespmem:$0x18200] =	vst v63  }
0x11b: {  	_ =	swait.ge [sflag:s19], $0x8000  }
0x11c: {  	[sflag:s19] =	ssyncset.done $0x0  }
0x11d: {  	[sflag:s19] =	ssyncadd.s32 $0xFFFF8000  }
0x11e: {  	v3 =	vld [tilespmem:$0x100];
	_ =	sdelay $0x4  }
0x11f: {  	v48 =	vshll.u32 v3, $0x2  }
0x120: {  	v3 =	vand.u32 $0x7, v3;
	v4 =	vand.u32 $0xFFFFFFE0, v48  }
0x121: {  	v3 =	vor.u32 v3, v4  }
0x122: {  	v4 =	vperm.xlane v3, v0;
	_ =	sdelay $0x1  }
0x123: {  	v4 =	vadd.s32 v1, v4;
	_ =	sdelay $0x1  }
0x124: {  	v3 =	vperm.xlane v3, v2;
	_ =	sdelay $0x1  }
0x125: {  	v3 =	vadd.s32 v1, v3  }
0x126: {  	[tilespmem:s29], [sflag:$0x2] =	stream.indirect_vreg.gather [hbm4b:s4+s2], $0x80, v4, vm0, $0xb8;
	[tilespmem:$0x18200] =	vst v63  }
0x127: {  	s21 =	simm.s32 $0x8A00  }
0x128: {  	[tilespmem:s21], [sflag:$0x2] =	stream.indirect_vreg.gather [hbm4b:s5+s2], $0x80, v4, vm0, $0xb8;
	[tilespmem:$0x18200] =	vst v63  }
0x129: {  	s21 =	simm.s32 $0x9200  }
0x12a: {  	[tilespmem:s21], [sflag:$0x2] =	stream.indirect_vreg.gather [hbm4b:s4+s2], $0x80, v3, vm0, $0xb8;
	[tilespmem:$0x18200] =	vst v63  }
0x12b: {  	s21 =	simm.s32 $0x9A00  }
0x12c: {  	[tilespmem:s21], [sflag:$0x2] =	stream.indirect_vreg.gather [hbm4b:s5+s2], $0x80, v3, vm0, $0xb8;
	[tilespmem:$0x18200] =	vst v63  }
0x12d: {  	v3 =	vld [tilespmem:$0x110];
	_ =	sdelay $0x4  }
0x12e: {  	v49 =	vshll.u32 v3, $0x2  }
0x12f: {  	v3 =	vand.u32 $0x7, v3;
	v4 =	vand.u32 $0xFFFFFFE0, v49  }
0x130: {  	v3 =	vor.u32 v3, v4  }
0x131: {  	v4 =	vperm.xlane v3, v0;
	_ =	sdelay $0x1  }
0x132: {  	v4 =	vadd.s32 v1, v4;
	_ =	sdelay $0x1  }
0x133: {  	v3 =	vperm.xlane v3, v2;
	_ =	sdelay $0x1  }
0x134: {  	s21 =	simm.s32 $0xA200;
	v3 =	vadd.s32 v1, v3  }
0x135: {  	[tilespmem:s21], [sflag:$0x2] =	stream.indirect_vreg.gather [hbm4b:s4+s2], $0x80, v4, vm0, $0xb8;
	[tilespmem:$0x18200] =	vst v63  }
0x136: {  	s21 =	simm.s32 $0xAA00  }
0x137: {  	[tilespmem:s21], [sflag:$0x2] =	stream.indirect_vreg.gather [hbm4b:s5+s2], $0x80, v4, vm0, $0xb8;
	[tilespmem:$0x18200] =	vst v63  }
0x138: {  	s21 =	simm.s32 $0xB200  }
0x139: {  	[tilespmem:s21], [sflag:$0x2] =	stream.indirect_vreg.gather [hbm4b:s4+s2], $0x80, v3, vm0, $0xb8;
	[tilespmem:$0x18200] =	vst v63  }
0x13a: {  	s21 =	simm.s32 $0xBA00  }
0x13b: {  	[tilespmem:s21], [sflag:$0x2] =	stream.indirect_vreg.gather [hbm4b:s5+s2], $0x80, v3, vm0, $0xb8;
	[tilespmem:$0x18200] =	vst v63  }
0x13c: {  	v3 =	vld [tilespmem:$0x120];
	_ =	sdelay $0x4  }
0x13d: {  	v50 =	vshll.u32 v3, $0x2  }
0x13e: {  	v3 =	vand.u32 $0x7, v3;
	v4 =	vand.u32 $0xFFFFFFE0, v50  }
0x13f: {  	v3 =	vor.u32 v3, v4  }
0x140: {  	v4 =	vperm.xlane v3, v0;
	_ =	sdelay $0x1  }
0x141: {  	v4 =	vadd.s32 v1, v4;
	_ =	sdelay $0x1  }
0x142: {  	v3 =	vperm.xlane v3, v2;
	_ =	sdelay $0x1  }
0x143: {  	s21 =	simm.s32 $0xC200;
	v3 =	vadd.s32 v1, v3  }
0x144: {  	[tilespmem:s21], [sflag:$0x2] =	stream.indirect_vreg.gather [hbm4b:s4+s2], $0x80, v4, vm0, $0xb8;
	[tilespmem:$0x18200] =	vst v63  }
0x145: {  	s21 =	simm.s32 $0xCA00  }
0x146: {  	[tilespmem:s21], [sflag:$0x2] =	stream.indirect_vreg.gather [hbm4b:s5+s2], $0x80, v4, vm0, $0xb8;
	[tilespmem:$0x18200] =	vst v63  }
0x147: {  	s21 =	simm.s32 $0xD200  }
0x148: {  	[tilespmem:s21], [sflag:$0x2] =	stream.indirect_vreg.gather [hbm4b:s4+s2], $0x80, v3, vm0, $0xb8;
	[tilespmem:$0x18200] =	vst v63  }
0x149: {  	s21 =	simm.s32 $0xDA00  }
0x14a: {  	[tilespmem:s21], [sflag:$0x2] =	stream.indirect_vreg.gather [hbm4b:s5+s2], $0x80, v3, vm0, $0xb8;
	[tilespmem:$0x18200] =	vst v63  }
0x14b: {  	v3 =	vld [tilespmem:$0x130];
	_ =	sdelay $0x4  }
0x14c: {  	v51 =	vshll.u32 v3, $0x2  }
0x14d: {  	v3 =	vand.u32 $0x7, v3;
	v4 =	vand.u32 $0xFFFFFFE0, v51  }
0x14e: {  	v3 =	vor.u32 v3, v4  }
0x14f: {  	v4 =	vperm.xlane v3, v0;
	_ =	sdelay $0x1  }
0x150: {  	v4 =	vadd.s32 v1, v4;
	_ =	sdelay $0x1  }
0x151: {  	v3 =	vperm.xlane v3, v2;
	_ =	sdelay $0x1  }
0x152: {  	s21 =	simm.s32 $0xE200;
	v3 =	vadd.s32 v1, v3  }
0x153: {  	[tilespmem:s21], [sflag:$0x2] =	stream.indirect_vreg.gather [hbm4b:s4+s2], $0x80, v4, vm0, $0xb8;
	[tilespmem:$0x18200] =	vst v63  }
0x154: {  	s21 =	simm.s32 $0xEA00  }
0x155: {  	[tilespmem:s21], [sflag:$0x2] =	stream.indirect_vreg.gather [hbm4b:s5+s2], $0x80, v4, vm0, $0xb8;
	[tilespmem:$0x18200] =	vst v63  }
0x156: {  	s21 =	simm.s32 $0xF200  }
0x157: {  	[tilespmem:s21], [sflag:$0x2] =	stream.indirect_vreg.gather [hbm4b:s4+s2], $0x80, v3, vm0, $0xb8;
	[tilespmem:$0x18200] =	vst v63  }
0x158: {  	s21 =	simm.s32 $0xFA00  }
0x159: {  	[tilespmem:s21], [sflag:$0x2] =	stream.indirect_vreg.gather [hbm4b:s5+s2], $0x80, v3, vm0, $0xb8;
	[tilespmem:$0x18200] =	vst v63  }
0x15a: {  	_ =	swait.ge [sflag:s14], $0x8000  }
0x15b: {  	[sflag:s14] =	ssyncset.done $0x0  }
0x15c: {  	s21 =	rddreg [dreg:$0x7];
	[sflag:s14] =	ssyncadd.s32 $0xFFFF8000  }
0x15d: {  	[hbm4b:s21+s2] =	stream.linear.scatter [tilespmem:s0], [sflag:$0x4], $0x8000, $0x38;
	[tilespmem:$0x18200] =	vst v63  }
0x15e: {  	_ =	swait.ge [sflag:s20], $0x8000  }
0x15f: {  	[sflag:s20] =	ssyncset.done $0x0  }
0x160: {  	[sflag:s20] =	ssyncadd.s32 $0xFFFF8000  }
0x161: {  	v3 =	vld [tilespmem:$0x140];
	_ =	sdelay $0x4  }
0x162: {  	v52 =	vshll.u32 v3, $0x2  }
0x163: {  	v3 =	vand.u32 $0x7, v3;
	v4 =	vand.u32 $0xFFFFFFE0, v52  }
0x164: {  	v3 =	vor.u32 v3, v4  }
0x165: {  	v4 =	vperm.xlane v3, v0;
	_ =	sdelay $0x1  }
0x166: {  	v4 =	vadd.s32 v1, v4;
	_ =	sdelay $0x1  }
0x167: {  	v3 =	vperm.xlane v3, v2;
	_ =	sdelay $0x1  }
0x168: {  	v3 =	vadd.s32 v1, v3  }
0x169: {  	[tilespmem:s8], [sflag:$0x3] =	stream.indirect_vreg.gather [hbm4b:s4+s2], $0x80, v4, vm0, $0xb8;
	[tilespmem:$0x18200] =	vst v63  }
0x16a: {  	_ = 	snop  }
0x16b: {  	[tilespmem:s12], [sflag:$0x3] =	stream.indirect_vreg.gather [hbm4b:s5+s2], $0x80, v4, vm0, $0xb8;
	[tilespmem:$0x18200] =	vst v63  }
0x16c: {  	_ = 	snop  }
0x16d: {  	[tilespmem:s13], [sflag:$0x3] =	stream.indirect_vreg.gather [hbm4b:s4+s2], $0x80, v3, vm0, $0xb8;
	[tilespmem:$0x18200] =	vst v63  }
0x16e: {  	_ = 	snop  }
0x16f: {  	[tilespmem:s15], [sflag:$0x3] =	stream.indirect_vreg.gather [hbm4b:s5+s2], $0x80, v3, vm0, $0xb8;
	[tilespmem:$0x18200] =	vst v63  }
0x170: {  	v3 =	vld [tilespmem:$0x150];
	_ =	sdelay $0x4  }
0x171: {  	v53 =	vshll.u32 v3, $0x2  }
0x172: {  	v3 =	vand.u32 $0x7, v3;
	v4 =	vand.u32 $0xFFFFFFE0, v53  }
0x173: {  	v3 =	vor.u32 v3, v4  }
0x174: {  	v4 =	vperm.xlane v3, v0;
	_ =	sdelay $0x1  }
0x175: {  	v4 =	vadd.s32 v1, v4;
	_ =	sdelay $0x1  }
0x176: {  	v3 =	vperm.xlane v3, v2;
	_ =	sdelay $0x1  }
0x177: {  	v3 =	vadd.s32 v1, v3  }
0x178: {  	[tilespmem:s24], [sflag:$0x3] =	stream.indirect_vreg.gather [hbm4b:s4+s2], $0x80, v4, vm0, $0xb8;
	[tilespmem:$0x18200] =	vst v63  }
0x179: {  	_ = 	snop  }
0x17a: {  	[tilespmem:s1], [sflag:$0x3] =	stream.indirect_vreg.gather [hbm4b:s5+s2], $0x80, v4, vm0, $0xb8;
	[tilespmem:$0x18200] =	vst v63  }
0x17b: {  	_ = 	snop  }
0x17c: {  	[tilespmem:s3], [sflag:$0x3] =	stream.indirect_vreg.gather [hbm4b:s4+s2], $0x80, v3, vm0, $0xb8;
	[tilespmem:$0x18200] =	vst v63  }
0x17d: {  	_ = 	snop  }
0x17e: {  	[tilespmem:s7], [sflag:$0x3] =	stream.indirect_vreg.gather [hbm4b:s5+s2], $0x80, v3, vm0, $0xb8;
	[tilespmem:$0x18200] =	vst v63  }
0x17f: {  	v3 =	vld [tilespmem:$0x160];
	_ =	sdelay $0x4  }
0x180: {  	v54 =	vshll.u32 v3, $0x2  }
0x181: {  	v3 =	vand.u32 $0x7, v3;
	v4 =	vand.u32 $0xFFFFFFE0, v54  }
0x182: {  	v3 =	vor.u32 v3, v4  }
0x183: {  	v4 =	vperm.xlane v3, v0;
	_ =	sdelay $0x1  }
0x184: {  	v4 =	vadd.s32 v1, v4;
	_ =	sdelay $0x1  }
0x185: {  	v3 =	vperm.xlane v3, v2;
	_ =	sdelay $0x1  }
0x186: {  	v3 =	vadd.s32 v1, v3  }
0x187: {  	[tilespmem:s9], [sflag:$0x3] =	stream.indirect_vreg.gather [hbm4b:s4+s2], $0x80, v4, vm0, $0xb8;
	[tilespmem:$0x18200] =	vst v63  }
0x188: {  	_ = 	snop  }
0x189: {  	[tilespmem:s10], [sflag:$0x3] =	stream.indirect_vreg.gather [hbm4b:s5+s2], $0x80, v4, vm0, $0xb8;
	[tilespmem:$0x18200] =	vst v63  }
0x18a: {  	_ = 	snop  }
0x18b: {  	[tilespmem:s11], [sflag:$0x3] =	stream.indirect_vreg.gather [hbm4b:s4+s2], $0x80, v3, vm0, $0xb8;
	[tilespmem:$0x18200] =	vst v63  }
0x18c: {  	_ = 	snop  }
0x18d: {  	[tilespmem:s22], [sflag:$0x3] =	stream.indirect_vreg.gather [hbm4b:s5+s2], $0x80, v3, vm0, $0xb8;
	[tilespmem:$0x18200] =	vst v63  }
0x18e: {  	v3 =	vld [tilespmem:$0x170];
	_ =	sdelay $0x4  }
0x18f: {  	v55 =	vshll.u32 v3, $0x2  }
0x190: {  	v3 =	vand.u32 $0x7, v3;
	v4 =	vand.u32 $0xFFFFFFE0, v55  }
0x191: {  	v3 =	vor.u32 v3, v4  }
0x192: {  	v4 =	vperm.xlane v3, v0;
	_ =	sdelay $0x1  }
0x193: {  	v4 =	vadd.s32 v1, v4;
	_ =	sdelay $0x1  }
0x194: {  	v3 =	vperm.xlane v3, v2;
	_ =	sdelay $0x1  }
0x195: {  	v3 =	vadd.s32 v1, v3  }
0x196: {  	[tilespmem:s23], [sflag:$0x3] =	stream.indirect_vreg.gather [hbm4b:s4+s2], $0x80, v4, vm0, $0xb8;
	[tilespmem:$0x18200] =	vst v63  }
0x197: {  	_ = 	snop  }
0x198: {  	[tilespmem:s25], [sflag:$0x3] =	stream.indirect_vreg.gather [hbm4b:s5+s2], $0x80, v4, vm0, $0xb8;
	[tilespmem:$0x18200] =	vst v63  }
0x199: {  	_ = 	snop  }
0x19a: {  	[tilespmem:s26], [sflag:$0x3] =	stream.indirect_vreg.gather [hbm4b:s4+s2], $0x80, v3, vm0, $0xb8;
	[tilespmem:$0x18200] =	vst v63  }
0x19b: {  	_ = 	snop  }
0x19c: {  	[tilespmem:s28], [sflag:$0x3] =	stream.indirect_vreg.gather [hbm4b:s5+s2], $0x80, v3, vm0, $0xb8;
	[tilespmem:$0x18200] =	vst v63  }
0x19d: {  	_ =	swait.ge [sflag:s16], $0x8000  }
0x19e: {  	[sflag:s16] =	ssyncset.done $0x0  }
0x19f: {  	s1 =	rddreg [dreg:$0x8];
	[sflag:s16] =	ssyncadd.s32 $0xFFFF8000  }
0x1a0: {  	[hbm4b:s1+s2] =	stream.linear.scatter [tilespmem:s29], [sflag:$0x5], $0x8000, $0x38;
	[tilespmem:$0x18200] =	vst v63  }
0x1a1: {  	_ =	swait.ge [sflag:s17], $0x8000  }
0x1a2: {  	[sflag:s17] =	ssyncset.done $0x0  }
0x1a3: {  	[sflag:s17] =	ssyncadd.s32 $0xFFFF8000  }
0x1a4: {  	v3 =	vld [tilespmem:$0x180];
	_ =	sdelay $0x4  }
0x1a5: {  	v56 =	vshll.u32 v3, $0x2  }
0x1a6: {  	v3 =	vand.u32 $0x7, v3;
	v4 =	vand.u32 $0xFFFFFFE0, v56  }
0x1a7: {  	v3 =	vor.u32 v3, v4  }
0x1a8: {  	v4 =	vperm.xlane v3, v0;
	_ =	sdelay $0x1  }
0x1a9: {  	v4 =	vadd.s32 v1, v4;
	_ =	sdelay $0x1  }
0x1aa: {  	v3 =	vperm.xlane v3, v2;
	_ =	sdelay $0x1  }
0x1ab: {  	v3 =	vadd.s32 v1, v3  }
0x1ac: {  	[tilespmem:s0], [sflag:$0x1] =	stream.indirect_vreg.gather [hbm4b:s4+s2], $0x80, v4, vm0, $0xb8;
	[tilespmem:$0x18200] =	vst v63  }
0x1ad: {  	s21 =	simm.s32 $0xA00  }
0x1ae: {  	[tilespmem:s21], [sflag:$0x1] =	stream.indirect_vreg.gather [hbm4b:s5+s2], $0x80, v4, vm0, $0xb8;
	[tilespmem:$0x18200] =	vst v63  }
0x1af: {  	s21 =	simm.s32 $0x1200  }
0x1b0: {  	[tilespmem:s21], [sflag:$0x1] =	stream.indirect_vreg.gather [hbm4b:s4+s2], $0x80, v3, vm0, $0xb8;
	[tilespmem:$0x18200] =	vst v63  }
0x1b1: {  	s21 =	simm.s32 $0x1A00  }
0x1b2: {  	[tilespmem:s21], [sflag:$0x1] =	stream.indirect_vreg.gather [hbm4b:s5+s2], $0x80, v3, vm0, $0xb8;
	[tilespmem:$0x18200] =	vst v63  }
0x1b3: {  	v3 =	vld [tilespmem:$0x190];
	_ =	sdelay $0x4  }
0x1b4: {  	v57 =	vshll.u32 v3, $0x2  }
0x1b5: {  	v3 =	vand.u32 $0x7, v3;
	v4 =	vand.u32 $0xFFFFFFE0, v57  }
0x1b6: {  	v3 =	vor.u32 v3, v4  }
0x1b7: {  	v4 =	vperm.xlane v3, v0;
	_ =	sdelay $0x1  }
0x1b8: {  	v4 =	vadd.s32 v1, v4;
	_ =	sdelay $0x1  }
0x1b9: {  	v3 =	vperm.xlane v3, v2;
	_ =	sdelay $0x1  }
0x1ba: {  	s21 =	simm.s32 $0x2200;
	v3 =	vadd.s32 v1, v3  }
0x1bb: {  	[tilespmem:s21], [sflag:$0x1] =	stream.indirect_vreg.gather [hbm4b:s4+s2], $0x80, v4, vm0, $0xb8;
	[tilespmem:$0x18200] =	vst v63  }
0x1bc: {  	s21 =	simm.s32 $0x2A00  }
0x1bd: {  	[tilespmem:s21], [sflag:$0x1] =	stream.indirect_vreg.gather [hbm4b:s5+s2], $0x80, v4, vm0, $0xb8;
	[tilespmem:$0x18200] =	vst v63  }
0x1be: {  	s21 =	simm.s32 $0x3200  }
0x1bf: {  	[tilespmem:s21], [sflag:$0x1] =	stream.indirect_vreg.gather [hbm4b:s4+s2], $0x80, v3, vm0, $0xb8;
	[tilespmem:$0x18200] =	vst v63  }
0x1c0: {  	_ = 	snop  }
0x1c1: {  	[tilespmem:s30], [sflag:$0x1] =	stream.indirect_vreg.gather [hbm4b:s5+s2], $0x80, v3, vm0, $0xb8;
	[tilespmem:$0x18200] =	vst v63  }
0x1c2: {  	v3 =	vld [tilespmem:$0x1A0];
	_ =	sdelay $0x4  }
0x1c3: {  	v58 =	vshll.u32 v3, $0x2  }
0x1c4: {  	v3 =	vand.u32 $0x7, v3;
	v4 =	vand.u32 $0xFFFFFFE0, v58  }
0x1c5: {  	v3 =	vor.u32 v3, v4  }
0x1c6: {  	v4 =	vperm.xlane v3, v0;
	_ =	sdelay $0x1  }
0x1c7: {  	v4 =	vadd.s32 v1, v4;
	_ =	sdelay $0x1  }
0x1c8: {  	v3 =	vperm.xlane v3, v2;
	_ =	sdelay $0x1  }
0x1c9: {  	v3 =	vadd.s32 v1, v3  }
0x1ca: {  	[tilespmem:s31], [sflag:$0x1] =	stream.indirect_vreg.gather [hbm4b:s4+s2], $0x80, v4, vm0, $0xb8;
	[tilespmem:$0x18200] =	vst v63  }
0x1cb: {  	s21 =	simm.s32 $0x4A00  }
0x1cc: {  	[tilespmem:s21], [sflag:$0x1] =	stream.indirect_vreg.gather [hbm4b:s5+s2], $0x80, v4, vm0, $0xb8;
	[tilespmem:$0x18200] =	vst v63  }
0x1cd: {  	s21 =	simm.s32 $0x5200  }
0x1ce: {  	[tilespmem:s21], [sflag:$0x1] =	stream.indirect_vreg.gather [hbm4b:s4+s2], $0x80, v3, vm0, $0xb8;
	[tilespmem:$0x18200] =	vst v63  }
0x1cf: {  	s21 =	simm.s32 $0x5A00  }
0x1d0: {  	[tilespmem:s21], [sflag:$0x1] =	stream.indirect_vreg.gather [hbm4b:s5+s2], $0x80, v3, vm0, $0xb8;
	[tilespmem:$0x18200] =	vst v63  }
0x1d1: {  	v3 =	vld [tilespmem:$0x1B0];
	_ =	sdelay $0x4  }
0x1d2: {  	v59 =	vshll.u32 v3, $0x2  }
0x1d3: {  	v3 =	vand.u32 $0x7, v3;
	v4 =	vand.u32 $0xFFFFFFE0, v59  }
0x1d4: {  	v3 =	vor.u32 v3, v4  }
0x1d5: {  	v4 =	vperm.xlane v3, v0;
	_ =	sdelay $0x1  }
0x1d6: {  	v4 =	vadd.s32 v1, v4;
	_ =	sdelay $0x1  }
0x1d7: {  	v3 =	vperm.xlane v3, v2;
	_ =	sdelay $0x1  }
0x1d8: {  	s21 =	simm.s32 $0x6200;
	v3 =	vadd.s32 v1, v3  }
0x1d9: {  	[tilespmem:s21], [sflag:$0x1] =	stream.indirect_vreg.gather [hbm4b:s4+s2], $0x80, v4, vm0, $0xb8;
	[tilespmem:$0x18200] =	vst v63  }
0x1da: {  	s21 =	simm.s32 $0x6A00  }
0x1db: {  	[tilespmem:s21], [sflag:$0x1] =	stream.indirect_vreg.gather [hbm4b:s5+s2], $0x80, v4, vm0, $0xb8;
	[tilespmem:$0x18200] =	vst v63  }
0x1dc: {  	s21 =	simm.s32 $0x7200  }
0x1dd: {  	[tilespmem:s21], [sflag:$0x1] =	stream.indirect_vreg.gather [hbm4b:s4+s2], $0x80, v3, vm0, $0xb8;
	[tilespmem:$0x18200] =	vst v63  }
0x1de: {  	s21 =	simm.s32 $0x7A00  }
0x1df: {  	[tilespmem:s21], [sflag:$0x1] =	stream.indirect_vreg.gather [hbm4b:s5+s2], $0x80, v3, vm0, $0xb8;
	[tilespmem:$0x18200] =	vst v63  }
0x1e0: {  	_ =	swait.ge [sflag:s18], $0x8000  }
0x1e1: {  	[sflag:s18] =	ssyncset.done $0x0  }
0x1e2: {  	s1 =	rddreg [dreg:$0x9];
	[sflag:s18] =	ssyncadd.s32 $0xFFFF8000  }
0x1e3: {  	[hbm4b:s1+s2] =	stream.linear.scatter [tilespmem:s8], [sflag:$0x6], $0x8000, $0x38;
	[tilespmem:$0x18200] =	vst v63  }
0x1e4: {  	_ =	swait.ge [sflag:s19], $0x8000  }
0x1e5: {  	[sflag:s19] =	ssyncset.done $0x0  }
0x1e6: {  	[sflag:s19] =	ssyncadd.s32 $0xFFFF8000  }
0x1e7: {  	v3 =	vld [tilespmem:$0x1C0];
	_ =	sdelay $0x4  }
0x1e8: {  	v60 =	vshll.u32 v3, $0x2  }
0x1e9: {  	v3 =	vand.u32 $0x7, v3;
	v4 =	vand.u32 $0xFFFFFFE0, v60  }
0x1ea: {  	v3 =	vor.u32 v3, v4  }
0x1eb: {  	v4 =	vperm.xlane v3, v0;
	_ =	sdelay $0x1  }
0x1ec: {  	v4 =	vadd.s32 v1, v4;
	_ =	sdelay $0x1  }
0x1ed: {  	v3 =	vperm.xlane v3, v2;
	_ =	sdelay $0x1  }
0x1ee: {  	v3 =	vadd.s32 v1, v3  }
0x1ef: {  	[tilespmem:s29], [sflag:$0x2] =	stream.indirect_vreg.gather [hbm4b:s4+s2], $0x80, v4, vm0, $0xb8;
	[tilespmem:$0x18200] =	vst v63  }
0x1f0: {  	s21 =	simm.s32 $0x8A00  }
0x1f1: {  	[tilespmem:s21], [sflag:$0x2] =	stream.indirect_vreg.gather [hbm4b:s5+s2], $0x80, v4, vm0, $0xb8;
	[tilespmem:$0x18200] =	vst v63  }
0x1f2: {  	s21 =	simm.s32 $0x9200  }
0x1f3: {  	[tilespmem:s21], [sflag:$0x2] =	stream.indirect_vreg.gather [hbm4b:s4+s2], $0x80, v3, vm0, $0xb8;
	[tilespmem:$0x18200] =	vst v63  }
0x1f4: {  	s21 =	simm.s32 $0x9A00  }
0x1f5: {  	[tilespmem:s21], [sflag:$0x2] =	stream.indirect_vreg.gather [hbm4b:s5+s2], $0x80, v3, vm0, $0xb8;
	[tilespmem:$0x18200] =	vst v63  }
0x1f6: {  	v3 =	vld [tilespmem:$0x1D0];
	_ =	sdelay $0x4  }
0x1f7: {  	v61 =	vshll.u32 v3, $0x2  }
0x1f8: {  	v3 =	vand.u32 $0x7, v3;
	v4 =	vand.u32 $0xFFFFFFE0, v61  }
0x1f9: {  	v3 =	vor.u32 v3, v4  }
0x1fa: {  	v4 =	vperm.xlane v3, v0;
	_ =	sdelay $0x1  }
0x1fb: {  	v4 =	vadd.s32 v1, v4;
	_ =	sdelay $0x1  }
0x1fc: {  	v3 =	vperm.xlane v3, v2;
	_ =	sdelay $0x1  }
0x1fd: {  	s21 =	simm.s32 $0xA200;
	v3 =	vadd.s32 v1, v3  }
0x1fe: {  	[tilespmem:s21], [sflag:$0x2] =	stream.indirect_vreg.gather [hbm4b:s4+s2], $0x80, v4, vm0, $0xb8;
	[tilespmem:$0x18200] =	vst v63  }
0x1ff: {  	s21 =	simm.s32 $0xAA00  }
0x200: {  	[tilespmem:s21], [sflag:$0x2] =	stream.indirect_vreg.gather [hbm4b:s5+s2], $0x80, v4, vm0, $0xb8;
	[tilespmem:$0x18200] =	vst v63  }
0x201: {  	s21 =	simm.s32 $0xB200  }
0x202: {  	[tilespmem:s21], [sflag:$0x2] =	stream.indirect_vreg.gather [hbm4b:s4+s2], $0x80, v3, vm0, $0xb8;
	[tilespmem:$0x18200] =	vst v63  }
0x203: {  	s21 =	simm.s32 $0xBA00  }
0x204: {  	[tilespmem:s21], [sflag:$0x2] =	stream.indirect_vreg.gather [hbm4b:s5+s2], $0x80, v3, vm0, $0xb8;
	[tilespmem:$0x18200] =	vst v63  }
0x205: {  	v3 =	vld [tilespmem:$0x1E0];
	_ =	sdelay $0x4  }
0x206: {  	v62 =	vshll.u32 v3, $0x2  }
0x207: {  	v3 =	vand.u32 $0x7, v3;
	v4 =	vand.u32 $0xFFFFFFE0, v62  }
0x208: {  	v3 =	vor.u32 v3, v4  }
0x209: {  	v4 =	vperm.xlane v3, v0;
	_ =	sdelay $0x1  }
0x20a: {  	v4 =	vadd.s32 v1, v4;
	_ =	sdelay $0x1  }
0x20b: {  	v3 =	vperm.xlane v3, v2;
	_ =	sdelay $0x1  }
0x20c: {  	s21 =	simm.s32 $0xC200;
	v3 =	vadd.s32 v1, v3  }
0x20d: {  	[tilespmem:s21], [sflag:$0x2] =	stream.indirect_vreg.gather [hbm4b:s4+s2], $0x80, v4, vm0, $0xb8;
	[tilespmem:$0x18200] =	vst v63  }
0x20e: {  	s21 =	simm.s32 $0xCA00  }
0x20f: {  	[tilespmem:s21], [sflag:$0x2] =	stream.indirect_vreg.gather [hbm4b:s5+s2], $0x80, v4, vm0, $0xb8;
	[tilespmem:$0x18200] =	vst v63  }
0x210: {  	s21 =	simm.s32 $0xD200  }
0x211: {  	[tilespmem:s21], [sflag:$0x2] =	stream.indirect_vreg.gather [hbm4b:s4+s2], $0x80, v3, vm0, $0xb8;
	[tilespmem:$0x18200] =	vst v63  }
0x212: {  	s21 =	simm.s32 $0xDA00  }
0x213: {  	[tilespmem:s21], [sflag:$0x2] =	stream.indirect_vreg.gather [hbm4b:s5+s2], $0x80, v3, vm0, $0xb8;
	[tilespmem:$0x18200] =	vst v63  }
0x214: {  	v3 =	vld [tilespmem:$0x1F0];
	_ =	sdelay $0x4  }
0x215: {  	v63 =	vshll.u32 v3, $0x2  }
0x216: {  	v3 =	vand.u32 $0x7, v3;
	v4 =	vand.u32 $0xFFFFFFE0, v63  }
0x217: {  	v3 =	vor.u32 v3, v4  }
0x218: {  	v4 =	vperm.xlane v3, v0;
	_ =	sdelay $0x1  }
0x219: {  	v4 =	vadd.s32 v1, v4;
	_ =	sdelay $0x1  }
0x21a: {  	v3 =	vperm.xlane v3, v2;
	_ =	sdelay $0x1  }
0x21b: {  	s21 =	simm.s32 $0xE200;
	v3 =	vadd.s32 v1, v3  }
0x21c: {  	[tilespmem:s21], [sflag:$0x2] =	stream.indirect_vreg.gather [hbm4b:s4+s2], $0x80, v4, vm0, $0xb8;
	[tilespmem:$0x18200] =	vst v63  }
0x21d: {  	s21 =	simm.s32 $0xEA00  }
0x21e: {  	[tilespmem:s21], [sflag:$0x2] =	stream.indirect_vreg.gather [hbm4b:s5+s2], $0x80, v4, vm0, $0xb8;
	[tilespmem:$0x18200] =	vst v63  }
0x21f: {  	s21 =	simm.s32 $0xF200  }
0x220: {  	[tilespmem:s21], [sflag:$0x2] =	stream.indirect_vreg.gather [hbm4b:s4+s2], $0x80, v3, vm0, $0xb8;
	[tilespmem:$0x18200] =	vst v63  }
0x221: {  	s21 =	simm.s32 $0xFA00  }
0x222: {  	[tilespmem:s21], [sflag:$0x2] =	stream.indirect_vreg.gather [hbm4b:s5+s2], $0x80, v3, vm0, $0xb8;
	[tilespmem:$0x18200] =	vst v63  }
0x223: {  	_ =	swait.ge [sflag:s14], $0x8000  }
0x224: {  	[sflag:s14] =	ssyncset.done $0x0  }
0x225: {  	s1 =	rddreg [dreg:$0xa];
	[sflag:s14] =	ssyncadd.s32 $0xFFFF8000  }
0x226: {  	[hbm4b:s1+s2] =	stream.linear.scatter [tilespmem:s0], [sflag:$0x4], $0x8000, $0x38;
	[tilespmem:$0x18200] =	vst v63  }
0x227: {  	_ =	swait.ge [sflag:s16], $0x8000  }
0x228: {  	[sflag:s16] =	ssyncset.done $0x0  }
0x229: {  	s1 =	rddreg [dreg:$0xb];
	[sflag:s16] =	ssyncadd.s32 $0xFFFF8000  }
0x22a: {  	[hbm4b:s1+s2] =	stream.linear.scatter [tilespmem:s29], [sflag:$0x5], $0x8000, $0x38;
	[tilespmem:$0x18200] =	vst v63  }
0x22b: {  	_ =	swait.ge [sflag:s17], $0x8000  }
0x22c: {  	[sflag:s17] =	ssyncset.done $0x0  }
0x22d: {  	[sflag:s17] =	ssyncadd.s32 $0xFFFF8000  }
0x22e: {  	p0 =	sne.s32 s6, $0x1;
	_ =	swait.ge [sflag:s19], $0x8000  }
.Ltmp0:
0x22f: {  	[sflag:s19] =	ssyncset.done $0x0;
	(pc) =	sbr.rel @p0 .LBB2_1-.Ltmp0, $4  }
0x230: {  	[sflag:s19] =	ssyncadd.s32 $0xFFFF8000  }
0x231: {  	_ =	swait.ge [sflag:s20], $0x8000  }
0x232: {  	[sflag:s20] =	ssyncset.done $0x0  }
0x233: {  	s6 =	sadd.s32 $0xFFFFFFFF, s6;
	[sflag:s20] =	ssyncadd.s32 $0xFFFF8000  }
0x234: {  	_ =	sfence.sel $0x180000  }
0x235: {  	[bflag:$0x0] =	sbarrier.arrive $0xFFFF  }
0x236: {  	_ =	strace $0x9000004A  }
0x237: {  	s0 =	stileid.u32;
	[bflag:$0x2] =	sbarrier.arrive $0xFFFF  }
0x238: {  	p0 =	sne.s32 s0, $0x0;
	s0 =	rddreg [dreg:$0x3]  }
0x239: {  	s0 =	sadd.s32 @!p0 $0x100000, s0  }
0x23a: {  	[sflag:s0] =	ssyncadd.tile.s32 @!p0 $0x1;
	_ =	shalt  }
.Lfunc_end2:
_tile_overlayer_lowered:
.L_overlay_start_2:
0x23b: {  	(tag) =	ssettag $0x2  }
0x23c: {  	s0 =	rddreg [dreg:$0x0];
	s2 =	stileid.u32  }
0x23d: {  	s1 =	rddreg [dreg:$0x1];
	p0 =	sne.s32 s2, $0x0  }
0x23e: {  	s3 =	rddreg [dreg:$0x2];
	[bflag:$0x3] =	sbarrier.arrive $0xFFFF;
	s2 =	simm.s32 @!p0 $0x1C07  }
0x23f: {  	[timem:s3], [sflag:s2] =	dma.local @!p0 [hbm:s0], s1  }
0x240: {  	s0 =	simm.s32 @!p0 $0x7  }
0x241: {  	_ =	swait.ge @!p0 [sflag:s0], s1  }
0x242: {  	s1 =	ssub.s32 @!p0 $0x0, s1;
	[sflag:s0] =	ssyncset.done @!p0 $0x0  }
0x243: {  	[sflag:s0] =	ssyncadd.s32 @!p0 s1  }
0x244: {  	[bflag:$0x3] =	sbarrier.arrive $0xFFFF  }
0x245: {  	_ =	shalt  }

</sc_bundles>
